<compile_context>
chip_gen: v7x
topology: tpu7x:2x2x1
jax: 0.10.2.dev20260603
libtpu: 0.0.44.dev20260713+nightly
codegen_flags: <defaults>
</compile_context>

<pallas_src>
import functools

import jax
import jax.numpy as jnp
from jax import lax
from jax.experimental import pallas as pl
from jax.experimental.pallas import tpu as pltpu
from jax.experimental.pallas import tpu_sc as plsc

NC = 2
NS = 16
L = 16


@functools.lru_cache(maxsize=None)
def _build_sc_kernel(B, F, V, D):
    NW = NC * NS
    nrows = B // NW
    npass = 2
    R = nrows // npass
    ng = R * F
    nblk = R // L
    NWB = F + D + 1

    mesh = plsc.VectorSubcoreMesh(core_axis_name="c", subcore_axis_name="s")

    @functools.partial(
        pl.kernel,
        mesh=mesh,
        out_type=jax.ShapeDtypeStruct((B,), jnp.float32),
        scratch_types=[
            pltpu.VMEM((ng,), jnp.int32),
            pltpu.VMEM((ng,), jnp.float32),
            pltpu.VMEM((D * R,), jnp.float32),
            pltpu.VMEM((NWB * L,), jnp.float32),
            pltpu.VMEM((R,), jnp.float32),
            pltpu.SemaphoreType.DMA,
        ],
    )
    def sc_kernel(idxt_hbm, dnst_hbm, tab_hbm, wb_hbm, out_hbm,
                  fidx_v, g_v, dense_v, wb_v, out_v, sem):
        wid = lax.axis_index("s") * NC + lax.axis_index("c")
        pltpu.sync_copy(wb_hbm, wb_v)

        def one_pass(p, carry):
            row0 = wid * nrows + p * R

            q = wid * npass + p
            pltpu.async_copy(idxt_hbm.at[pl.ds(q * ng, ng)], fidx_v, sem)
            pltpu.async_copy(dnst_hbm.at[pl.ds(q * (D * R), D * R)],
                             dense_v, sem)
            pltpu.make_async_copy(idxt_hbm.at[pl.ds(q * ng, ng)],
                                  fidx_v, sem).wait()
            pltpu.make_async_copy(dnst_hbm.at[pl.ds(q * (D * R), D * R)],
                                  dense_v, sem).wait()

            for f in range(F):
                def fire(t, cc, f=f):
                    sl = pl.ds(f * R + t * L, L)
                    idxv = fidx_v[sl] + jnp.int32(f * V)
                    pltpu.async_copy(tab_hbm.at[idxv], g_v.at[sl], sem)
                    return cc

                lax.fori_loop(0, nblk, fire, 0)
            for f in range(F):
                def drain(t, cc, f=f):
                    sl = pl.ds(f * R + t * L, L)
                    idxv = fidx_v[sl] + jnp.int32(f * V)
                    pltpu.make_async_copy(
                        tab_hbm.at[idxv], g_v.at[sl], sem).wait()
                    return cc

                lax.fori_loop(0, nblk, drain, 0)

            def blk(t, cc):
                acc = wb_v[pl.ds((F + D) * L, L)]
                for f in range(F):
                    acc = acc + (g_v[pl.ds(f * R + t * L, L)]
                                 * wb_v[pl.ds(f * L, L)])
                for d in range(D):
                    acc = acc + (dense_v[pl.ds(d * R + t * L, L)]
                                 * wb_v[pl.ds((F + d) * L, L)])
                out_v[pl.ds(t * L, L)] = acc
                return cc

            lax.fori_loop(0, nblk, blk, 0)
            pltpu.sync_copy(out_v, out_hbm.at[pl.ds(row0, R)])
            return carry

        lax.fori_loop(0, npass, one_pass, 0)

    return sc_kernel


def kernel(sparse_idx, dense, emb_tables, fc_w, fc_b):
    B, F = sparse_idx.shape
    V = emb_tables.shape[1]
    D = dense.shape[1]
    tab = jnp.concatenate([emb_tables[f, :, 0] for f in range(F)])
    wb = jnp.concatenate([fc_w.reshape(F + D), fc_b]).astype(jnp.float32)
    wb_splat = jnp.repeat(wb, L)
    NW = NC * NS
    npass = 2
    R = B // NW // npass
    idx_blocked = (sparse_idx.T.reshape(F, NW * npass, R)
                   .transpose(1, 0, 2).reshape(B * F))
    dense_blocked = (dense.T.reshape(D, NW * npass, R)
                     .transpose(1, 0, 2).reshape(B * D))
    out = _build_sc_kernel(B, F, V, D)(
        idx_blocked, dense_blocked, tab, wb_splat)
    return out.reshape(B, 1)

# --- scband reference (transcript-rebuilt; emitter-appended) ---
"""Pipeline reference for scband-weed-7421703487653 (READ-ONLY COPY).

The authoritative reference and input builder live on the scoring server;
editing this copy changes nothing except your own understanding.
"""

import jax, jax.numpy as jnp
import numpy as np

B = 16384
F = 26
V = 1000000
D = 13


def setup_inputs(seed: int = 0) -> dict:
    key = jax.random.key(seed)
    k1, k2, k3, k4 = jax.random.split(key, 4)
    sparse_idx = jax.random.randint(k1, (B, F), 0, V, dtype=jnp.int32)
    dense = jax.random.normal(k2, (B, D), dtype=jnp.float32)
    emb_tables = jax.random.normal(k3, (F, V, 1), dtype=jnp.float32) * 0.01
    fc_w = jax.random.normal(k4, (F + D, 1), dtype=jnp.float32) * 0.05
    fc_b = jnp.zeros((1,), dtype=jnp.float32)
    return {
        'sparse_idx': sparse_idx,
        'dense': dense,
        'emb_tables': emb_tables,
        'fc_w': fc_w,
        'fc_b': fc_b,
    }


def reference(sparse_idx, dense, emb_tables, fc_w, fc_b):
    # EmbeddingLayer: one embedding table per sparse field, embedding_dim=1.
    # Gather: emb_tables[f][sparse_idx[:, f]] for each field f -> [B, F, 1]
    f_ids = jnp.arange(emb_tables.shape[0])
    sparse_emb = emb_tables[f_ids[None, :], sparse_idx]  # [B, F, 1]
    # torch.stack(..., dim=1).flatten(start_dim=1) -> [B, F*1]
    sparse_flat = sparse_emb.reshape(sparse_emb.shape[0], -1)
    # get_linear_input: concat dense features -> [B, D]
    dnn_input = jnp.concatenate([sparse_flat, dense], axis=1)  # [B, F + D]
    out = dnn_input @ fc_w + fc_b  # [B, 1]
    return out

if __name__ == "__main__":
    import jax
    _d = setup_inputs()
    print(jax.jit(kernel)(*tuple(_d.values())))

</pallas_src>

<mosaic_0001>
#map = affine_map<(d0, d1) -> (0)>
module attributes {stable_mosaic.version = 14 : i64} {
  func.func @sc_kernel(%arg0: i32, %arg1: i32, %arg2: memref<425984xi32, #tpu.memory_space<hbm>>, %arg3: memref<212992xf32, #tpu.memory_space<hbm>>, %arg4: memref<26000000xf32, #tpu.memory_space<hbm>>, %arg5: memref<640xf32, #tpu.memory_space<hbm>>, %arg6: memref<16384xf32, #tpu.memory_space<hbm>>, %arg7: memref<6656xi32, #tpu.memory_space<vmem>>, %arg8: memref<6656xf32, #tpu.memory_space<vmem>>, %arg9: memref<3328xf32, #tpu.memory_space<vmem>>, %arg10: memref<640xf32, #tpu.memory_space<vmem>>, %arg11: memref<256xf32, #tpu.memory_space<vmem>>, %arg12: memref<!tpu.dma_semaphore, #tpu.memory_space<semaphore_mem>>) attributes {dimension_semantics = [#tpu.dimension_semantics<core_parallel>, #tpu.dimension_semantics<subcore_parallel>], iteration_bounds = array<i64: 2, 16>, scalar_prefetch = 0 : i64, scratch_operands = 6 : i64, tpu.core_type = #tpu.core_type<sc_vector_subcore>, window_params = [{transform_indices = #map}, {transform_indices = #map}, {transform_indices = #map}, {transform_indices = #map}, {transform_indices = #map}]} {
    %mul3A = arith.constant 2 : i32
    %mul3A_0 = arith.muli %arg1, %mul3A : i32
    %add3A = arith.addi %mul3A_0, %arg0 : i32
    "tpu.region"() ({
      %run_scoped3A = tpu.sem_alloc : memref<!tpu.dma_semaphore, #tpu.memory_space<semaphore_mem>>
      tpu.enqueue_dma source(%arg5 : memref<640xf32, #tpu.memory_space<hbm>>) target(%arg10 : memref<640xf32, #tpu.memory_space<vmem>>) target_semaphore(%run_scoped3A : memref<!tpu.dma_semaphore, #tpu.memory_space<semaphore_mem>>)
      tpu.wait_dma2 semaphore(%run_scoped3A : memref<!tpu.dma_semaphore, #tpu.memory_space<semaphore_mem>>) src(%arg5 : memref<640xf32, #tpu.memory_space<hbm>>) dst(%arg10 : memref<640xf32, #tpu.memory_space<vmem>>)
      tpu.yield
    }) : () -> ()
    %scan3A = arith.constant 0 : i32
    %scan3A_1 = arith.constant 0 : i32
    %scan3A_2 = arith.constant 2 : i32
    %scan3A_3 = arith.addi %scan3A_1, %scan3A_2 : i32
    %scan3A_4 = arith.constant 1 : i32
    scf.for %scan3A_6 = %scan3A_1 to %scan3A_3 step %scan3A_4  : i32 {
      %mul3A_7 = arith.constant 512 : i32
      %mul3A_8 = arith.muli %add3A, %mul3A_7 : i32
      %mul3A_9 = arith.constant 256 : i32
      %mul3A_10 = arith.muli %scan3A_6, %mul3A_9 : i32
      %add3A_11 = arith.addi %mul3A_8, %mul3A_10 : i32
      %mul3A_12 = arith.constant 2 : i32
      %mul3A_13 = arith.muli %add3A, %mul3A_12 : i32
      %add3A_14 = arith.addi %mul3A_13, %scan3A_6 : i32
      %mul3A_15 = arith.constant 6656 : i32
      %mul3A_16 = arith.muli %add3A_14, %mul3A_15 : i32
      %dma_start3A = tpu.memref_slice %arg2[%mul3A_16] : memref<425984xi32, #tpu.memory_space<hbm>> -> memref<6656xi32, #tpu.memory_space<hbm>>
      %dma_start3A_17 = tpu.memref_slice %arg2[%mul3A_16] : memref<425984xi32, #tpu.memory_space<hbm>> -> memref<6656xi32, #tpu.memory_space<hbm>>
      tpu.enqueue_dma source(%dma_start3A_17 : memref<6656xi32, #tpu.memory_space<hbm>>) target(%arg7 : memref<6656xi32, #tpu.memory_space<vmem>>) target_semaphore(%arg12 : memref<!tpu.dma_semaphore, #tpu.memory_space<semaphore_mem>>)
      %mul3A_18 = arith.constant 3328 : i32
      %mul3A_19 = arith.muli %add3A_14, %mul3A_18 : i32
      %dma_start3A_20 = tpu.memref_slice %arg3[%mul3A_19] : memref<212992xf32, #tpu.memory_space<hbm>> -> memref<3328xf32, #tpu.memory_space<hbm>>
      %dma_start3A_21 = tpu.memref_slice %arg3[%mul3A_19] : memref<212992xf32, #tpu.memory_space<hbm>> -> memref<3328xf32, #tpu.memory_space<hbm>>
      tpu.enqueue_dma source(%dma_start3A_21 : memref<3328xf32, #tpu.memory_space<hbm>>) target(%arg9 : memref<3328xf32, #tpu.memory_space<vmem>>) target_semaphore(%arg12 : memref<!tpu.dma_semaphore, #tpu.memory_space<semaphore_mem>>)
      %mul3A_22 = arith.constant 6656 : i32
      %mul3A_23 = arith.muli %add3A_14, %mul3A_22 : i32
      %dma_wait3A = tpu.memref_slice %arg2[%mul3A_23] : memref<425984xi32, #tpu.memory_space<hbm>> -> memref<6656xi32, #tpu.memory_space<hbm>>
      %dma_wait3A_24 = tpu.memref_slice %arg2[%mul3A_23] : memref<425984xi32, #tpu.memory_space<hbm>> -> memref<6656xi32, #tpu.memory_space<hbm>>
      tpu.wait_dma2 semaphore(%arg12 : memref<!tpu.dma_semaphore, #tpu.memory_space<semaphore_mem>>) src(%dma_wait3A_24 : memref<6656xi32, #tpu.memory_space<hbm>>) dst(%arg7 : memref<6656xi32, #tpu.memory_space<vmem>>)
      %mul3A_25 = arith.constant 3328 : i32
      %mul3A_26 = arith.muli %add3A_14, %mul3A_25 : i32
      %dma_wait3A_27 = tpu.memref_slice %arg3[%mul3A_26] : memref<212992xf32, #tpu.memory_space<hbm>> -> memref<3328xf32, #tpu.memory_space<hbm>>
      %dma_wait3A_28 = tpu.memref_slice %arg3[%mul3A_26] : memref<212992xf32, #tpu.memory_space<hbm>> -> memref<3328xf32, #tpu.memory_space<hbm>>
      tpu.wait_dma2 semaphore(%arg12 : memref<!tpu.dma_semaphore, #tpu.memory_space<semaphore_mem>>) src(%dma_wait3A_28 : memref<3328xf32, #tpu.memory_space<hbm>>) dst(%arg9 : memref<3328xf32, #tpu.memory_space<vmem>>)
      %scan3A_29 = arith.constant 0 : i32
      %scan3A_30 = arith.constant 0 : i32
      %scan3A_31 = arith.constant 16 : i32
      %scan3A_32 = arith.addi %scan3A_30, %scan3A_31 : i32
      %scan3A_33 = arith.constant 1 : i32
      scf.for %scan3A_347 = %scan3A_30 to %scan3A_32 step %scan3A_33  : i32 {
        %mul3A_348 = arith.constant 16 : i32
        %mul3A_349 = arith.muli %scan3A_347, %mul3A_348 : i32
        %add3A_350 = arith.constant 0 : i32
        %add3A_351 = arith.addi %add3A_350, %mul3A_349 : i32
        %get3A = arith.index_cast %add3A_351 : i32 to index
        %get3A_352 = tpu.vector_load %arg7[%get3A] {strides = array<i32>} : memref<6656xi32, #tpu.memory_space<vmem>>, vector<16xi32>,
        %get3A_353 = vector.shape_cast %get3A_352 : vector<16xi32> to vector<16xi32>
        %add3A_354 = arith.constant 0 : i32
        %add3A_355 = vector.broadcast %add3A_354 : i32 to vector<16xi32>
        %add3A_356 = arith.addi %get3A_353, %add3A_355 : vector<16xi32>
        %dma_start3A_357 = tpu.memref_slice %arg8[%add3A_351] : memref<6656xf32, #tpu.memory_space<vmem>> -> memref<16xf32, #tpu.memory_space<vmem>>
        %dma_start3A_358 = arith.constant 0 : i32
        %dma_start3A_359 = tpu.memref_slice %arg4[%dma_start3A_358] : memref<26000000xf32, #tpu.memory_space<hbm>> -> memref<26000000xf32, #tpu.memory_space<hbm>>
        tpu.enqueue_indirect_dma source(%dma_start3A_359 : memref<26000000xf32, #tpu.memory_space<hbm>>) target(%dma_start3A_357 : memref<16xf32, #tpu.memory_space<vmem>>) offsets(%add3A_356 : vector<16xi32>) semaphore(%arg12 : memref<!tpu.dma_semaphore, #tpu.memory_space<semaphore_mem>>)
      }
      %scan3A_34 = arith.constant 16 : i32
      %scan3A_35 = arith.constant 0 : i32
      %scan3A_36 = arith.constant 0 : i32
      %scan3A_37 = arith.constant 16 : i32
      %scan3A_38 = arith.addi %scan3A_36, %scan3A_37 : i32
      %scan3A_39 = arith.constant 1 : i32
      scf.for %scan3A_347 = %scan3A_36 to %scan3A_38 step %scan3A_39  : i32 {
        %mul3A_348 = arith.constant 16 : i32
        %mul3A_349 = arith.muli %scan3A_347, %mul3A_348 : i32
        %add3A_350 = arith.constant 256 : i32
        %add3A_351 = arith.addi %add3A_350, %mul3A_349 : i32
        %get3A = arith.index_cast %add3A_351 : i32 to index
        %get3A_352 = tpu.vector_load %arg7[%get3A] {strides = array<i32>} : memref<6656xi32, #tpu.memory_space<vmem>>, vector<16xi32>,
        %get3A_353 = vector.shape_cast %get3A_352 : vector<16xi32> to vector<16xi32>
        %add3A_354 = arith.constant 1000000 : i32
        %add3A_355 = vector.broadcast %add3A_354 : i32 to vector<16xi32>
        %add3A_356 = arith.addi %get3A_353, %add3A_355 : vector<16xi32>
        %dma_start3A_357 = tpu.memref_slice %arg8[%add3A_351] : memref<6656xf32, #tpu.memory_space<vmem>> -> memref<16xf32, #tpu.memory_space<vmem>>
        %dma_start3A_358 = arith.constant 0 : i32
        %dma_start3A_359 = tpu.memref_slice %arg4[%dma_start3A_358] : memref<26000000xf32, #tpu.memory_space<hbm>> -> memref<26000000xf32, #tpu.memory_space<hbm>>
        tpu.enqueue_indirect_dma source(%dma_start3A_359 : memref<26000000xf32, #tpu.memory_space<hbm>>) target(%dma_start3A_357 : memref<16xf32, #tpu.memory_space<vmem>>) offsets(%add3A_356 : vector<16xi32>) semaphore(%arg12 : memref<!tpu.dma_semaphore, #tpu.memory_space<semaphore_mem>>)
      }
      %scan3A_40 = arith.constant 16 : i32
      %scan3A_41 = arith.constant 0 : i32
      %scan3A_42 = arith.constant 0 : i32
      %scan3A_43 = arith.constant 16 : i32
      %scan3A_44 = arith.addi %scan3A_42, %scan3A_43 : i32
      %scan3A_45 = arith.constant 1 : i32
      scf.for %scan3A_347 = %scan3A_42 to %scan3A_44 step %scan3A_45  : i32 {
        %mul3A_348 = arith.constant 16 : i32
        %mul3A_349 = arith.muli %scan3A_347, %mul3A_348 : i32
        %add3A_350 = arith.constant 512 : i32
        %add3A_351 = arith.addi %add3A_350, %mul3A_349 : i32
        %get3A = arith.index_cast %add3A_351 : i32 to index
        %get3A_352 = tpu.vector_load %arg7[%get3A] {strides = array<i32>} : memref<6656xi32, #tpu.memory_space<vmem>>, vector<16xi32>,
        %get3A_353 = vector.shape_cast %get3A_352 : vector<16xi32> to vector<16xi32>
        %add3A_354 = arith.constant 2000000 : i32
        %add3A_355 = vector.broadcast %add3A_354 : i32 to vector<16xi32>
        %add3A_356 = arith.addi %get3A_353, %add3A_355 : vector<16xi32>
        %dma_start3A_357 = tpu.memref_slice %arg8[%add3A_351] : memref<6656xf32, #tpu.memory_space<vmem>> -> memref<16xf32, #tpu.memory_space<vmem>>
        %dma_start3A_358 = arith.constant 0 : i32
        %dma_start3A_359 = tpu.memref_slice %arg4[%dma_start3A_358] : memref<26000000xf32, #tpu.memory_space<hbm>> -> memref<26000000xf32, #tpu.memory_space<hbm>>
        tpu.enqueue_indirect_dma source(%dma_start3A_359 : memref<26000000xf32, #tpu.memory_space<hbm>>) target(%dma_start3A_357 : memref<16xf32, #tpu.memory_space<vmem>>) offsets(%add3A_356 : vector<16xi32>) semaphore(%arg12 : memref<!tpu.dma_semaphore, #tpu.memory_space<semaphore_mem>>)
      }
      %scan3A_46 = arith.constant 16 : i32
      %scan3A_47 = arith.constant 0 : i32
      %scan3A_48 = arith.constant 0 : i32
      %scan3A_49 = arith.constant 16 : i32
      %scan3A_50 = arith.addi %scan3A_48, %scan3A_49 : i32
      %scan3A_51 = arith.constant 1 : i32
      scf.for %scan3A_347 = %scan3A_48 to %scan3A_50 step %scan3A_51  : i32 {
        %mul3A_348 = arith.constant 16 : i32
        %mul3A_349 = arith.muli %scan3A_347, %mul3A_348 : i32
        %add3A_350 = arith.constant 768 : i32
        %add3A_351 = arith.addi %add3A_350, %mul3A_349 : i32
        %get3A = arith.index_cast %add3A_351 : i32 to index
        %get3A_352 = tpu.vector_load %arg7[%get3A] {strides = array<i32>} : memref<6656xi32, #tpu.memory_space<vmem>>, vector<16xi32>,
        %get3A_353 = vector.shape_cast %get3A_352 : vector<16xi32> to vector<16xi32>
        %add3A_354 = arith.constant 3000000 : i32
        %add3A_355 = vector.broadcast %add3A_354 : i32 to vector<16xi32>
        %add3A_356 = arith.addi %get3A_353, %add3A_355 : vector<16xi32>
        %dma_start3A_357 = tpu.memref_slice %arg8[%add3A_351] : memref<6656xf32, #tpu.memory_space<vmem>> -> memref<16xf32, #tpu.memory_space<vmem>>
        %dma_start3A_358 = arith.constant 0 : i32
        %dma_start3A_359 = tpu.memref_slice %arg4[%dma_start3A_358] : memref<26000000xf32, #tpu.memory_space<hbm>> -> memref<26000000xf32, #tpu.memory_space<hbm>>
        tpu.enqueue_indirect_dma source(%dma_start3A_359 : memref<26000000xf32, #tpu.memory_space<hbm>>) target(%dma_start3A_357 : memref<16xf32, #tpu.memory_space<vmem>>) offsets(%add3A_356 : vector<16xi32>) semaphore(%arg12 : memref<!tpu.dma_semaphore, #tpu.memory_space<semaphore_mem>>)
      }
      %scan3A_52 = arith.constant 16 : i32
      %scan3A_53 = arith.constant 0 : i32
      %scan3A_54 = arith.constant 0 : i32
      %scan3A_55 = arith.constant 16 : i32
      %scan3A_56 = arith.addi %scan3A_54, %scan3A_55 : i32
      %scan3A_57 = arith.constant 1 : i32
      scf.for %scan3A_347 = %scan3A_54 to %scan3A_56 step %scan3A_57  : i32 {
        %mul3A_348 = arith.constant 16 : i32
        %mul3A_349 = arith.muli %scan3A_347, %mul3A_348 : i32
        %add3A_350 = arith.constant 1024 : i32
        %add3A_351 = arith.addi %add3A_350, %mul3A_349 : i32
        %get3A = arith.index_cast %add3A_351 : i32 to index
        %get3A_352 = tpu.vector_load %arg7[%get3A] {strides = array<i32>} : memref<6656xi32, #tpu.memory_space<vmem>>, vector<16xi32>,
        %get3A_353 = vector.shape_cast %get3A_352 : vector<16xi32> to vector<16xi32>
        %add3A_354 = arith.constant 4000000 : i32
        %add3A_355 = vector.broadcast %add3A_354 : i32 to vector<16xi32>
        %add3A_356 = arith.addi %get3A_353, %add3A_355 : vector<16xi32>
        %dma_start3A_357 = tpu.memref_slice %arg8[%add3A_351] : memref<6656xf32, #tpu.memory_space<vmem>> -> memref<16xf32, #tpu.memory_space<vmem>>
        %dma_start3A_358 = arith.constant 0 : i32
        %dma_start3A_359 = tpu.memref_slice %arg4[%dma_start3A_358] : memref<26000000xf32, #tpu.memory_space<hbm>> -> memref<26000000xf32, #tpu.memory_space<hbm>>
        tpu.enqueue_indirect_dma source(%dma_start3A_359 : memref<26000000xf32, #tpu.memory_space<hbm>>) target(%dma_start3A_357 : memref<16xf32, #tpu.memory_space<vmem>>) offsets(%add3A_356 : vector<16xi32>) semaphore(%arg12 : memref<!tpu.dma_semaphore, #tpu.memory_space<semaphore_mem>>)
      }
      %scan3A_58 = arith.constant 16 : i32
      %scan3A_59 = arith.constant 0 : i32
      %scan3A_60 = arith.constant 0 : i32
      %scan3A_61 = arith.constant 16 : i32
      %scan3A_62 = arith.addi %scan3A_60, %scan3A_61 : i32
      %scan3A_63 = arith.constant 1 : i32
      scf.for %scan3A_347 = %scan3A_60 to %scan3A_62 step %scan3A_63  : i32 {
        %mul3A_348 = arith.constant 16 : i32
        %mul3A_349 = arith.muli %scan3A_347, %mul3A_348 : i32
        %add3A_350 = arith.constant 1280 : i32
        %add3A_351 = arith.addi %add3A_350, %mul3A_349 : i32
        %get3A = arith.index_cast %add3A_351 : i32 to index
        %get3A_352 = tpu.vector_load %arg7[%get3A] {strides = array<i32>} : memref<6656xi32, #tpu.memory_space<vmem>>, vector<16xi32>,
        %get3A_353 = vector.shape_cast %get3A_352 : vector<16xi32> to vector<16xi32>
        %add3A_354 = arith.constant 5000000 : i32
        %add3A_355 = vector.broadcast %add3A_354 : i32 to vector<16xi32>
        %add3A_356 = arith.addi %get3A_353, %add3A_355 : vector<16xi32>
        %dma_start3A_357 = tpu.memref_slice %arg8[%add3A_351] : memref<6656xf32, #tpu.memory_space<vmem>> -> memref<16xf32, #tpu.memory_space<vmem>>
        %dma_start3A_358 = arith.constant 0 : i32
        %dma_start3A_359 = tpu.memref_slice %arg4[%dma_start3A_358] : memref<26000000xf32, #tpu.memory_space<hbm>> -> memref<26000000xf32, #tpu.memory_space<hbm>>
        tpu.enqueue_indirect_dma source(%dma_start3A_359 : memref<26000000xf32, #tpu.memory_space<hbm>>) target(%dma_start3A_357 : memref<16xf32, #tpu.memory_space<vmem>>) offsets(%add3A_356 : vector<16xi32>) semaphore(%arg12 : memref<!tpu.dma_semaphore, #tpu.memory_space<semaphore_mem>>)
      }
      %scan3A_64 = arith.constant 16 : i32
      %scan3A_65 = arith.constant 0 : i32
      %scan3A_66 = arith.constant 0 : i32
      %scan3A_67 = arith.constant 16 : i32
      %scan3A_68 = arith.addi %scan3A_66, %scan3A_67 : i32
      %scan3A_69 = arith.constant 1 : i32
      scf.for %scan3A_347 = %scan3A_66 to %scan3A_68 step %scan3A_69  : i32 {
        %mul3A_348 = arith.constant 16 : i32
        %mul3A_349 = arith.muli %scan3A_347, %mul3A_348 : i32
        %add3A_350 = arith.constant 1536 : i32
        %add3A_351 = arith.addi %add3A_350, %mul3A_349 : i32
        %get3A = arith.index_cast %add3A_351 : i32 to index
        %get3A_352 = tpu.vector_load %arg7[%get3A] {strides = array<i32>} : memref<6656xi32, #tpu.memory_space<vmem>>, vector<16xi32>,
        %get3A_353 = vector.shape_cast %get3A_352 : vector<16xi32> to vector<16xi32>
        %add3A_354 = arith.constant 6000000 : i32
        %add3A_355 = vector.broadcast %add3A_354 : i32 to vector<16xi32>
        %add3A_356 = arith.addi %get3A_353, %add3A_355 : vector<16xi32>
        %dma_start3A_357 = tpu.memref_slice %arg8[%add3A_351] : memref<6656xf32, #tpu.memory_space<vmem>> -> memref<16xf32, #tpu.memory_space<vmem>>
        %dma_start3A_358 = arith.constant 0 : i32
        %dma_start3A_359 = tpu.memref_slice %arg4[%dma_start3A_358] : memref<26000000xf32, #tpu.memory_space<hbm>> -> memref<26000000xf32, #tpu.memory_space<hbm>>
        tpu.enqueue_indirect_dma source(%dma_start3A_359 : memref<26000000xf32, #tpu.memory_space<hbm>>) target(%dma_start3A_357 : memref<16xf32, #tpu.memory_space<vmem>>) offsets(%add3A_356 : vector<16xi32>) semaphore(%arg12 : memref<!tpu.dma_semaphore, #tpu.memory_space<semaphore_mem>>)
      }
      %scan3A_70 = arith.constant 16 : i32
      %scan3A_71 = arith.constant 0 : i32
      %scan3A_72 = arith.constant 0 : i32
      %scan3A_73 = arith.constant 16 : i32
      %scan3A_74 = arith.addi %scan3A_72, %scan3A_73 : i32
      %scan3A_75 = arith.constant 1 : i32
      scf.for %scan3A_347 = %scan3A_72 to %scan3A_74 step %scan3A_75  : i32 {
        %mul3A_348 = arith.constant 16 : i32
        %mul3A_349 = arith.muli %scan3A_347, %mul3A_348 : i32
        %add3A_350 = arith.constant 1792 : i32
        %add3A_351 = arith.addi %add3A_350, %mul3A_349 : i32
        %get3A = arith.index_cast %add3A_351 : i32 to index
        %get3A_352 = tpu.vector_load %arg7[%get3A] {strides = array<i32>} : memref<6656xi32, #tpu.memory_space<vmem>>, vector<16xi32>,
        %get3A_353 = vector.shape_cast %get3A_352 : vector<16xi32> to vector<16xi32>
        %add3A_354 = arith.constant 7000000 : i32
        %add3A_355 = vector.broadcast %add3A_354 : i32 to vector<16xi32>
        %add3A_356 = arith.addi %get3A_353, %add3A_355 : vector<16xi32>
        %dma_start3A_357 = tpu.memref_slice %arg8[%add3A_351] : memref<6656xf32, #tpu.memory_space<vmem>> -> memref<16xf32, #tpu.memory_space<vmem>>
        %dma_start3A_358 = arith.constant 0 : i32
        %dma_start3A_359 = tpu.memref_slice %arg4[%dma_start3A_358] : memref<26000000xf32, #tpu.memory_space<hbm>> -> memref<26000000xf32, #tpu.memory_space<hbm>>
        tpu.enqueue_indirect_dma source(%dma_start3A_359 : memref<26000000xf32, #tpu.memory_space<hbm>>) target(%dma_start3A_357 : memref<16xf32, #tpu.memory_space<vmem>>) offsets(%add3A_356 : vector<16xi32>) semaphore(%arg12 : memref<!tpu.dma_semaphore, #tpu.memory_space<semaphore_mem>>)
      }
      %scan3A_76 = arith.constant 16 : i32
      %scan3A_77 = arith.constant 0 : i32
      %scan3A_78 = arith.constant 0 : i32
      %scan3A_79 = arith.constant 16 : i32
      %scan3A_80 = arith.addi %scan3A_78, %scan3A_79 : i32
      %scan3A_81 = arith.constant 1 : i32
      scf.for %scan3A_347 = %scan3A_78 to %scan3A_80 step %scan3A_81  : i32 {
        %mul3A_348 = arith.constant 16 : i32
        %mul3A_349 = arith.muli %scan3A_347, %mul3A_348 : i32
        %add3A_350 = arith.constant 2048 : i32
        %add3A_351 = arith.addi %add3A_350, %mul3A_349 : i32
        %get3A = arith.index_cast %add3A_351 : i32 to index
        %get3A_352 = tpu.vector_load %arg7[%get3A] {strides = array<i32>} : memref<6656xi32, #tpu.memory_space<vmem>>, vector<16xi32>,
        %get3A_353 = vector.shape_cast %get3A_352 : vector<16xi32> to vector<16xi32>
        %add3A_354 = arith.constant 8000000 : i32
        %add3A_355 = vector.broadcast %add3A_354 : i32 to vector<16xi32>
        %add3A_356 = arith.addi %get3A_353, %add3A_355 : vector<16xi32>
        %dma_start3A_357 = tpu.memref_slice %arg8[%add3A_351] : memref<6656xf32, #tpu.memory_space<vmem>> -> memref<16xf32, #tpu.memory_space<vmem>>
        %dma_start3A_358 = arith.constant 0 : i32
        %dma_start3A_359 = tpu.memref_slice %arg4[%dma_start3A_358] : memref<26000000xf32, #tpu.memory_space<hbm>> -> memref<26000000xf32, #tpu.memory_space<hbm>>
        tpu.enqueue_indirect_dma source(%dma_start3A_359 : memref<26000000xf32, #tpu.memory_space<hbm>>) target(%dma_start3A_357 : memref<16xf32, #tpu.memory_space<vmem>>) offsets(%add3A_356 : vector<16xi32>) semaphore(%arg12 : memref<!tpu.dma_semaphore, #tpu.memory_space<semaphore_mem>>)
      }
      %scan3A_82 = arith.constant 16 : i32
      %scan3A_83 = arith.constant 0 : i32
      %scan3A_84 = arith.constant 0 : i32
      %scan3A_85 = arith.constant 16 : i32
      %scan3A_86 = arith.addi %scan3A_84, %scan3A_85 : i32
      %scan3A_87 = arith.constant 1 : i32
      scf.for %scan3A_347 = %scan3A_84 to %scan3A_86 step %scan3A_87  : i32 {
        %mul3A_348 = arith.constant 16 : i32
        %mul3A_349 = arith.muli %scan3A_347, %mul3A_348 : i32
        %add3A_350 = arith.constant 2304 : i32
        %add3A_351 = arith.addi %add3A_350, %mul3A_349 : i32
        %get3A = arith.index_cast %add3A_351 : i32 to index
        %get3A_352 = tpu.vector_load %arg7[%get3A] {strides = array<i32>} : memref<6656xi32, #tpu.memory_space<vmem>>, vector<16xi32>,
        %get3A_353 = vector.shape_cast %get3A_352 : vector<16xi32> to vector<16xi32>
        %add3A_354 = arith.constant 9000000 : i32
        %add3A_355 = vector.broadcast %add3A_354 : i32 to vector<16xi32>
        %add3A_356 = arith.addi %get3A_353, %add3A_355 : vector<16xi32>
        %dma_start3A_357 = tpu.memref_slice %arg8[%add3A_351] : memref<6656xf32, #tpu.memory_space<vmem>> -> memref<16xf32, #tpu.memory_space<vmem>>
        %dma_start3A_358 = arith.constant 0 : i32
        %dma_start3A_359 = tpu.memref_slice %arg4[%dma_start3A_358] : memref<26000000xf32, #tpu.memory_space<hbm>> -> memref<26000000xf32, #tpu.memory_space<hbm>>
        tpu.enqueue_indirect_dma source(%dma_start3A_359 : memref<26000000xf32, #tpu.memory_space<hbm>>) target(%dma_start3A_357 : memref<16xf32, #tpu.memory_space<vmem>>) offsets(%add3A_356 : vector<16xi32>) semaphore(%arg12 : memref<!tpu.dma_semaphore, #tpu.memory_space<semaphore_mem>>)
      }
      %scan3A_88 = arith.constant 16 : i32
      %scan3A_89 = arith.constant 0 : i32
      %scan3A_90 = arith.constant 0 : i32
      %scan3A_91 = arith.constant 16 : i32
      %scan3A_92 = arith.addi %scan3A_90, %scan3A_91 : i32
      %scan3A_93 = arith.constant 1 : i32
      scf.for %scan3A_347 = %scan3A_90 to %scan3A_92 step %scan3A_93  : i32 {
        %mul3A_348 = arith.constant 16 : i32
        %mul3A_349 = arith.muli %scan3A_347, %mul3A_348 : i32
        %add3A_350 = arith.constant 2560 : i32
        %add3A_351 = arith.addi %add3A_350, %mul3A_349 : i32
        %get3A = arith.index_cast %add3A_351 : i32 to index
        %get3A_352 = tpu.vector_load %arg7[%get3A] {strides = array<i32>} : memref<6656xi32, #tpu.memory_space<vmem>>, vector<16xi32>,
        %get3A_353 = vector.shape_cast %get3A_352 : vector<16xi32> to vector<16xi32>
        %add3A_354 = arith.constant 10000000 : i32
        %add3A_355 = vector.broadcast %add3A_354 : i32 to vector<16xi32>
        %add3A_356 = arith.addi %get3A_353, %add3A_355 : vector<16xi32>
        %dma_start3A_357 = tpu.memref_slice %arg8[%add3A_351] : memref<6656xf32, #tpu.memory_space<vmem>> -> memref<16xf32, #tpu.memory_space<vmem>>
        %dma_start3A_358 = arith.constant 0 : i32
        %dma_start3A_359 = tpu.memref_slice %arg4[%dma_start3A_358] : memref<26000000xf32, #tpu.memory_space<hbm>> -> memref<26000000xf32, #tpu.memory_space<hbm>>
        tpu.enqueue_indirect_dma source(%dma_start3A_359 : memref<26000000xf32, #tpu.memory_space<hbm>>) target(%dma_start3A_357 : memref<16xf32, #tpu.memory_space<vmem>>) offsets(%add3A_356 : vector<16xi32>) semaphore(%arg12 : memref<!tpu.dma_semaphore, #tpu.memory_space<semaphore_mem>>)
      }
      %scan3A_94 = arith.constant 16 : i32
      %scan3A_95 = arith.constant 0 : i32
      %scan3A_96 = arith.constant 0 : i32
      %scan3A_97 = arith.constant 16 : i32
      %scan3A_98 = arith.addi %scan3A_96, %scan3A_97 : i32
      %scan3A_99 = arith.constant 1 : i32
      scf.for %scan3A_347 = %scan3A_96 to %scan3A_98 step %scan3A_99  : i32 {
        %mul3A_348 = arith.constant 16 : i32
        %mul3A_349 = arith.muli %scan3A_347, %mul3A_348 : i32
        %add3A_350 = arith.constant 2816 : i32
        %add3A_351 = arith.addi %add3A_350, %mul3A_349 : i32
        %get3A = arith.index_cast %add3A_351 : i32 to index
        %get3A_352 = tpu.vector_load %arg7[%get3A] {strides = array<i32>} : memref<6656xi32, #tpu.memory_space<vmem>>, vector<16xi32>,
        %get3A_353 = vector.shape_cast %get3A_352 : vector<16xi32> to vector<16xi32>
        %add3A_354 = arith.constant 11000000 : i32
        %add3A_355 = vector.broadcast %add3A_354 : i32 to vector<16xi32>
        %add3A_356 = arith.addi %get3A_353, %add3A_355 : vector<16xi32>
        %dma_start3A_357 = tpu.memref_slice %arg8[%add3A_351] : memref<6656xf32, #tpu.memory_space<vmem>> -> memref<16xf32, #tpu.memory_space<vmem>>
        %dma_start3A_358 = arith.constant 0 : i32
        %dma_start3A_359 = tpu.memref_slice %arg4[%dma_start3A_358] : memref<26000000xf32, #tpu.memory_space<hbm>> -> memref<26000000xf32, #tpu.memory_space<hbm>>
        tpu.enqueue_indirect_dma source(%dma_start3A_359 : memref<26000000xf32, #tpu.memory_space<hbm>>) target(%dma_start3A_357 : memref<16xf32, #tpu.memory_space<vmem>>) offsets(%add3A_356 : vector<16xi32>) semaphore(%arg12 : memref<!tpu.dma_semaphore, #tpu.memory_space<semaphore_mem>>)
      }
      %scan3A_100 = arith.constant 16 : i32
      %scan3A_101 = arith.constant 0 : i32
      %scan3A_102 = arith.constant 0 : i32
      %scan3A_103 = arith.constant 16 : i32
      %scan3A_104 = arith.addi %scan3A_102, %scan3A_103 : i32
      %scan3A_105 = arith.constant 1 : i32
      scf.for %scan3A_347 = %scan3A_102 to %scan3A_104 step %scan3A_105  : i32 {
        %mul3A_348 = arith.constant 16 : i32
        %mul3A_349 = arith.muli %scan3A_347, %mul3A_348 : i32
        %add3A_350 = arith.constant 3072 : i32
        %add3A_351 = arith.addi %add3A_350, %mul3A_349 : i32
        %get3A = arith.index_cast %add3A_351 : i32 to index
        %get3A_352 = tpu.vector_load %arg7[%get3A] {strides = array<i32>} : memref<6656xi32, #tpu.memory_space<vmem>>, vector<16xi32>,
        %get3A_353 = vector.shape_cast %get3A_352 : vector<16xi32> to vector<16xi32>
        %add3A_354 = arith.constant 12000000 : i32
        %add3A_355 = vector.broadcast %add3A_354 : i32 to vector<16xi32>
        %add3A_356 = arith.addi %get3A_353, %add3A_355 : vector<16xi32>
        %dma_start3A_357 = tpu.memref_slice %arg8[%add3A_351] : memref<6656xf32, #tpu.memory_space<vmem>> -> memref<16xf32, #tpu.memory_space<vmem>>
        %dma_start3A_358 = arith.constant 0 : i32
        %dma_start3A_359 = tpu.memref_slice %arg4[%dma_start3A_358] : memref<26000000xf32, #tpu.memory_space<hbm>> -> memref<26000000xf32, #tpu.memory_space<hbm>>
        tpu.enqueue_indirect_dma source(%dma_start3A_359 : memref<26000000xf32, #tpu.memory_space<hbm>>) target(%dma_start3A_357 : memref<16xf32, #tpu.memory_space<vmem>>) offsets(%add3A_356 : vector<16xi32>) semaphore(%arg12 : memref<!tpu.dma_semaphore, #tpu.memory_space<semaphore_mem>>)
      }
      %scan3A_106 = arith.constant 16 : i32
      %scan3A_107 = arith.constant 0 : i32
      %scan3A_108 = arith.constant 0 : i32
      %scan3A_109 = arith.constant 16 : i32
      %scan3A_110 = arith.addi %scan3A_108, %scan3A_109 : i32
      %scan3A_111 = arith.constant 1 : i32
      scf.for %scan3A_347 = %scan3A_108 to %scan3A_110 step %scan3A_111  : i32 {
        %mul3A_348 = arith.constant 16 : i32
        %mul3A_349 = arith.muli %scan3A_347, %mul3A_348 : i32
        %add3A_350 = arith.constant 3328 : i32
        %add3A_351 = arith.addi %add3A_350, %mul3A_349 : i32
        %get3A = arith.index_cast %add3A_351 : i32 to index
        %get3A_352 = tpu.vector_load %arg7[%get3A] {strides = array<i32>} : memref<6656xi32, #tpu.memory_space<vmem>>, vector<16xi32>,
        %get3A_353 = vector.shape_cast %get3A_352 : vector<16xi32> to vector<16xi32>
        %add3A_354 = arith.constant 13000000 : i32
        %add3A_355 = vector.broadcast %add3A_354 : i32 to vector<16xi32>
        %add3A_356 = arith.addi %get3A_353, %add3A_355 : vector<16xi32>
        %dma_start3A_357 = tpu.memref_slice %arg8[%add3A_351] : memref<6656xf32, #tpu.memory_space<vmem>> -> memref<16xf32, #tpu.memory_space<vmem>>
        %dma_start3A_358 = arith.constant 0 : i32
        %dma_start3A_359 = tpu.memref_slice %arg4[%dma_start3A_358] : memref<26000000xf32, #tpu.memory_space<hbm>> -> memref<26000000xf32, #tpu.memory_space<hbm>>
        tpu.enqueue_indirect_dma source(%dma_start3A_359 : memref<26000000xf32, #tpu.memory_space<hbm>>) target(%dma_start3A_357 : memref<16xf32, #tpu.memory_space<vmem>>) offsets(%add3A_356 : vector<16xi32>) semaphore(%arg12 : memref<!tpu.dma_semaphore, #tpu.memory_space<semaphore_mem>>)
      }
      %scan3A_112 = arith.constant 16 : i32
      %scan3A_113 = arith.constant 0 : i32
      %scan3A_114 = arith.constant 0 : i32
      %scan3A_115 = arith.constant 16 : i32
      %scan3A_116 = arith.addi %scan3A_114, %scan3A_115 : i32
      %scan3A_117 = arith.constant 1 : i32
      scf.for %scan3A_347 = %scan3A_114 to %scan3A_116 step %scan3A_117  : i32 {
        %mul3A_348 = arith.constant 16 : i32
        %mul3A_349 = arith.muli %scan3A_347, %mul3A_348 : i32
        %add3A_350 = arith.constant 3584 : i32
        %add3A_351 = arith.addi %add3A_350, %mul3A_349 : i32
        %get3A = arith.index_cast %add3A_351 : i32 to index
        %get3A_352 = tpu.vector_load %arg7[%get3A] {strides = array<i32>} : memref<6656xi32, #tpu.memory_space<vmem>>, vector<16xi32>,
        %get3A_353 = vector.shape_cast %get3A_352 : vector<16xi32> to vector<16xi32>
        %add3A_354 = arith.constant 14000000 : i32
        %add3A_355 = vector.broadcast %add3A_354 : i32 to vector<16xi32>
        %add3A_356 = arith.addi %get3A_353, %add3A_355 : vector<16xi32>
        %dma_start3A_357 = tpu.memref_slice %arg8[%add3A_351] : memref<6656xf32, #tpu.memory_space<vmem>> -> memref<16xf32, #tpu.memory_space<vmem>>
        %dma_start3A_358 = arith.constant 0 : i32
        %dma_start3A_359 = tpu.memref_slice %arg4[%dma_start3A_358] : memref<26000000xf32, #tpu.memory_space<hbm>> -> memref<26000000xf32, #tpu.memory_space<hbm>>
        tpu.enqueue_indirect_dma source(%dma_start3A_359 : memref<26000000xf32, #tpu.memory_space<hbm>>) target(%dma_start3A_357 : memref<16xf32, #tpu.memory_space<vmem>>) offsets(%add3A_356 : vector<16xi32>) semaphore(%arg12 : memref<!tpu.dma_semaphore, #tpu.memory_space<semaphore_mem>>)
      }
      %scan3A_118 = arith.constant 16 : i32
      %scan3A_119 = arith.constant 0 : i32
      %scan3A_120 = arith.constant 0 : i32
      %scan3A_121 = arith.constant 16 : i32
      %scan3A_122 = arith.addi %scan3A_120, %scan3A_121 : i32
      %scan3A_123 = arith.constant 1 : i32
      scf.for %scan3A_347 = %scan3A_120 to %scan3A_122 step %scan3A_123  : i32 {
        %mul3A_348 = arith.constant 16 : i32
        %mul3A_349 = arith.muli %scan3A_347, %mul3A_348 : i32
        %add3A_350 = arith.constant 3840 : i32
        %add3A_351 = arith.addi %add3A_350, %mul3A_349 : i32
        %get3A = arith.index_cast %add3A_351 : i32 to index
        %get3A_352 = tpu.vector_load %arg7[%get3A] {strides = array<i32>} : memref<6656xi32, #tpu.memory_space<vmem>>, vector<16xi32>,
        %get3A_353 = vector.shape_cast %get3A_352 : vector<16xi32> to vector<16xi32>
        %add3A_354 = arith.constant 15000000 : i32
        %add3A_355 = vector.broadcast %add3A_354 : i32 to vector<16xi32>
        %add3A_356 = arith.addi %get3A_353, %add3A_355 : vector<16xi32>
        %dma_start3A_357 = tpu.memref_slice %arg8[%add3A_351] : memref<6656xf32, #tpu.memory_space<vmem>> -> memref<16xf32, #tpu.memory_space<vmem>>
        %dma_start3A_358 = arith.constant 0 : i32
        %dma_start3A_359 = tpu.memref_slice %arg4[%dma_start3A_358] : memref<26000000xf32, #tpu.memory_space<hbm>> -> memref<26000000xf32, #tpu.memory_space<hbm>>
        tpu.enqueue_indirect_dma source(%dma_start3A_359 : memref<26000000xf32, #tpu.memory_space<hbm>>) target(%dma_start3A_357 : memref<16xf32, #tpu.memory_space<vmem>>) offsets(%add3A_356 : vector<16xi32>) semaphore(%arg12 : memref<!tpu.dma_semaphore, #tpu.memory_space<semaphore_mem>>)
      }
      %scan3A_124 = arith.constant 16 : i32
      %scan3A_125 = arith.constant 0 : i32
      %scan3A_126 = arith.constant 0 : i32
      %scan3A_127 = arith.constant 16 : i32
      %scan3A_128 = arith.addi %scan3A_126, %scan3A_127 : i32
      %scan3A_129 = arith.constant 1 : i32
      scf.for %scan3A_347 = %scan3A_126 to %scan3A_128 step %scan3A_129  : i32 {
        %mul3A_348 = arith.constant 16 : i32
        %mul3A_349 = arith.muli %scan3A_347, %mul3A_348 : i32
        %add3A_350 = arith.constant 4096 : i32
        %add3A_351 = arith.addi %add3A_350, %mul3A_349 : i32
        %get3A = arith.index_cast %add3A_351 : i32 to index
        %get3A_352 = tpu.vector_load %arg7[%get3A] {strides = array<i32>} : memref<6656xi32, #tpu.memory_space<vmem>>, vector<16xi32>,
        %get3A_353 = vector.shape_cast %get3A_352 : vector<16xi32> to vector<16xi32>
        %add3A_354 = arith.constant 16000000 : i32
        %add3A_355 = vector.broadcast %add3A_354 : i32 to vector<16xi32>
        %add3A_356 = arith.addi %get3A_353, %add3A_355 : vector<16xi32>
        %dma_start3A_357 = tpu.memref_slice %arg8[%add3A_351] : memref<6656xf32, #tpu.memory_space<vmem>> -> memref<16xf32, #tpu.memory_space<vmem>>
        %dma_start3A_358 = arith.constant 0 : i32
        %dma_start3A_359 = tpu.memref_slice %arg4[%dma_start3A_358] : memref<26000000xf32, #tpu.memory_space<hbm>> -> memref<26000000xf32, #tpu.memory_space<hbm>>
        tpu.enqueue_indirect_dma source(%dma_start3A_359 : memref<26000000xf32, #tpu.memory_space<hbm>>) target(%dma_start3A_357 : memref<16xf32, #tpu.memory_space<vmem>>) offsets(%add3A_356 : vector<16xi32>) semaphore(%arg12 : memref<!tpu.dma_semaphore, #tpu.memory_space<semaphore_mem>>)
      }
      %scan3A_130 = arith.constant 16 : i32
      %scan3A_131 = arith.constant 0 : i32
      %scan3A_132 = arith.constant 0 : i32
      %scan3A_133 = arith.constant 16 : i32
      %scan3A_134 = arith.addi %scan3A_132, %scan3A_133 : i32
      %scan3A_135 = arith.constant 1 : i32
      scf.for %scan3A_347 = %scan3A_132 to %scan3A_134 step %scan3A_135  : i32 {
        %mul3A_348 = arith.constant 16 : i32
        %mul3A_349 = arith.muli %scan3A_347, %mul3A_348 : i32
        %add3A_350 = arith.constant 4352 : i32
        %add3A_351 = arith.addi %add3A_350, %mul3A_349 : i32
        %get3A = arith.index_cast %add3A_351 : i32 to index
        %get3A_352 = tpu.vector_load %arg7[%get3A] {strides = array<i32>} : memref<6656xi32, #tpu.memory_space<vmem>>, vector<16xi32>,
        %get3A_353 = vector.shape_cast %get3A_352 : vector<16xi32> to vector<16xi32>
        %add3A_354 = arith.constant 17000000 : i32
        %add3A_355 = vector.broadcast %add3A_354 : i32 to vector<16xi32>
        %add3A_356 = arith.addi %get3A_353, %add3A_355 : vector<16xi32>
        %dma_start3A_357 = tpu.memref_slice %arg8[%add3A_351] : memref<6656xf32, #tpu.memory_space<vmem>> -> memref<16xf32, #tpu.memory_space<vmem>>
        %dma_start3A_358 = arith.constant 0 : i32
        %dma_start3A_359 = tpu.memref_slice %arg4[%dma_start3A_358] : memref<26000000xf32, #tpu.memory_space<hbm>> -> memref<26000000xf32, #tpu.memory_space<hbm>>
        tpu.enqueue_indirect_dma source(%dma_start3A_359 : memref<26000000xf32, #tpu.memory_space<hbm>>) target(%dma_start3A_357 : memref<16xf32, #tpu.memory_space<vmem>>) offsets(%add3A_356 : vector<16xi32>) semaphore(%arg12 : memref<!tpu.dma_semaphore, #tpu.memory_space<semaphore_mem>>)
      }
      %scan3A_136 = arith.constant 16 : i32
      %scan3A_137 = arith.constant 0 : i32
      %scan3A_138 = arith.constant 0 : i32
      %scan3A_139 = arith.constant 16 : i32
      %scan3A_140 = arith.addi %scan3A_138, %scan3A_139 : i32
      %scan3A_141 = arith.constant 1 : i32
      scf.for %scan3A_347 = %scan3A_138 to %scan3A_140 step %scan3A_141  : i32 {
        %mul3A_348 = arith.constant 16 : i32
        %mul3A_349 = arith.muli %scan3A_347, %mul3A_348 : i32
        %add3A_350 = arith.constant 4608 : i32
        %add3A_351 = arith.addi %add3A_350, %mul3A_349 : i32
        %get3A = arith.index_cast %add3A_351 : i32 to index
        %get3A_352 = tpu.vector_load %arg7[%get3A] {strides = array<i32>} : memref<6656xi32, #tpu.memory_space<vmem>>, vector<16xi32>,
        %get3A_353 = vector.shape_cast %get3A_352 : vector<16xi32> to vector<16xi32>
        %add3A_354 = arith.constant 18000000 : i32
        %add3A_355 = vector.broadcast %add3A_354 : i32 to vector<16xi32>
        %add3A_356 = arith.addi %get3A_353, %add3A_355 : vector<16xi32>
        %dma_start3A_357 = tpu.memref_slice %arg8[%add3A_351] : memref<6656xf32, #tpu.memory_space<vmem>> -> memref<16xf32, #tpu.memory_space<vmem>>
        %dma_start3A_358 = arith.constant 0 : i32
        %dma_start3A_359 = tpu.memref_slice %arg4[%dma_start3A_358] : memref<26000000xf32, #tpu.memory_space<hbm>> -> memref<26000000xf32, #tpu.memory_space<hbm>>
        tpu.enqueue_indirect_dma source(%dma_start3A_359 : memref<26000000xf32, #tpu.memory_space<hbm>>) target(%dma_start3A_357 : memref<16xf32, #tpu.memory_space<vmem>>) offsets(%add3A_356 : vector<16xi32>) semaphore(%arg12 : memref<!tpu.dma_semaphore, #tpu.memory_space<semaphore_mem>>)
      }
      %scan3A_142 = arith.constant 16 : i32
      %scan3A_143 = arith.constant 0 : i32
      %scan3A_144 = arith.constant 0 : i32
      %scan3A_145 = arith.constant 16 : i32
      %scan3A_146 = arith.addi %scan3A_144, %scan3A_145 : i32
      %scan3A_147 = arith.constant 1 : i32
      scf.for %scan3A_347 = %scan3A_144 to %scan3A_146 step %scan3A_147  : i32 {
        %mul3A_348 = arith.constant 16 : i32
        %mul3A_349 = arith.muli %scan3A_347, %mul3A_348 : i32
        %add3A_350 = arith.constant 4864 : i32
        %add3A_351 = arith.addi %add3A_350, %mul3A_349 : i32
        %get3A = arith.index_cast %add3A_351 : i32 to index
        %get3A_352 = tpu.vector_load %arg7[%get3A] {strides = array<i32>} : memref<6656xi32, #tpu.memory_space<vmem>>, vector<16xi32>,
        %get3A_353 = vector.shape_cast %get3A_352 : vector<16xi32> to vector<16xi32>
        %add3A_354 = arith.constant 19000000 : i32
        %add3A_355 = vector.broadcast %add3A_354 : i32 to vector<16xi32>
        %add3A_356 = arith.addi %get3A_353, %add3A_355 : vector<16xi32>
        %dma_start3A_357 = tpu.memref_slice %arg8[%add3A_351] : memref<6656xf32, #tpu.memory_space<vmem>> -> memref<16xf32, #tpu.memory_space<vmem>>
        %dma_start3A_358 = arith.constant 0 : i32
        %dma_start3A_359 = tpu.memref_slice %arg4[%dma_start3A_358] : memref<26000000xf32, #tpu.memory_space<hbm>> -> memref<26000000xf32, #tpu.memory_space<hbm>>
        tpu.enqueue_indirect_dma source(%dma_start3A_359 : memref<26000000xf32, #tpu.memory_space<hbm>>) target(%dma_start3A_357 : memref<16xf32, #tpu.memory_space<vmem>>) offsets(%add3A_356 : vector<16xi32>) semaphore(%arg12 : memref<!tpu.dma_semaphore, #tpu.memory_space<semaphore_mem>>)
      }
      %scan3A_148 = arith.constant 16 : i32
      %scan3A_149 = arith.constant 0 : i32
      %scan3A_150 = arith.constant 0 : i32
      %scan3A_151 = arith.constant 16 : i32
      %scan3A_152 = arith.addi %scan3A_150, %scan3A_151 : i32
      %scan3A_153 = arith.constant 1 : i32
      scf.for %scan3A_347 = %scan3A_150 to %scan3A_152 step %scan3A_153  : i32 {
        %mul3A_348 = arith.constant 16 : i32
        %mul3A_349 = arith.muli %scan3A_347, %mul3A_348 : i32
        %add3A_350 = arith.constant 5120 : i32
        %add3A_351 = arith.addi %add3A_350, %mul3A_349 : i32
        %get3A = arith.index_cast %add3A_351 : i32 to index
        %get3A_352 = tpu.vector_load %arg7[%get3A] {strides = array<i32>} : memref<6656xi32, #tpu.memory_space<vmem>>, vector<16xi32>,
        %get3A_353 = vector.shape_cast %get3A_352 : vector<16xi32> to vector<16xi32>
        %add3A_354 = arith.constant 20000000 : i32
        %add3A_355 = vector.broadcast %add3A_354 : i32 to vector<16xi32>
        %add3A_356 = arith.addi %get3A_353, %add3A_355 : vector<16xi32>
        %dma_start3A_357 = tpu.memref_slice %arg8[%add3A_351] : memref<6656xf32, #tpu.memory_space<vmem>> -> memref<16xf32, #tpu.memory_space<vmem>>
        %dma_start3A_358 = arith.constant 0 : i32
        %dma_start3A_359 = tpu.memref_slice %arg4[%dma_start3A_358] : memref<26000000xf32, #tpu.memory_space<hbm>> -> memref<26000000xf32, #tpu.memory_space<hbm>>
        tpu.enqueue_indirect_dma source(%dma_start3A_359 : memref<26000000xf32, #tpu.memory_space<hbm>>) target(%dma_start3A_357 : memref<16xf32, #tpu.memory_space<vmem>>) offsets(%add3A_356 : vector<16xi32>) semaphore(%arg12 : memref<!tpu.dma_semaphore, #tpu.memory_space<semaphore_mem>>)
      }
      %scan3A_154 = arith.constant 16 : i32
      %scan3A_155 = arith.constant 0 : i32
      %scan3A_156 = arith.constant 0 : i32
      %scan3A_157 = arith.constant 16 : i32
      %scan3A_158 = arith.addi %scan3A_156, %scan3A_157 : i32
      %scan3A_159 = arith.constant 1 : i32
      scf.for %scan3A_347 = %scan3A_156 to %scan3A_158 step %scan3A_159  : i32 {
        %mul3A_348 = arith.constant 16 : i32
        %mul3A_349 = arith.muli %scan3A_347, %mul3A_348 : i32
        %add3A_350 = arith.constant 5376 : i32
        %add3A_351 = arith.addi %add3A_350, %mul3A_349 : i32
        %get3A = arith.index_cast %add3A_351 : i32 to index
        %get3A_352 = tpu.vector_load %arg7[%get3A] {strides = array<i32>} : memref<6656xi32, #tpu.memory_space<vmem>>, vector<16xi32>,
        %get3A_353 = vector.shape_cast %get3A_352 : vector<16xi32> to vector<16xi32>
        %add3A_354 = arith.constant 21000000 : i32
        %add3A_355 = vector.broadcast %add3A_354 : i32 to vector<16xi32>
        %add3A_356 = arith.addi %get3A_353, %add3A_355 : vector<16xi32>
        %dma_start3A_357 = tpu.memref_slice %arg8[%add3A_351] : memref<6656xf32, #tpu.memory_space<vmem>> -> memref<16xf32, #tpu.memory_space<vmem>>
        %dma_start3A_358 = arith.constant 0 : i32
        %dma_start3A_359 = tpu.memref_slice %arg4[%dma_start3A_358] : memref<26000000xf32, #tpu.memory_space<hbm>> -> memref<26000000xf32, #tpu.memory_space<hbm>>
        tpu.enqueue_indirect_dma source(%dma_start3A_359 : memref<26000000xf32, #tpu.memory_space<hbm>>) target(%dma_start3A_357 : memref<16xf32, #tpu.memory_space<vmem>>) offsets(%add3A_356 : vector<16xi32>) semaphore(%arg12 : memref<!tpu.dma_semaphore, #tpu.memory_space<semaphore_mem>>)
      }
      %scan3A_160 = arith.constant 16 : i32
      %scan3A_161 = arith.constant 0 : i32
      %scan3A_162 = arith.constant 0 : i32
      %scan3A_163 = arith.constant 16 : i32
      %scan3A_164 = arith.addi %scan3A_162, %scan3A_163 : i32
      %scan3A_165 = arith.constant 1 : i32
      scf.for %scan3A_347 = %scan3A_162 to %scan3A_164 step %scan3A_165  : i32 {
        %mul3A_348 = arith.constant 16 : i32
        %mul3A_349 = arith.muli %scan3A_347, %mul3A_348 : i32
        %add3A_350 = arith.constant 5632 : i32
        %add3A_351 = arith.addi %add3A_350, %mul3A_349 : i32
        %get3A = arith.index_cast %add3A_351 : i32 to index
        %get3A_352 = tpu.vector_load %arg7[%get3A] {strides = array<i32>} : memref<6656xi32, #tpu.memory_space<vmem>>, vector<16xi32>,
        %get3A_353 = vector.shape_cast %get3A_352 : vector<16xi32> to vector<16xi32>
        %add3A_354 = arith.constant 22000000 : i32
        %add3A_355 = vector.broadcast %add3A_354 : i32 to vector<16xi32>
        %add3A_356 = arith.addi %get3A_353, %add3A_355 : vector<16xi32>
        %dma_start3A_357 = tpu.memref_slice %arg8[%add3A_351] : memref<6656xf32, #tpu.memory_space<vmem>> -> memref<16xf32, #tpu.memory_space<vmem>>
        %dma_start3A_358 = arith.constant 0 : i32
        %dma_start3A_359 = tpu.memref_slice %arg4[%dma_start3A_358] : memref<26000000xf32, #tpu.memory_space<hbm>> -> memref<26000000xf32, #tpu.memory_space<hbm>>
        tpu.enqueue_indirect_dma source(%dma_start3A_359 : memref<26000000xf32, #tpu.memory_space<hbm>>) target(%dma_start3A_357 : memref<16xf32, #tpu.memory_space<vmem>>) offsets(%add3A_356 : vector<16xi32>) semaphore(%arg12 : memref<!tpu.dma_semaphore, #tpu.memory_space<semaphore_mem>>)
      }
      %scan3A_166 = arith.constant 16 : i32
      %scan3A_167 = arith.constant 0 : i32
      %scan3A_168 = arith.constant 0 : i32
      %scan3A_169 = arith.constant 16 : i32
      %scan3A_170 = arith.addi %scan3A_168, %scan3A_169 : i32
      %scan3A_171 = arith.constant 1 : i32
      scf.for %scan3A_347 = %scan3A_168 to %scan3A_170 step %scan3A_171  : i32 {
        %mul3A_348 = arith.constant 16 : i32
        %mul3A_349 = arith.muli %scan3A_347, %mul3A_348 : i32
        %add3A_350 = arith.constant 5888 : i32
        %add3A_351 = arith.addi %add3A_350, %mul3A_349 : i32
        %get3A = arith.index_cast %add3A_351 : i32 to index
        %get3A_352 = tpu.vector_load %arg7[%get3A] {strides = array<i32>} : memref<6656xi32, #tpu.memory_space<vmem>>, vector<16xi32>,
        %get3A_353 = vector.shape_cast %get3A_352 : vector<16xi32> to vector<16xi32>
        %add3A_354 = arith.constant 23000000 : i32
        %add3A_355 = vector.broadcast %add3A_354 : i32 to vector<16xi32>
        %add3A_356 = arith.addi %get3A_353, %add3A_355 : vector<16xi32>
        %dma_start3A_357 = tpu.memref_slice %arg8[%add3A_351] : memref<6656xf32, #tpu.memory_space<vmem>> -> memref<16xf32, #tpu.memory_space<vmem>>
        %dma_start3A_358 = arith.constant 0 : i32
        %dma_start3A_359 = tpu.memref_slice %arg4[%dma_start3A_358] : memref<26000000xf32, #tpu.memory_space<hbm>> -> memref<26000000xf32, #tpu.memory_space<hbm>>
        tpu.enqueue_indirect_dma source(%dma_start3A_359 : memref<26000000xf32, #tpu.memory_space<hbm>>) target(%dma_start3A_357 : memref<16xf32, #tpu.memory_space<vmem>>) offsets(%add3A_356 : vector<16xi32>) semaphore(%arg12 : memref<!tpu.dma_semaphore, #tpu.memory_space<semaphore_mem>>)
      }
      %scan3A_172 = arith.constant 16 : i32
      %scan3A_173 = arith.constant 0 : i32
      %scan3A_174 = arith.constant 0 : i32
      %scan3A_175 = arith.constant 16 : i32
      %scan3A_176 = arith.addi %scan3A_174, %scan3A_175 : i32
      %scan3A_177 = arith.constant 1 : i32
      scf.for %scan3A_347 = %scan3A_174 to %scan3A_176 step %scan3A_177  : i32 {
        %mul3A_348 = arith.constant 16 : i32
        %mul3A_349 = arith.muli %scan3A_347, %mul3A_348 : i32
        %add3A_350 = arith.constant 6144 : i32
        %add3A_351 = arith.addi %add3A_350, %mul3A_349 : i32
        %get3A = arith.index_cast %add3A_351 : i32 to index
        %get3A_352 = tpu.vector_load %arg7[%get3A] {strides = array<i32>} : memref<6656xi32, #tpu.memory_space<vmem>>, vector<16xi32>,
        %get3A_353 = vector.shape_cast %get3A_352 : vector<16xi32> to vector<16xi32>
        %add3A_354 = arith.constant 24000000 : i32
        %add3A_355 = vector.broadcast %add3A_354 : i32 to vector<16xi32>
        %add3A_356 = arith.addi %get3A_353, %add3A_355 : vector<16xi32>
        %dma_start3A_357 = tpu.memref_slice %arg8[%add3A_351] : memref<6656xf32, #tpu.memory_space<vmem>> -> memref<16xf32, #tpu.memory_space<vmem>>
        %dma_start3A_358 = arith.constant 0 : i32
        %dma_start3A_359 = tpu.memref_slice %arg4[%dma_start3A_358] : memref<26000000xf32, #tpu.memory_space<hbm>> -> memref<26000000xf32, #tpu.memory_space<hbm>>
        tpu.enqueue_indirect_dma source(%dma_start3A_359 : memref<26000000xf32, #tpu.memory_space<hbm>>) target(%dma_start3A_357 : memref<16xf32, #tpu.memory_space<vmem>>) offsets(%add3A_356 : vector<16xi32>) semaphore(%arg12 : memref<!tpu.dma_semaphore, #tpu.memory_space<semaphore_mem>>)
      }
      %scan3A_178 = arith.constant 16 : i32
      %scan3A_179 = arith.constant 0 : i32
      %scan3A_180 = arith.constant 0 : i32
      %scan3A_181 = arith.constant 16 : i32
      %scan3A_182 = arith.addi %scan3A_180, %scan3A_181 : i32
      %scan3A_183 = arith.constant 1 : i32
      scf.for %scan3A_347 = %scan3A_180 to %scan3A_182 step %scan3A_183  : i32 {
        %mul3A_348 = arith.constant 16 : i32
        %mul3A_349 = arith.muli %scan3A_347, %mul3A_348 : i32
        %add3A_350 = arith.constant 6400 : i32
        %add3A_351 = arith.addi %add3A_350, %mul3A_349 : i32
        %get3A = arith.index_cast %add3A_351 : i32 to index
        %get3A_352 = tpu.vector_load %arg7[%get3A] {strides = array<i32>} : memref<6656xi32, #tpu.memory_space<vmem>>, vector<16xi32>,
        %get3A_353 = vector.shape_cast %get3A_352 : vector<16xi32> to vector<16xi32>
        %add3A_354 = arith.constant 25000000 : i32
        %add3A_355 = vector.broadcast %add3A_354 : i32 to vector<16xi32>
        %add3A_356 = arith.addi %get3A_353, %add3A_355 : vector<16xi32>
        %dma_start3A_357 = tpu.memref_slice %arg8[%add3A_351] : memref<6656xf32, #tpu.memory_space<vmem>> -> memref<16xf32, #tpu.memory_space<vmem>>
        %dma_start3A_358 = arith.constant 0 : i32
        %dma_start3A_359 = tpu.memref_slice %arg4[%dma_start3A_358] : memref<26000000xf32, #tpu.memory_space<hbm>> -> memref<26000000xf32, #tpu.memory_space<hbm>>
        tpu.enqueue_indirect_dma source(%dma_start3A_359 : memref<26000000xf32, #tpu.memory_space<hbm>>) target(%dma_start3A_357 : memref<16xf32, #tpu.memory_space<vmem>>) offsets(%add3A_356 : vector<16xi32>) semaphore(%arg12 : memref<!tpu.dma_semaphore, #tpu.memory_space<semaphore_mem>>)
      }
      %scan3A_184 = arith.constant 16 : i32
      %scan3A_185 = arith.constant 0 : i32
      %scan3A_186 = arith.constant 0 : i32
      %scan3A_187 = arith.constant 16 : i32
      %scan3A_188 = arith.addi %scan3A_186, %scan3A_187 : i32
      %scan3A_189 = arith.constant 1 : i32
      scf.for %scan3A_347 = %scan3A_186 to %scan3A_188 step %scan3A_189  : i32 {
        %mul3A_348 = arith.constant 16 : i32
        %mul3A_349 = arith.muli %scan3A_347, %mul3A_348 : i32
        %add3A_350 = arith.constant 0 : i32
        %add3A_351 = arith.addi %add3A_350, %mul3A_349 : i32
        %get3A = arith.index_cast %add3A_351 : i32 to index
        %get3A_352 = tpu.vector_load %arg7[%get3A] {strides = array<i32>} : memref<6656xi32, #tpu.memory_space<vmem>>, vector<16xi32>,
        %get3A_353 = vector.shape_cast %get3A_352 : vector<16xi32> to vector<16xi32>
        %add3A_354 = arith.constant 0 : i32
        %add3A_355 = vector.broadcast %add3A_354 : i32 to vector<16xi32>
        %add3A_356 = arith.addi %get3A_353, %add3A_355 : vector<16xi32>
        %dma_wait3A_357 = tpu.memref_slice %arg8[%add3A_351] : memref<6656xf32, #tpu.memory_space<vmem>> -> memref<16xf32, #tpu.memory_space<vmem>>
        %dma_wait3A_358 = arith.constant 0 : i32
        %dma_wait3A_359 = tpu.memref_slice %arg4[%dma_wait3A_358] : memref<26000000xf32, #tpu.memory_space<hbm>> -> memref<26000000xf32, #tpu.memory_space<hbm>>
        tpu.wait_indirect_dma semaphore(%arg12 : memref<!tpu.dma_semaphore, #tpu.memory_space<semaphore_mem>>) src(%dma_wait3A_359 : memref<26000000xf32, #tpu.memory_space<hbm>>) dst(%dma_wait3A_357 : memref<16xf32, #tpu.memory_space<vmem>>)
      }
      %scan3A_190 = arith.constant 16 : i32
      %scan3A_191 = arith.constant 0 : i32
      %scan3A_192 = arith.constant 0 : i32
      %scan3A_193 = arith.constant 16 : i32
      %scan3A_194 = arith.addi %scan3A_192, %scan3A_193 : i32
      %scan3A_195 = arith.constant 1 : i32
      scf.for %scan3A_347 = %scan3A_192 to %scan3A_194 step %scan3A_195  : i32 {
        %mul3A_348 = arith.constant 16 : i32
        %mul3A_349 = arith.muli %scan3A_347, %mul3A_348 : i32
        %add3A_350 = arith.constant 256 : i32
        %add3A_351 = arith.addi %add3A_350, %mul3A_349 : i32
        %get3A = arith.index_cast %add3A_351 : i32 to index
        %get3A_352 = tpu.vector_load %arg7[%get3A] {strides = array<i32>} : memref<6656xi32, #tpu.memory_space<vmem>>, vector<16xi32>,
        %get3A_353 = vector.shape_cast %get3A_352 : vector<16xi32> to vector<16xi32>
        %add3A_354 = arith.constant 1000000 : i32
        %add3A_355 = vector.broadcast %add3A_354 : i32 to vector<16xi32>
        %add3A_356 = arith.addi %get3A_353, %add3A_355 : vector<16xi32>
        %dma_wait3A_357 = tpu.memref_slice %arg8[%add3A_351] : memref<6656xf32, #tpu.memory_space<vmem>> -> memref<16xf32, #tpu.memory_space<vmem>>
        %dma_wait3A_358 = arith.constant 0 : i32
        %dma_wait3A_359 = tpu.memref_slice %arg4[%dma_wait3A_358] : memref<26000000xf32, #tpu.memory_space<hbm>> -> memref<26000000xf32, #tpu.memory_space<hbm>>
        tpu.wait_indirect_dma semaphore(%arg12 : memref<!tpu.dma_semaphore, #tpu.memory_space<semaphore_mem>>) src(%dma_wait3A_359 : memref<26000000xf32, #tpu.memory_space<hbm>>) dst(%dma_wait3A_357 : memref<16xf32, #tpu.memory_space<vmem>>)
      }
      %scan3A_196 = arith.constant 16 : i32
      %scan3A_197 = arith.constant 0 : i32
      %scan3A_198 = arith.constant 0 : i32
      %scan3A_199 = arith.constant 16 : i32
      %scan3A_200 = arith.addi %scan3A_198, %scan3A_199 : i32
      %scan3A_201 = arith.constant 1 : i32
      scf.for %scan3A_347 = %scan3A_198 to %scan3A_200 step %scan3A_201  : i32 {
        %mul3A_348 = arith.constant 16 : i32
        %mul3A_349 = arith.muli %scan3A_347, %mul3A_348 : i32
        %add3A_350 = arith.constant 512 : i32
        %add3A_351 = arith.addi %add3A_350, %mul3A_349 : i32
        %get3A = arith.index_cast %add3A_351 : i32 to index
        %get3A_352 = tpu.vector_load %arg7[%get3A] {strides = array<i32>} : memref<6656xi32, #tpu.memory_space<vmem>>, vector<16xi32>,
        %get3A_353 = vector.shape_cast %get3A_352 : vector<16xi32> to vector<16xi32>
        %add3A_354 = arith.constant 2000000 : i32
        %add3A_355 = vector.broadcast %add3A_354 : i32 to vector<16xi32>
        %add3A_356 = arith.addi %get3A_353, %add3A_355 : vector<16xi32>
        %dma_wait3A_357 = tpu.memref_slice %arg8[%add3A_351] : memref<6656xf32, #tpu.memory_space<vmem>> -> memref<16xf32, #tpu.memory_space<vmem>>
        %dma_wait3A_358 = arith.constant 0 : i32
        %dma_wait3A_359 = tpu.memref_slice %arg4[%dma_wait3A_358] : memref<26000000xf32, #tpu.memory_space<hbm>> -> memref<26000000xf32, #tpu.memory_space<hbm>>
        tpu.wait_indirect_dma semaphore(%arg12 : memref<!tpu.dma_semaphore, #tpu.memory_space<semaphore_mem>>) src(%dma_wait3A_359 : memref<26000000xf32, #tpu.memory_space<hbm>>) dst(%dma_wait3A_357 : memref<16xf32, #tpu.memory_space<vmem>>)
      }
      %scan3A_202 = arith.constant 16 : i32
      %scan3A_203 = arith.constant 0 : i32
      %scan3A_204 = arith.constant 0 : i32
      %scan3A_205 = arith.constant 16 : i32
      %scan3A_206 = arith.addi %scan3A_204, %scan3A_205 : i32
      %scan3A_207 = arith.constant 1 : i32
      scf.for %scan3A_347 = %scan3A_204 to %scan3A_206 step %scan3A_207  : i32 {
        %mul3A_348 = arith.constant 16 : i32
        %mul3A_349 = arith.muli %scan3A_347, %mul3A_348 : i32
        %add3A_350 = arith.constant 768 : i32
        %add3A_351 = arith.addi %add3A_350, %mul3A_349 : i32
        %get3A = arith.index_cast %add3A_351 : i32 to index
        %get3A_352 = tpu.vector_load %arg7[%get3A] {strides = array<i32>} : memref<6656xi32, #tpu.memory_space<vmem>>, vector<16xi32>,
        %get3A_353 = vector.shape_cast %get3A_352 : vector<16xi32> to vector<16xi32>
        %add3A_354 = arith.constant 3000000 : i32
        %add3A_355 = vector.broadcast %add3A_354 : i32 to vector<16xi32>
        %add3A_356 = arith.addi %get3A_353, %add3A_355 : vector<16xi32>
        %dma_wait3A_357 = tpu.memref_slice %arg8[%add3A_351] : memref<6656xf32, #tpu.memory_space<vmem>> -> memref<16xf32, #tpu.memory_space<vmem>>
        %dma_wait3A_358 = arith.constant 0 : i32
        %dma_wait3A_359 = tpu.memref_slice %arg4[%dma_wait3A_358] : memref<26000000xf32, #tpu.memory_space<hbm>> -> memref<26000000xf32, #tpu.memory_space<hbm>>
        tpu.wait_indirect_dma semaphore(%arg12 : memref<!tpu.dma_semaphore, #tpu.memory_space<semaphore_mem>>) src(%dma_wait3A_359 : memref<26000000xf32, #tpu.memory_space<hbm>>) dst(%dma_wait3A_357 : memref<16xf32, #tpu.memory_space<vmem>>)
      }
      %scan3A_208 = arith.constant 16 : i32
      %scan3A_209 = arith.constant 0 : i32
      %scan3A_210 = arith.constant 0 : i32
      %scan3A_211 = arith.constant 16 : i32
      %scan3A_212 = arith.addi %scan3A_210, %scan3A_211 : i32
      %scan3A_213 = arith.constant 1 : i32
      scf.for %scan3A_347 = %scan3A_210 to %scan3A_212 step %scan3A_213  : i32 {
        %mul3A_348 = arith.constant 16 : i32
        %mul3A_349 = arith.muli %scan3A_347, %mul3A_348 : i32
        %add3A_350 = arith.constant 1024 : i32
        %add3A_351 = arith.addi %add3A_350, %mul3A_349 : i32
        %get3A = arith.index_cast %add3A_351 : i32 to index
        %get3A_352 = tpu.vector_load %arg7[%get3A] {strides = array<i32>} : memref<6656xi32, #tpu.memory_space<vmem>>, vector<16xi32>,
        %get3A_353 = vector.shape_cast %get3A_352 : vector<16xi32> to vector<16xi32>
        %add3A_354 = arith.constant 4000000 : i32
        %add3A_355 = vector.broadcast %add3A_354 : i32 to vector<16xi32>
        %add3A_356 = arith.addi %get3A_353, %add3A_355 : vector<16xi32>
        %dma_wait3A_357 = tpu.memref_slice %arg8[%add3A_351] : memref<6656xf32, #tpu.memory_space<vmem>> -> memref<16xf32, #tpu.memory_space<vmem>>
        %dma_wait3A_358 = arith.constant 0 : i32
        %dma_wait3A_359 = tpu.memref_slice %arg4[%dma_wait3A_358] : memref<26000000xf32, #tpu.memory_space<hbm>> -> memref<26000000xf32, #tpu.memory_space<hbm>>
        tpu.wait_indirect_dma semaphore(%arg12 : memref<!tpu.dma_semaphore, #tpu.memory_space<semaphore_mem>>) src(%dma_wait3A_359 : memref<26000000xf32, #tpu.memory_space<hbm>>) dst(%dma_wait3A_357 : memref<16xf32, #tpu.memory_space<vmem>>)
      }
      %scan3A_214 = arith.constant 16 : i32
      %scan3A_215 = arith.constant 0 : i32
      %scan3A_216 = arith.constant 0 : i32
      %scan3A_217 = arith.constant 16 : i32
      %scan3A_218 = arith.addi %scan3A_216, %scan3A_217 : i32
      %scan3A_219 = arith.constant 1 : i32
      scf.for %scan3A_347 = %scan3A_216 to %scan3A_218 step %scan3A_219  : i32 {
        %mul3A_348 = arith.constant 16 : i32
        %mul3A_349 = arith.muli %scan3A_347, %mul3A_348 : i32
        %add3A_350 = arith.constant 1280 : i32
        %add3A_351 = arith.addi %add3A_350, %mul3A_349 : i32
        %get3A = arith.index_cast %add3A_351 : i32 to index
        %get3A_352 = tpu.vector_load %arg7[%get3A] {strides = array<i32>} : memref<6656xi32, #tpu.memory_space<vmem>>, vector<16xi32>,
        %get3A_353 = vector.shape_cast %get3A_352 : vector<16xi32> to vector<16xi32>
        %add3A_354 = arith.constant 5000000 : i32
        %add3A_355 = vector.broadcast %add3A_354 : i32 to vector<16xi32>
        %add3A_356 = arith.addi %get3A_353, %add3A_355 : vector<16xi32>
        %dma_wait3A_357 = tpu.memref_slice %arg8[%add3A_351] : memref<6656xf32, #tpu.memory_space<vmem>> -> memref<16xf32, #tpu.memory_space<vmem>>
        %dma_wait3A_358 = arith.constant 0 : i32
        %dma_wait3A_359 = tpu.memref_slice %arg4[%dma_wait3A_358] : memref<26000000xf32, #tpu.memory_space<hbm>> -> memref<26000000xf32, #tpu.memory_space<hbm>>
        tpu.wait_indirect_dma semaphore(%arg12 : memref<!tpu.dma_semaphore, #tpu.memory_space<semaphore_mem>>) src(%dma_wait3A_359 : memref<26000000xf32, #tpu.memory_space<hbm>>) dst(%dma_wait3A_357 : memref<16xf32, #tpu.memory_space<vmem>>)
      }
      %scan3A_220 = arith.constant 16 : i32
      %scan3A_221 = arith.constant 0 : i32
      %scan3A_222 = arith.constant 0 : i32
      %scan3A_223 = arith.constant 16 : i32
      %scan3A_224 = arith.addi %scan3A_222, %scan3A_223 : i32
      %scan3A_225 = arith.constant 1 : i32
      scf.for %scan3A_347 = %scan3A_222 to %scan3A_224 step %scan3A_225  : i32 {
        %mul3A_348 = arith.constant 16 : i32
        %mul3A_349 = arith.muli %scan3A_347, %mul3A_348 : i32
        %add3A_350 = arith.constant 1536 : i32
        %add3A_351 = arith.addi %add3A_350, %mul3A_349 : i32
        %get3A = arith.index_cast %add3A_351 : i32 to index
        %get3A_352 = tpu.vector_load %arg7[%get3A] {strides = array<i32>} : memref<6656xi32, #tpu.memory_space<vmem>>, vector<16xi32>,
        %get3A_353 = vector.shape_cast %get3A_352 : vector<16xi32> to vector<16xi32>
        %add3A_354 = arith.constant 6000000 : i32
        %add3A_355 = vector.broadcast %add3A_354 : i32 to vector<16xi32>
        %add3A_356 = arith.addi %get3A_353, %add3A_355 : vector<16xi32>
        %dma_wait3A_357 = tpu.memref_slice %arg8[%add3A_351] : memref<6656xf32, #tpu.memory_space<vmem>> -> memref<16xf32, #tpu.memory_space<vmem>>
        %dma_wait3A_358 = arith.constant 0 : i32
        %dma_wait3A_359 = tpu.memref_slice %arg4[%dma_wait3A_358] : memref<26000000xf32, #tpu.memory_space<hbm>> -> memref<26000000xf32, #tpu.memory_space<hbm>>
        tpu.wait_indirect_dma semaphore(%arg12 : memref<!tpu.dma_semaphore, #tpu.memory_space<semaphore_mem>>) src(%dma_wait3A_359 : memref<26000000xf32, #tpu.memory_space<hbm>>) dst(%dma_wait3A_357 : memref<16xf32, #tpu.memory_space<vmem>>)
      }
      %scan3A_226 = arith.constant 16 : i32
      %scan3A_227 = arith.constant 0 : i32
      %scan3A_228 = arith.constant 0 : i32
      %scan3A_229 = arith.constant 16 : i32
      %scan3A_230 = arith.addi %scan3A_228, %scan3A_229 : i32
      %scan3A_231 = arith.constant 1 : i32
      scf.for %scan3A_347 = %scan3A_228 to %scan3A_230 step %scan3A_231  : i32 {
        %mul3A_348 = arith.constant 16 : i32
        %mul3A_349 = arith.muli %scan3A_347, %mul3A_348 : i32
        %add3A_350 = arith.constant 1792 : i32
        %add3A_351 = arith.addi %add3A_350, %mul3A_349 : i32
        %get3A = arith.index_cast %add3A_351 : i32 to index
        %get3A_352 = tpu.vector_load %arg7[%get3A] {strides = array<i32>} : memref<6656xi32, #tpu.memory_space<vmem>>, vector<16xi32>,
        %get3A_353 = vector.shape_cast %get3A_352 : vector<16xi32> to vector<16xi32>
        %add3A_354 = arith.constant 7000000 : i32
        %add3A_355 = vector.broadcast %add3A_354 : i32 to vector<16xi32>
        %add3A_356 = arith.addi %get3A_353, %add3A_355 : vector<16xi32>
        %dma_wait3A_357 = tpu.memref_slice %arg8[%add3A_351] : memref<6656xf32, #tpu.memory_space<vmem>> -> memref<16xf32, #tpu.memory_space<vmem>>
        %dma_wait3A_358 = arith.constant 0 : i32
        %dma_wait3A_359 = tpu.memref_slice %arg4[%dma_wait3A_358] : memref<26000000xf32, #tpu.memory_space<hbm>> -> memref<26000000xf32, #tpu.memory_space<hbm>>
        tpu.wait_indirect_dma semaphore(%arg12 : memref<!tpu.dma_semaphore, #tpu.memory_space<semaphore_mem>>) src(%dma_wait3A_359 : memref<26000000xf32, #tpu.memory_space<hbm>>) dst(%dma_wait3A_357 : memref<16xf32, #tpu.memory_space<vmem>>)
      }
      %scan3A_232 = arith.constant 16 : i32
      %scan3A_233 = arith.constant 0 : i32
      %scan3A_234 = arith.constant 0 : i32
      %scan3A_235 = arith.constant 16 : i32
      %scan3A_236 = arith.addi %scan3A_234, %scan3A_235 : i32
      %scan3A_237 = arith.constant 1 : i32
      scf.for %scan3A_347 = %scan3A_234 to %scan3A_236 step %scan3A_237  : i32 {
        %mul3A_348 = arith.constant 16 : i32
        %mul3A_349 = arith.muli %scan3A_347, %mul3A_348 : i32
        %add3A_350 = arith.constant 2048 : i32
        %add3A_351 = arith.addi %add3A_350, %mul3A_349 : i32
        %get3A = arith.index_cast %add3A_351 : i32 to index
        %get3A_352 = tpu.vector_load %arg7[%get3A] {strides = array<i32>} : memref<6656xi32, #tpu.memory_space<vmem>>, vector<16xi32>,
        %get3A_353 = vector.shape_cast %get3A_352 : vector<16xi32> to vector<16xi32>
        %add3A_354 = arith.constant 8000000 : i32
        %add3A_355 = vector.broadcast %add3A_354 : i32 to vector<16xi32>
        %add3A_356 = arith.addi %get3A_353, %add3A_355 : vector<16xi32>
        %dma_wait3A_357 = tpu.memref_slice %arg8[%add3A_351] : memref<6656xf32, #tpu.memory_space<vmem>> -> memref<16xf32, #tpu.memory_space<vmem>>
        %dma_wait3A_358 = arith.constant 0 : i32
        %dma_wait3A_359 = tpu.memref_slice %arg4[%dma_wait3A_358] : memref<26000000xf32, #tpu.memory_space<hbm>> -> memref<26000000xf32, #tpu.memory_space<hbm>>
        tpu.wait_indirect_dma semaphore(%arg12 : memref<!tpu.dma_semaphore, #tpu.memory_space<semaphore_mem>>) src(%dma_wait3A_359 : memref<26000000xf32, #tpu.memory_space<hbm>>) dst(%dma_wait3A_357 : memref<16xf32, #tpu.memory_space<vmem>>)
      }
      %scan3A_238 = arith.constant 16 : i32
      %scan3A_239 = arith.constant 0 : i32
      %scan3A_240 = arith.constant 0 : i32
      %scan3A_241 = arith.constant 16 : i32
      %scan3A_242 = arith.addi %scan3A_240, %scan3A_241 : i32
      %scan3A_243 = arith.constant 1 : i32
      scf.for %scan3A_347 = %scan3A_240 to %scan3A_242 step %scan3A_243  : i32 {
        %mul3A_348 = arith.constant 16 : i32
        %mul3A_349 = arith.muli %scan3A_347, %mul3A_348 : i32
        %add3A_350 = arith.constant 2304 : i32
        %add3A_351 = arith.addi %add3A_350, %mul3A_349 : i32
        %get3A = arith.index_cast %add3A_351 : i32 to index
        %get3A_352 = tpu.vector_load %arg7[%get3A] {strides = array<i32>} : memref<6656xi32, #tpu.memory_space<vmem>>, vector<16xi32>,
        %get3A_353 = vector.shape_cast %get3A_352 : vector<16xi32> to vector<16xi32>
        %add3A_354 = arith.constant 9000000 : i32
        %add3A_355 = vector.broadcast %add3A_354 : i32 to vector<16xi32>
        %add3A_356 = arith.addi %get3A_353, %add3A_355 : vector<16xi32>
        %dma_wait3A_357 = tpu.memref_slice %arg8[%add3A_351] : memref<6656xf32, #tpu.memory_space<vmem>> -> memref<16xf32, #tpu.memory_space<vmem>>
        %dma_wait3A_358 = arith.constant 0 : i32
        %dma_wait3A_359 = tpu.memref_slice %arg4[%dma_wait3A_358] : memref<26000000xf32, #tpu.memory_space<hbm>> -> memref<26000000xf32, #tpu.memory_space<hbm>>
        tpu.wait_indirect_dma semaphore(%arg12 : memref<!tpu.dma_semaphore, #tpu.memory_space<semaphore_mem>>) src(%dma_wait3A_359 : memref<26000000xf32, #tpu.memory_space<hbm>>) dst(%dma_wait3A_357 : memref<16xf32, #tpu.memory_space<vmem>>)
      }
      %scan3A_244 = arith.constant 16 : i32
      %scan3A_245 = arith.constant 0 : i32
      %scan3A_246 = arith.constant 0 : i32
      %scan3A_247 = arith.constant 16 : i32
      %scan3A_248 = arith.addi %scan3A_246, %scan3A_247 : i32
      %scan3A_249 = arith.constant 1 : i32
      scf.for %scan3A_347 = %scan3A_246 to %scan3A_248 step %scan3A_249  : i32 {
        %mul3A_348 = arith.constant 16 : i32
        %mul3A_349 = arith.muli %scan3A_347, %mul3A_348 : i32
        %add3A_350 = arith.constant 2560 : i32
        %add3A_351 = arith.addi %add3A_350, %mul3A_349 : i32
        %get3A = arith.index_cast %add3A_351 : i32 to index
        %get3A_352 = tpu.vector_load %arg7[%get3A] {strides = array<i32>} : memref<6656xi32, #tpu.memory_space<vmem>>, vector<16xi32>,
        %get3A_353 = vector.shape_cast %get3A_352 : vector<16xi32> to vector<16xi32>
        %add3A_354 = arith.constant 10000000 : i32
        %add3A_355 = vector.broadcast %add3A_354 : i32 to vector<16xi32>
        %add3A_356 = arith.addi %get3A_353, %add3A_355 : vector<16xi32>
        %dma_wait3A_357 = tpu.memref_slice %arg8[%add3A_351] : memref<6656xf32, #tpu.memory_space<vmem>> -> memref<16xf32, #tpu.memory_space<vmem>>
        %dma_wait3A_358 = arith.constant 0 : i32
        %dma_wait3A_359 = tpu.memref_slice %arg4[%dma_wait3A_358] : memref<26000000xf32, #tpu.memory_space<hbm>> -> memref<26000000xf32, #tpu.memory_space<hbm>>
        tpu.wait_indirect_dma semaphore(%arg12 : memref<!tpu.dma_semaphore, #tpu.memory_space<semaphore_mem>>) src(%dma_wait3A_359 : memref<26000000xf32, #tpu.memory_space<hbm>>) dst(%dma_wait3A_357 : memref<16xf32, #tpu.memory_space<vmem>>)
      }
      %scan3A_250 = arith.constant 16 : i32
      %scan3A_251 = arith.constant 0 : i32
      %scan3A_252 = arith.constant 0 : i32
      %scan3A_253 = arith.constant 16 : i32
      %scan3A_254 = arith.addi %scan3A_252, %scan3A_253 : i32
      %scan3A_255 = arith.constant 1 : i32
      scf.for %scan3A_347 = %scan3A_252 to %scan3A_254 step %scan3A_255  : i32 {
        %mul3A_348 = arith.constant 16 : i32
        %mul3A_349 = arith.muli %scan3A_347, %mul3A_348 : i32
        %add3A_350 = arith.constant 2816 : i32
        %add3A_351 = arith.addi %add3A_350, %mul3A_349 : i32
        %get3A = arith.index_cast %add3A_351 : i32 to index
        %get3A_352 = tpu.vector_load %arg7[%get3A] {strides = array<i32>} : memref<6656xi32, #tpu.memory_space<vmem>>, vector<16xi32>,
        %get3A_353 = vector.shape_cast %get3A_352 : vector<16xi32> to vector<16xi32>
        %add3A_354 = arith.constant 11000000 : i32
        %add3A_355 = vector.broadcast %add3A_354 : i32 to vector<16xi32>
        %add3A_356 = arith.addi %get3A_353, %add3A_355 : vector<16xi32>
        %dma_wait3A_357 = tpu.memref_slice %arg8[%add3A_351] : memref<6656xf32, #tpu.memory_space<vmem>> -> memref<16xf32, #tpu.memory_space<vmem>>
        %dma_wait3A_358 = arith.constant 0 : i32
        %dma_wait3A_359 = tpu.memref_slice %arg4[%dma_wait3A_358] : memref<26000000xf32, #tpu.memory_space<hbm>> -> memref<26000000xf32, #tpu.memory_space<hbm>>
        tpu.wait_indirect_dma semaphore(%arg12 : memref<!tpu.dma_semaphore, #tpu.memory_space<semaphore_mem>>) src(%dma_wait3A_359 : memref<26000000xf32, #tpu.memory_space<hbm>>) dst(%dma_wait3A_357 : memref<16xf32, #tpu.memory_space<vmem>>)
      }
      %scan3A_256 = arith.constant 16 : i32
      %scan3A_257 = arith.constant 0 : i32
      %scan3A_258 = arith.constant 0 : i32
      %scan3A_259 = arith.constant 16 : i32
      %scan3A_260 = arith.addi %scan3A_258, %scan3A_259 : i32
      %scan3A_261 = arith.constant 1 : i32
      scf.for %scan3A_347 = %scan3A_258 to %scan3A_260 step %scan3A_261  : i32 {
        %mul3A_348 = arith.constant 16 : i32
        %mul3A_349 = arith.muli %scan3A_347, %mul3A_348 : i32
        %add3A_350 = arith.constant 3072 : i32
        %add3A_351 = arith.addi %add3A_350, %mul3A_349 : i32
        %get3A = arith.index_cast %add3A_351 : i32 to index
        %get3A_352 = tpu.vector_load %arg7[%get3A] {strides = array<i32>} : memref<6656xi32, #tpu.memory_space<vmem>>, vector<16xi32>,
        %get3A_353 = vector.shape_cast %get3A_352 : vector<16xi32> to vector<16xi32>
        %add3A_354 = arith.constant 12000000 : i32
        %add3A_355 = vector.broadcast %add3A_354 : i32 to vector<16xi32>
        %add3A_356 = arith.addi %get3A_353, %add3A_355 : vector<16xi32>
        %dma_wait3A_357 = tpu.memref_slice %arg8[%add3A_351] : memref<6656xf32, #tpu.memory_space<vmem>> -> memref<16xf32, #tpu.memory_space<vmem>>
        %dma_wait3A_358 = arith.constant 0 : i32
        %dma_wait3A_359 = tpu.memref_slice %arg4[%dma_wait3A_358] : memref<26000000xf32, #tpu.memory_space<hbm>> -> memref<26000000xf32, #tpu.memory_space<hbm>>
        tpu.wait_indirect_dma semaphore(%arg12 : memref<!tpu.dma_semaphore, #tpu.memory_space<semaphore_mem>>) src(%dma_wait3A_359 : memref<26000000xf32, #tpu.memory_space<hbm>>) dst(%dma_wait3A_357 : memref<16xf32, #tpu.memory_space<vmem>>)
      }
      %scan3A_262 = arith.constant 16 : i32
      %scan3A_263 = arith.constant 0 : i32
      %scan3A_264 = arith.constant 0 : i32
      %scan3A_265 = arith.constant 16 : i32
      %scan3A_266 = arith.addi %scan3A_264, %scan3A_265 : i32
      %scan3A_267 = arith.constant 1 : i32
      scf.for %scan3A_347 = %scan3A_264 to %scan3A_266 step %scan3A_267  : i32 {
        %mul3A_348 = arith.constant 16 : i32
        %mul3A_349 = arith.muli %scan3A_347, %mul3A_348 : i32
        %add3A_350 = arith.constant 3328 : i32
        %add3A_351 = arith.addi %add3A_350, %mul3A_349 : i32
        %get3A = arith.index_cast %add3A_351 : i32 to index
        %get3A_352 = tpu.vector_load %arg7[%get3A] {strides = array<i32>} : memref<6656xi32, #tpu.memory_space<vmem>>, vector<16xi32>,
        %get3A_353 = vector.shape_cast %get3A_352 : vector<16xi32> to vector<16xi32>
        %add3A_354 = arith.constant 13000000 : i32
        %add3A_355 = vector.broadcast %add3A_354 : i32 to vector<16xi32>
        %add3A_356 = arith.addi %get3A_353, %add3A_355 : vector<16xi32>
        %dma_wait3A_357 = tpu.memref_slice %arg8[%add3A_351] : memref<6656xf32, #tpu.memory_space<vmem>> -> memref<16xf32, #tpu.memory_space<vmem>>
        %dma_wait3A_358 = arith.constant 0 : i32
        %dma_wait3A_359 = tpu.memref_slice %arg4[%dma_wait3A_358] : memref<26000000xf32, #tpu.memory_space<hbm>> -> memref<26000000xf32, #tpu.memory_space<hbm>>
        tpu.wait_indirect_dma semaphore(%arg12 : memref<!tpu.dma_semaphore, #tpu.memory_space<semaphore_mem>>) src(%dma_wait3A_359 : memref<26000000xf32, #tpu.memory_space<hbm>>) dst(%dma_wait3A_357 : memref<16xf32, #tpu.memory_space<vmem>>)
      }
      %scan3A_268 = arith.constant 16 : i32
      %scan3A_269 = arith.constant 0 : i32
      %scan3A_270 = arith.constant 0 : i32
      %scan3A_271 = arith.constant 16 : i32
      %scan3A_272 = arith.addi %scan3A_270, %scan3A_271 : i32
      %scan3A_273 = arith.constant 1 : i32
      scf.for %scan3A_347 = %scan3A_270 to %scan3A_272 step %scan3A_273  : i32 {
        %mul3A_348 = arith.constant 16 : i32
        %mul3A_349 = arith.muli %scan3A_347, %mul3A_348 : i32
        %add3A_350 = arith.constant 3584 : i32
        %add3A_351 = arith.addi %add3A_350, %mul3A_349 : i32
        %get3A = arith.index_cast %add3A_351 : i32 to index
        %get3A_352 = tpu.vector_load %arg7[%get3A] {strides = array<i32>} : memref<6656xi32, #tpu.memory_space<vmem>>, vector<16xi32>,
        %get3A_353 = vector.shape_cast %get3A_352 : vector<16xi32> to vector<16xi32>
        %add3A_354 = arith.constant 14000000 : i32
        %add3A_355 = vector.broadcast %add3A_354 : i32 to vector<16xi32>
        %add3A_356 = arith.addi %get3A_353, %add3A_355 : vector<16xi32>
        %dma_wait3A_357 = tpu.memref_slice %arg8[%add3A_351] : memref<6656xf32, #tpu.memory_space<vmem>> -> memref<16xf32, #tpu.memory_space<vmem>>
        %dma_wait3A_358 = arith.constant 0 : i32
        %dma_wait3A_359 = tpu.memref_slice %arg4[%dma_wait3A_358] : memref<26000000xf32, #tpu.memory_space<hbm>> -> memref<26000000xf32, #tpu.memory_space<hbm>>
        tpu.wait_indirect_dma semaphore(%arg12 : memref<!tpu.dma_semaphore, #tpu.memory_space<semaphore_mem>>) src(%dma_wait3A_359 : memref<26000000xf32, #tpu.memory_space<hbm>>) dst(%dma_wait3A_357 : memref<16xf32, #tpu.memory_space<vmem>>)
      }
      %scan3A_274 = arith.constant 16 : i32
      %scan3A_275 = arith.constant 0 : i32
      %scan3A_276 = arith.constant 0 : i32
      %scan3A_277 = arith.constant 16 : i32
      %scan3A_278 = arith.addi %scan3A_276, %scan3A_277 : i32
      %scan3A_279 = arith.constant 1 : i32
      scf.for %scan3A_347 = %scan3A_276 to %scan3A_278 step %scan3A_279  : i32 {
        %mul3A_348 = arith.constant 16 : i32
        %mul3A_349 = arith.muli %scan3A_347, %mul3A_348 : i32
        %add3A_350 = arith.constant 3840 : i32
        %add3A_351 = arith.addi %add3A_350, %mul3A_349 : i32
        %get3A = arith.index_cast %add3A_351 : i32 to index
        %get3A_352 = tpu.vector_load %arg7[%get3A] {strides = array<i32>} : memref<6656xi32, #tpu.memory_space<vmem>>, vector<16xi32>,
        %get3A_353 = vector.shape_cast %get3A_352 : vector<16xi32> to vector<16xi32>
        %add3A_354 = arith.constant 15000000 : i32
        %add3A_355 = vector.broadcast %add3A_354 : i32 to vector<16xi32>
        %add3A_356 = arith.addi %get3A_353, %add3A_355 : vector<16xi32>
        %dma_wait3A_357 = tpu.memref_slice %arg8[%add3A_351] : memref<6656xf32, #tpu.memory_space<vmem>> -> memref<16xf32, #tpu.memory_space<vmem>>
        %dma_wait3A_358 = arith.constant 0 : i32
        %dma_wait3A_359 = tpu.memref_slice %arg4[%dma_wait3A_358] : memref<26000000xf32, #tpu.memory_space<hbm>> -> memref<26000000xf32, #tpu.memory_space<hbm>>
        tpu.wait_indirect_dma semaphore(%arg12 : memref<!tpu.dma_semaphore, #tpu.memory_space<semaphore_mem>>) src(%dma_wait3A_359 : memref<26000000xf32, #tpu.memory_space<hbm>>) dst(%dma_wait3A_357 : memref<16xf32, #tpu.memory_space<vmem>>)
      }
      %scan3A_280 = arith.constant 16 : i32
      %scan3A_281 = arith.constant 0 : i32
      %scan3A_282 = arith.constant 0 : i32
      %scan3A_283 = arith.constant 16 : i32
      %scan3A_284 = arith.addi %scan3A_282, %scan3A_283 : i32
      %scan3A_285 = arith.constant 1 : i32
      scf.for %scan3A_347 = %scan3A_282 to %scan3A_284 step %scan3A_285  : i32 {
        %mul3A_348 = arith.constant 16 : i32
        %mul3A_349 = arith.muli %scan3A_347, %mul3A_348 : i32
        %add3A_350 = arith.constant 4096 : i32
        %add3A_351 = arith.addi %add3A_350, %mul3A_349 : i32
        %get3A = arith.index_cast %add3A_351 : i32 to index
        %get3A_352 = tpu.vector_load %arg7[%get3A] {strides = array<i32>} : memref<6656xi32, #tpu.memory_space<vmem>>, vector<16xi32>,
        %get3A_353 = vector.shape_cast %get3A_352 : vector<16xi32> to vector<16xi32>
        %add3A_354 = arith.constant 16000000 : i32
        %add3A_355 = vector.broadcast %add3A_354 : i32 to vector<16xi32>
        %add3A_356 = arith.addi %get3A_353, %add3A_355 : vector<16xi32>
        %dma_wait3A_357 = tpu.memref_slice %arg8[%add3A_351] : memref<6656xf32, #tpu.memory_space<vmem>> -> memref<16xf32, #tpu.memory_space<vmem>>
        %dma_wait3A_358 = arith.constant 0 : i32
        %dma_wait3A_359 = tpu.memref_slice %arg4[%dma_wait3A_358] : memref<26000000xf32, #tpu.memory_space<hbm>> -> memref<26000000xf32, #tpu.memory_space<hbm>>
        tpu.wait_indirect_dma semaphore(%arg12 : memref<!tpu.dma_semaphore, #tpu.memory_space<semaphore_mem>>) src(%dma_wait3A_359 : memref<26000000xf32, #tpu.memory_space<hbm>>) dst(%dma_wait3A_357 : memref<16xf32, #tpu.memory_space<vmem>>)
      }
      %scan3A_286 = arith.constant 16 : i32
      %scan3A_287 = arith.constant 0 : i32
      %scan3A_288 = arith.constant 0 : i32
      %scan3A_289 = arith.constant 16 : i32
      %scan3A_290 = arith.addi %scan3A_288, %scan3A_289 : i32
      %scan3A_291 = arith.constant 1 : i32
      scf.for %scan3A_347 = %scan3A_288 to %scan3A_290 step %scan3A_291  : i32 {
        %mul3A_348 = arith.constant 16 : i32
        %mul3A_349 = arith.muli %scan3A_347, %mul3A_348 : i32
        %add3A_350 = arith.constant 4352 : i32
        %add3A_351 = arith.addi %add3A_350, %mul3A_349 : i32
        %get3A = arith.index_cast %add3A_351 : i32 to index
        %get3A_352 = tpu.vector_load %arg7[%get3A] {strides = array<i32>} : memref<6656xi32, #tpu.memory_space<vmem>>, vector<16xi32>,
        %get3A_353 = vector.shape_cast %get3A_352 : vector<16xi32> to vector<16xi32>
        %add3A_354 = arith.constant 17000000 : i32
        %add3A_355 = vector.broadcast %add3A_354 : i32 to vector<16xi32>
        %add3A_356 = arith.addi %get3A_353, %add3A_355 : vector<16xi32>
        %dma_wait3A_357 = tpu.memref_slice %arg8[%add3A_351] : memref<6656xf32, #tpu.memory_space<vmem>> -> memref<16xf32, #tpu.memory_space<vmem>>
        %dma_wait3A_358 = arith.constant 0 : i32
        %dma_wait3A_359 = tpu.memref_slice %arg4[%dma_wait3A_358] : memref<26000000xf32, #tpu.memory_space<hbm>> -> memref<26000000xf32, #tpu.memory_space<hbm>>
        tpu.wait_indirect_dma semaphore(%arg12 : memref<!tpu.dma_semaphore, #tpu.memory_space<semaphore_mem>>) src(%dma_wait3A_359 : memref<26000000xf32, #tpu.memory_space<hbm>>) dst(%dma_wait3A_357 : memref<16xf32, #tpu.memory_space<vmem>>)
      }
      %scan3A_292 = arith.constant 16 : i32
      %scan3A_293 = arith.constant 0 : i32
      %scan3A_294 = arith.constant 0 : i32
      %scan3A_295 = arith.constant 16 : i32
      %scan3A_296 = arith.addi %scan3A_294, %scan3A_295 : i32
      %scan3A_297 = arith.constant 1 : i32
      scf.for %scan3A_347 = %scan3A_294 to %scan3A_296 step %scan3A_297  : i32 {
        %mul3A_348 = arith.constant 16 : i32
        %mul3A_349 = arith.muli %scan3A_347, %mul3A_348 : i32
        %add3A_350 = arith.constant 4608 : i32
        %add3A_351 = arith.addi %add3A_350, %mul3A_349 : i32
        %get3A = arith.index_cast %add3A_351 : i32 to index
        %get3A_352 = tpu.vector_load %arg7[%get3A] {strides = array<i32>} : memref<6656xi32, #tpu.memory_space<vmem>>, vector<16xi32>,
        %get3A_353 = vector.shape_cast %get3A_352 : vector<16xi32> to vector<16xi32>
        %add3A_354 = arith.constant 18000000 : i32
        %add3A_355 = vector.broadcast %add3A_354 : i32 to vector<16xi32>
        %add3A_356 = arith.addi %get3A_353, %add3A_355 : vector<16xi32>
        %dma_wait3A_357 = tpu.memref_slice %arg8[%add3A_351] : memref<6656xf32, #tpu.memory_space<vmem>> -> memref<16xf32, #tpu.memory_space<vmem>>
        %dma_wait3A_358 = arith.constant 0 : i32
        %dma_wait3A_359 = tpu.memref_slice %arg4[%dma_wait3A_358] : memref<26000000xf32, #tpu.memory_space<hbm>> -> memref<26000000xf32, #tpu.memory_space<hbm>>
        tpu.wait_indirect_dma semaphore(%arg12 : memref<!tpu.dma_semaphore, #tpu.memory_space<semaphore_mem>>) src(%dma_wait3A_359 : memref<26000000xf32, #tpu.memory_space<hbm>>) dst(%dma_wait3A_357 : memref<16xf32, #tpu.memory_space<vmem>>)
      }
      %scan3A_298 = arith.constant 16 : i32
      %scan3A_299 = arith.constant 0 : i32
      %scan3A_300 = arith.constant 0 : i32
      %scan3A_301 = arith.constant 16 : i32
      %scan3A_302 = arith.addi %scan3A_300, %scan3A_301 : i32
      %scan3A_303 = arith.constant 1 : i32
      scf.for %scan3A_347 = %scan3A_300 to %scan3A_302 step %scan3A_303  : i32 {
        %mul3A_348 = arith.constant 16 : i32
        %mul3A_349 = arith.muli %scan3A_347, %mul3A_348 : i32
        %add3A_350 = arith.constant 4864 : i32
        %add3A_351 = arith.addi %add3A_350, %mul3A_349 : i32
        %get3A = arith.index_cast %add3A_351 : i32 to index
        %get3A_352 = tpu.vector_load %arg7[%get3A] {strides = array<i32>} : memref<6656xi32, #tpu.memory_space<vmem>>, vector<16xi32>,
        %get3A_353 = vector.shape_cast %get3A_352 : vector<16xi32> to vector<16xi32>
        %add3A_354 = arith.constant 19000000 : i32
        %add3A_355 = vector.broadcast %add3A_354 : i32 to vector<16xi32>
        %add3A_356 = arith.addi %get3A_353, %add3A_355 : vector<16xi32>
        %dma_wait3A_357 = tpu.memref_slice %arg8[%add3A_351] : memref<6656xf32, #tpu.memory_space<vmem>> -> memref<16xf32, #tpu.memory_space<vmem>>
        %dma_wait3A_358 = arith.constant 0 : i32
        %dma_wait3A_359 = tpu.memref_slice %arg4[%dma_wait3A_358] : memref<26000000xf32, #tpu.memory_space<hbm>> -> memref<26000000xf32, #tpu.memory_space<hbm>>
        tpu.wait_indirect_dma semaphore(%arg12 : memref<!tpu.dma_semaphore, #tpu.memory_space<semaphore_mem>>) src(%dma_wait3A_359 : memref<26000000xf32, #tpu.memory_space<hbm>>) dst(%dma_wait3A_357 : memref<16xf32, #tpu.memory_space<vmem>>)
      }
      %scan3A_304 = arith.constant 16 : i32
      %scan3A_305 = arith.constant 0 : i32
      %scan3A_306 = arith.constant 0 : i32
      %scan3A_307 = arith.constant 16 : i32
      %scan3A_308 = arith.addi %scan3A_306, %scan3A_307 : i32
      %scan3A_309 = arith.constant 1 : i32
      scf.for %scan3A_347 = %scan3A_306 to %scan3A_308 step %scan3A_309  : i32 {
        %mul3A_348 = arith.constant 16 : i32
        %mul3A_349 = arith.muli %scan3A_347, %mul3A_348 : i32
        %add3A_350 = arith.constant 5120 : i32
        %add3A_351 = arith.addi %add3A_350, %mul3A_349 : i32
        %get3A = arith.index_cast %add3A_351 : i32 to index
        %get3A_352 = tpu.vector_load %arg7[%get3A] {strides = array<i32>} : memref<6656xi32, #tpu.memory_space<vmem>>, vector<16xi32>,
        %get3A_353 = vector.shape_cast %get3A_352 : vector<16xi32> to vector<16xi32>
        %add3A_354 = arith.constant 20000000 : i32
        %add3A_355 = vector.broadcast %add3A_354 : i32 to vector<16xi32>
        %add3A_356 = arith.addi %get3A_353, %add3A_355 : vector<16xi32>
        %dma_wait3A_357 = tpu.memref_slice %arg8[%add3A_351] : memref<6656xf32, #tpu.memory_space<vmem>> -> memref<16xf32, #tpu.memory_space<vmem>>
        %dma_wait3A_358 = arith.constant 0 : i32
        %dma_wait3A_359 = tpu.memref_slice %arg4[%dma_wait3A_358] : memref<26000000xf32, #tpu.memory_space<hbm>> -> memref<26000000xf32, #tpu.memory_space<hbm>>
        tpu.wait_indirect_dma semaphore(%arg12 : memref<!tpu.dma_semaphore, #tpu.memory_space<semaphore_mem>>) src(%dma_wait3A_359 : memref<26000000xf32, #tpu.memory_space<hbm>>) dst(%dma_wait3A_357 : memref<16xf32, #tpu.memory_space<vmem>>)
      }
      %scan3A_310 = arith.constant 16 : i32
      %scan3A_311 = arith.constant 0 : i32
      %scan3A_312 = arith.constant 0 : i32
      %scan3A_313 = arith.constant 16 : i32
      %scan3A_314 = arith.addi %scan3A_312, %scan3A_313 : i32
      %scan3A_315 = arith.constant 1 : i32
      scf.for %scan3A_347 = %scan3A_312 to %scan3A_314 step %scan3A_315  : i32 {
        %mul3A_348 = arith.constant 16 : i32
        %mul3A_349 = arith.muli %scan3A_347, %mul3A_348 : i32
        %add3A_350 = arith.constant 5376 : i32
        %add3A_351 = arith.addi %add3A_350, %mul3A_349 : i32
        %get3A = arith.index_cast %add3A_351 : i32 to index
        %get3A_352 = tpu.vector_load %arg7[%get3A] {strides = array<i32>} : memref<6656xi32, #tpu.memory_space<vmem>>, vector<16xi32>,
        %get3A_353 = vector.shape_cast %get3A_352 : vector<16xi32> to vector<16xi32>
        %add3A_354 = arith.constant 21000000 : i32
        %add3A_355 = vector.broadcast %add3A_354 : i32 to vector<16xi32>
        %add3A_356 = arith.addi %get3A_353, %add3A_355 : vector<16xi32>
        %dma_wait3A_357 = tpu.memref_slice %arg8[%add3A_351] : memref<6656xf32, #tpu.memory_space<vmem>> -> memref<16xf32, #tpu.memory_space<vmem>>
        %dma_wait3A_358 = arith.constant 0 : i32
        %dma_wait3A_359 = tpu.memref_slice %arg4[%dma_wait3A_358] : memref<26000000xf32, #tpu.memory_space<hbm>> -> memref<26000000xf32, #tpu.memory_space<hbm>>
        tpu.wait_indirect_dma semaphore(%arg12 : memref<!tpu.dma_semaphore, #tpu.memory_space<semaphore_mem>>) src(%dma_wait3A_359 : memref<26000000xf32, #tpu.memory_space<hbm>>) dst(%dma_wait3A_357 : memref<16xf32, #tpu.memory_space<vmem>>)
      }
      %scan3A_316 = arith.constant 16 : i32
      %scan3A_317 = arith.constant 0 : i32
      %scan3A_318 = arith.constant 0 : i32
      %scan3A_319 = arith.constant 16 : i32
      %scan3A_320 = arith.addi %scan3A_318, %scan3A_319 : i32
      %scan3A_321 = arith.constant 1 : i32
      scf.for %scan3A_347 = %scan3A_318 to %scan3A_320 step %scan3A_321  : i32 {
        %mul3A_348 = arith.constant 16 : i32
        %mul3A_349 = arith.muli %scan3A_347, %mul3A_348 : i32
        %add3A_350 = arith.constant 5632 : i32
        %add3A_351 = arith.addi %add3A_350, %mul3A_349 : i32
        %get3A = arith.index_cast %add3A_351 : i32 to index
        %get3A_352 = tpu.vector_load %arg7[%get3A] {strides = array<i32>} : memref<6656xi32, #tpu.memory_space<vmem>>, vector<16xi32>,
        %get3A_353 = vector.shape_cast %get3A_352 : vector<16xi32> to vector<16xi32>
        %add3A_354 = arith.constant 22000000 : i32
        %add3A_355 = vector.broadcast %add3A_354 : i32 to vector<16xi32>
        %add3A_356 = arith.addi %get3A_353, %add3A_355 : vector<16xi32>
        %dma_wait3A_357 = tpu.memref_slice %arg8[%add3A_351] : memref<6656xf32, #tpu.memory_space<vmem>> -> memref<16xf32, #tpu.memory_space<vmem>>
        %dma_wait3A_358 = arith.constant 0 : i32
        %dma_wait3A_359 = tpu.memref_slice %arg4[%dma_wait3A_358] : memref<26000000xf32, #tpu.memory_space<hbm>> -> memref<26000000xf32, #tpu.memory_space<hbm>>
        tpu.wait_indirect_dma semaphore(%arg12 : memref<!tpu.dma_semaphore, #tpu.memory_space<semaphore_mem>>) src(%dma_wait3A_359 : memref<26000000xf32, #tpu.memory_space<hbm>>) dst(%dma_wait3A_357 : memref<16xf32, #tpu.memory_space<vmem>>)
      }
      %scan3A_322 = arith.constant 16 : i32
      %scan3A_323 = arith.constant 0 : i32
      %scan3A_324 = arith.constant 0 : i32
      %scan3A_325 = arith.constant 16 : i32
      %scan3A_326 = arith.addi %scan3A_324, %scan3A_325 : i32
      %scan3A_327 = arith.constant 1 : i32
      scf.for %scan3A_347 = %scan3A_324 to %scan3A_326 step %scan3A_327  : i32 {
        %mul3A_348 = arith.constant 16 : i32
        %mul3A_349 = arith.muli %scan3A_347, %mul3A_348 : i32
        %add3A_350 = arith.constant 5888 : i32
        %add3A_351 = arith.addi %add3A_350, %mul3A_349 : i32
        %get3A = arith.index_cast %add3A_351 : i32 to index
        %get3A_352 = tpu.vector_load %arg7[%get3A] {strides = array<i32>} : memref<6656xi32, #tpu.memory_space<vmem>>, vector<16xi32>,
        %get3A_353 = vector.shape_cast %get3A_352 : vector<16xi32> to vector<16xi32>
        %add3A_354 = arith.constant 23000000 : i32
        %add3A_355 = vector.broadcast %add3A_354 : i32 to vector<16xi32>
        %add3A_356 = arith.addi %get3A_353, %add3A_355 : vector<16xi32>
        %dma_wait3A_357 = tpu.memref_slice %arg8[%add3A_351] : memref<6656xf32, #tpu.memory_space<vmem>> -> memref<16xf32, #tpu.memory_space<vmem>>
        %dma_wait3A_358 = arith.constant 0 : i32
        %dma_wait3A_359 = tpu.memref_slice %arg4[%dma_wait3A_358] : memref<26000000xf32, #tpu.memory_space<hbm>> -> memref<26000000xf32, #tpu.memory_space<hbm>>
        tpu.wait_indirect_dma semaphore(%arg12 : memref<!tpu.dma_semaphore, #tpu.memory_space<semaphore_mem>>) src(%dma_wait3A_359 : memref<26000000xf32, #tpu.memory_space<hbm>>) dst(%dma_wait3A_357 : memref<16xf32, #tpu.memory_space<vmem>>)
      }
      %scan3A_328 = arith.constant 16 : i32
      %scan3A_329 = arith.constant 0 : i32
      %scan3A_330 = arith.constant 0 : i32
      %scan3A_331 = arith.constant 16 : i32
      %scan3A_332 = arith.addi %scan3A_330, %scan3A_331 : i32
      %scan3A_333 = arith.constant 1 : i32
      scf.for %scan3A_347 = %scan3A_330 to %scan3A_332 step %scan3A_333  : i32 {
        %mul3A_348 = arith.constant 16 : i32
        %mul3A_349 = arith.muli %scan3A_347, %mul3A_348 : i32
        %add3A_350 = arith.constant 6144 : i32
        %add3A_351 = arith.addi %add3A_350, %mul3A_349 : i32
        %get3A = arith.index_cast %add3A_351 : i32 to index
        %get3A_352 = tpu.vector_load %arg7[%get3A] {strides = array<i32>} : memref<6656xi32, #tpu.memory_space<vmem>>, vector<16xi32>,
        %get3A_353 = vector.shape_cast %get3A_352 : vector<16xi32> to vector<16xi32>
        %add3A_354 = arith.constant 24000000 : i32
        %add3A_355 = vector.broadcast %add3A_354 : i32 to vector<16xi32>
        %add3A_356 = arith.addi %get3A_353, %add3A_355 : vector<16xi32>
        %dma_wait3A_357 = tpu.memref_slice %arg8[%add3A_351] : memref<6656xf32, #tpu.memory_space<vmem>> -> memref<16xf32, #tpu.memory_space<vmem>>
        %dma_wait3A_358 = arith.constant 0 : i32
        %dma_wait3A_359 = tpu.memref_slice %arg4[%dma_wait3A_358] : memref<26000000xf32, #tpu.memory_space<hbm>> -> memref<26000000xf32, #tpu.memory_space<hbm>>
        tpu.wait_indirect_dma semaphore(%arg12 : memref<!tpu.dma_semaphore, #tpu.memory_space<semaphore_mem>>) src(%dma_wait3A_359 : memref<26000000xf32, #tpu.memory_space<hbm>>) dst(%dma_wait3A_357 : memref<16xf32, #tpu.memory_space<vmem>>)
      }
      %scan3A_334 = arith.constant 16 : i32
      %scan3A_335 = arith.constant 0 : i32
      %scan3A_336 = arith.constant 0 : i32
      %scan3A_337 = arith.constant 16 : i32
      %scan3A_338 = arith.addi %scan3A_336, %scan3A_337 : i32
      %scan3A_339 = arith.constant 1 : i32
      scf.for %scan3A_347 = %scan3A_336 to %scan3A_338 step %scan3A_339  : i32 {
        %mul3A_348 = arith.constant 16 : i32
        %mul3A_349 = arith.muli %scan3A_347, %mul3A_348 : i32
        %add3A_350 = arith.constant 6400 : i32
        %add3A_351 = arith.addi %add3A_350, %mul3A_349 : i32
        %get3A = arith.index_cast %add3A_351 : i32 to index
        %get3A_352 = tpu.vector_load %arg7[%get3A] {strides = array<i32>} : memref<6656xi32, #tpu.memory_space<vmem>>, vector<16xi32>,
        %get3A_353 = vector.shape_cast %get3A_352 : vector<16xi32> to vector<16xi32>
        %add3A_354 = arith.constant 25000000 : i32
        %add3A_355 = vector.broadcast %add3A_354 : i32 to vector<16xi32>
        %add3A_356 = arith.addi %get3A_353, %add3A_355 : vector<16xi32>
        %dma_wait3A_357 = tpu.memref_slice %arg8[%add3A_351] : memref<6656xf32, #tpu.memory_space<vmem>> -> memref<16xf32, #tpu.memory_space<vmem>>
        %dma_wait3A_358 = arith.constant 0 : i32
        %dma_wait3A_359 = tpu.memref_slice %arg4[%dma_wait3A_358] : memref<26000000xf32, #tpu.memory_space<hbm>> -> memref<26000000xf32, #tpu.memory_space<hbm>>
        tpu.wait_indirect_dma semaphore(%arg12 : memref<!tpu.dma_semaphore, #tpu.memory_space<semaphore_mem>>) src(%dma_wait3A_359 : memref<26000000xf32, #tpu.memory_space<hbm>>) dst(%dma_wait3A_357 : memref<16xf32, #tpu.memory_space<vmem>>)
      }
      %scan3A_340 = arith.constant 16 : i32
      %scan3A_341 = arith.constant 0 : i32
      %scan3A_342 = arith.constant 0 : i32
      %scan3A_343 = arith.constant 16 : i32
      %scan3A_344 = arith.addi %scan3A_342, %scan3A_343 : i32
      %scan3A_345 = arith.constant 1 : i32
      scf.for %scan3A_347 = %scan3A_342 to %scan3A_344 step %scan3A_345  : i32 {
        %get3A = arith.constant 624 : index
        %get3A_348 = tpu.vector_load %arg10[%get3A] {strides = array<i32>} : memref<640xf32, #tpu.memory_space<vmem>>, vector<16xf32>,
        %get3A_349 = vector.shape_cast %get3A_348 : vector<16xf32> to vector<16xf32>
        %mul3A_350 = arith.constant 16 : i32
        %mul3A_351 = arith.muli %scan3A_347, %mul3A_350 : i32
        %add3A_352 = arith.constant 0 : i32
        %add3A_353 = arith.addi %add3A_352, %mul3A_351 : i32
        %get3A_354 = arith.index_cast %add3A_353 : i32 to index
        %get3A_355 = tpu.vector_load %arg8[%get3A_354] {strides = array<i32>} : memref<6656xf32, #tpu.memory_space<vmem>>, vector<16xf32>,
        %get3A_356 = vector.shape_cast %get3A_355 : vector<16xf32> to vector<16xf32>
        %get3A_357 = arith.constant 0 : index
        %get3A_358 = tpu.vector_load %arg10[%get3A_357] {strides = array<i32>} : memref<640xf32, #tpu.memory_space<vmem>>, vector<16xf32>,
        %get3A_359 = vector.shape_cast %get3A_358 : vector<16xf32> to vector<16xf32>
        %mul3A_360 = arith.mulf %get3A_356, %get3A_359 : vector<16xf32>
        %add3A_361 = arith.addf %get3A_349, %mul3A_360 : vector<16xf32>
        %mul3A_362 = arith.constant 16 : i32
        %mul3A_363 = arith.muli %scan3A_347, %mul3A_362 : i32
        %add3A_364 = arith.constant 256 : i32
        %add3A_365 = arith.addi %add3A_364, %mul3A_363 : i32
        %get3A_366 = arith.index_cast %add3A_365 : i32 to index
        %get3A_367 = tpu.vector_load %arg8[%get3A_366] {strides = array<i32>} : memref<6656xf32, #tpu.memory_space<vmem>>, vector<16xf32>,
        %get3A_368 = vector.shape_cast %get3A_367 : vector<16xf32> to vector<16xf32>
        %get3A_369 = arith.constant 16 : index
        %get3A_370 = tpu.vector_load %arg10[%get3A_369] {strides = array<i32>} : memref<640xf32, #tpu.memory_space<vmem>>, vector<16xf32>,
        %get3A_371 = vector.shape_cast %get3A_370 : vector<16xf32> to vector<16xf32>
        %mul3A_372 = arith.mulf %get3A_368, %get3A_371 : vector<16xf32>
        %add3A_373 = arith.addf %add3A_361, %mul3A_372 : vector<16xf32>
        %mul3A_374 = arith.constant 16 : i32
        %mul3A_375 = arith.muli %scan3A_347, %mul3A_374 : i32
        %add3A_376 = arith.constant 512 : i32
        %add3A_377 = arith.addi %add3A_376, %mul3A_375 : i32
        %get3A_378 = arith.index_cast %add3A_377 : i32 to index
        %get3A_379 = tpu.vector_load %arg8[%get3A_378] {strides = array<i32>} : memref<6656xf32, #tpu.memory_space<vmem>>, vector<16xf32>,
        %get3A_380 = vector.shape_cast %get3A_379 : vector<16xf32> to vector<16xf32>
        %get3A_381 = arith.constant 32 : index
        %get3A_382 = tpu.vector_load %arg10[%get3A_381] {strides = array<i32>} : memref<640xf32, #tpu.memory_space<vmem>>, vector<16xf32>,
        %get3A_383 = vector.shape_cast %get3A_382 : vector<16xf32> to vector<16xf32>
        %mul3A_384 = arith.mulf %get3A_380, %get3A_383 : vector<16xf32>
        %add3A_385 = arith.addf %add3A_373, %mul3A_384 : vector<16xf32>
        %mul3A_386 = arith.constant 16 : i32
        %mul3A_387 = arith.muli %scan3A_347, %mul3A_386 : i32
        %add3A_388 = arith.constant 768 : i32
        %add3A_389 = arith.addi %add3A_388, %mul3A_387 : i32
        %get3A_390 = arith.index_cast %add3A_389 : i32 to index
        %get3A_391 = tpu.vector_load %arg8[%get3A_390] {strides = array<i32>} : memref<6656xf32, #tpu.memory_space<vmem>>, vector<16xf32>,
        %get3A_392 = vector.shape_cast %get3A_391 : vector<16xf32> to vector<16xf32>
        %get3A_393 = arith.constant 48 : index
        %get3A_394 = tpu.vector_load %arg10[%get3A_393] {strides = array<i32>} : memref<640xf32, #tpu.memory_space<vmem>>, vector<16xf32>,
        %get3A_395 = vector.shape_cast %get3A_394 : vector<16xf32> to vector<16xf32>
        %mul3A_396 = arith.mulf %get3A_392, %get3A_395 : vector<16xf32>
        %add3A_397 = arith.addf %add3A_385, %mul3A_396 : vector<16xf32>
        %mul3A_398 = arith.constant 16 : i32
        %mul3A_399 = arith.muli %scan3A_347, %mul3A_398 : i32
        %add3A_400 = arith.constant 1024 : i32
        %add3A_401 = arith.addi %add3A_400, %mul3A_399 : i32
        %get3A_402 = arith.index_cast %add3A_401 : i32 to index
        %get3A_403 = tpu.vector_load %arg8[%get3A_402] {strides = array<i32>} : memref<6656xf32, #tpu.memory_space<vmem>>, vector<16xf32>,
        %get3A_404 = vector.shape_cast %get3A_403 : vector<16xf32> to vector<16xf32>
        %get3A_405 = arith.constant 64 : index
        %get3A_406 = tpu.vector_load %arg10[%get3A_405] {strides = array<i32>} : memref<640xf32, #tpu.memory_space<vmem>>, vector<16xf32>,
        %get3A_407 = vector.shape_cast %get3A_406 : vector<16xf32> to vector<16xf32>
        %mul3A_408 = arith.mulf %get3A_404, %get3A_407 : vector<16xf32>
        %add3A_409 = arith.addf %add3A_397, %mul3A_408 : vector<16xf32>
        %mul3A_410 = arith.constant 16 : i32
        %mul3A_411 = arith.muli %scan3A_347, %mul3A_410 : i32
        %add3A_412 = arith.constant 1280 : i32
        %add3A_413 = arith.addi %add3A_412, %mul3A_411 : i32
        %get3A_414 = arith.index_cast %add3A_413 : i32 to index
        %get3A_415 = tpu.vector_load %arg8[%get3A_414] {strides = array<i32>} : memref<6656xf32, #tpu.memory_space<vmem>>, vector<16xf32>,
        %get3A_416 = vector.shape_cast %get3A_415 : vector<16xf32> to vector<16xf32>
        %get3A_417 = arith.constant 80 : index
        %get3A_418 = tpu.vector_load %arg10[%get3A_417] {strides = array<i32>} : memref<640xf32, #tpu.memory_space<vmem>>, vector<16xf32>,
        %get3A_419 = vector.shape_cast %get3A_418 : vector<16xf32> to vector<16xf32>
        %mul3A_420 = arith.mulf %get3A_416, %get3A_419 : vector<16xf32>
        %add3A_421 = arith.addf %add3A_409, %mul3A_420 : vector<16xf32>
        %mul3A_422 = arith.constant 16 : i32
        %mul3A_423 = arith.muli %scan3A_347, %mul3A_422 : i32
        %add3A_424 = arith.constant 1536 : i32
        %add3A_425 = arith.addi %add3A_424, %mul3A_423 : i32
        %get3A_426 = arith.index_cast %add3A_425 : i32 to index
        %get3A_427 = tpu.vector_load %arg8[%get3A_426] {strides = array<i32>} : memref<6656xf32, #tpu.memory_space<vmem>>, vector<16xf32>,
        %get3A_428 = vector.shape_cast %get3A_427 : vector<16xf32> to vector<16xf32>
        %get3A_429 = arith.constant 96 : index
        %get3A_430 = tpu.vector_load %arg10[%get3A_429] {strides = array<i32>} : memref<640xf32, #tpu.memory_space<vmem>>, vector<16xf32>,
        %get3A_431 = vector.shape_cast %get3A_430 : vector<16xf32> to vector<16xf32>
        %mul3A_432 = arith.mulf %get3A_428, %get3A_431 : vector<16xf32>
        %add3A_433 = arith.addf %add3A_421, %mul3A_432 : vector<16xf32>
        %mul3A_434 = arith.constant 16 : i32
        %mul3A_435 = arith.muli %scan3A_347, %mul3A_434 : i32
        %add3A_436 = arith.constant 1792 : i32
        %add3A_437 = arith.addi %add3A_436, %mul3A_435 : i32
        %get3A_438 = arith.index_cast %add3A_437 : i32 to index
        %get3A_439 = tpu.vector_load %arg8[%get3A_438] {strides = array<i32>} : memref<6656xf32, #tpu.memory_space<vmem>>, vector<16xf32>,
        %get3A_440 = vector.shape_cast %get3A_439 : vector<16xf32> to vector<16xf32>
        %get3A_441 = arith.constant 112 : index
        %get3A_442 = tpu.vector_load %arg10[%get3A_441] {strides = array<i32>} : memref<640xf32, #tpu.memory_space<vmem>>, vector<16xf32>,
        %get3A_443 = vector.shape_cast %get3A_442 : vector<16xf32> to vector<16xf32>
        %mul3A_444 = arith.mulf %get3A_440, %get3A_443 : vector<16xf32>
        %add3A_445 = arith.addf %add3A_433, %mul3A_444 : vector<16xf32>
        %mul3A_446 = arith.constant 16 : i32
        %mul3A_447 = arith.muli %scan3A_347, %mul3A_446 : i32
        %add3A_448 = arith.constant 2048 : i32
        %add3A_449 = arith.addi %add3A_448, %mul3A_447 : i32
        %get3A_450 = arith.index_cast %add3A_449 : i32 to index
        %get3A_451 = tpu.vector_load %arg8[%get3A_450] {strides = array<i32>} : memref<6656xf32, #tpu.memory_space<vmem>>, vector<16xf32>,
        %get3A_452 = vector.shape_cast %get3A_451 : vector<16xf32> to vector<16xf32>
        %get3A_453 = arith.constant 128 : index
        %get3A_454 = tpu.vector_load %arg10[%get3A_453] {strides = array<i32>} : memref<640xf32, #tpu.memory_space<vmem>>, vector<16xf32>,
        %get3A_455 = vector.shape_cast %get3A_454 : vector<16xf32> to vector<16xf32>
        %mul3A_456 = arith.mulf %get3A_452, %get3A_455 : vector<16xf32>
        %add3A_457 = arith.addf %add3A_445, %mul3A_456 : vector<16xf32>
        %mul3A_458 = arith.constant 16 : i32
        %mul3A_459 = arith.muli %scan3A_347, %mul3A_458 : i32
        %add3A_460 = arith.constant 2304 : i32
        %add3A_461 = arith.addi %add3A_460, %mul3A_459 : i32
        %get3A_462 = arith.index_cast %add3A_461 : i32 to index
        %get3A_463 = tpu.vector_load %arg8[%get3A_462] {strides = array<i32>} : memref<6656xf32, #tpu.memory_space<vmem>>, vector<16xf32>,
        %get3A_464 = vector.shape_cast %get3A_463 : vector<16xf32> to vector<16xf32>
        %get3A_465 = arith.constant 144 : index
        %get3A_466 = tpu.vector_load %arg10[%get3A_465] {strides = array<i32>} : memref<640xf32, #tpu.memory_space<vmem>>, vector<16xf32>,
        %get3A_467 = vector.shape_cast %get3A_466 : vector<16xf32> to vector<16xf32>
        %mul3A_468 = arith.mulf %get3A_464, %get3A_467 : vector<16xf32>
        %add3A_469 = arith.addf %add3A_457, %mul3A_468 : vector<16xf32>
        %mul3A_470 = arith.constant 16 : i32
        %mul3A_471 = arith.muli %scan3A_347, %mul3A_470 : i32
        %add3A_472 = arith.constant 2560 : i32
        %add3A_473 = arith.addi %add3A_472, %mul3A_471 : i32
        %get3A_474 = arith.index_cast %add3A_473 : i32 to index
        %get3A_475 = tpu.vector_load %arg8[%get3A_474] {strides = array<i32>} : memref<6656xf32, #tpu.memory_space<vmem>>, vector<16xf32>,
        %get3A_476 = vector.shape_cast %get3A_475 : vector<16xf32> to vector<16xf32>
        %get3A_477 = arith.constant 160 : index
        %get3A_478 = tpu.vector_load %arg10[%get3A_477] {strides = array<i32>} : memref<640xf32, #tpu.memory_space<vmem>>, vector<16xf32>,
        %get3A_479 = vector.shape_cast %get3A_478 : vector<16xf32> to vector<16xf32>
        %mul3A_480 = arith.mulf %get3A_476, %get3A_479 : vector<16xf32>
        %add3A_481 = arith.addf %add3A_469, %mul3A_480 : vector<16xf32>
        %mul3A_482 = arith.constant 16 : i32
        %mul3A_483 = arith.muli %scan3A_347, %mul3A_482 : i32
        %add3A_484 = arith.constant 2816 : i32
        %add3A_485 = arith.addi %add3A_484, %mul3A_483 : i32
        %get3A_486 = arith.index_cast %add3A_485 : i32 to index
        %get3A_487 = tpu.vector_load %arg8[%get3A_486] {strides = array<i32>} : memref<6656xf32, #tpu.memory_space<vmem>>, vector<16xf32>,
        %get3A_488 = vector.shape_cast %get3A_487 : vector<16xf32> to vector<16xf32>
        %get3A_489 = arith.constant 176 : index
        %get3A_490 = tpu.vector_load %arg10[%get3A_489] {strides = array<i32>} : memref<640xf32, #tpu.memory_space<vmem>>, vector<16xf32>,
        %get3A_491 = vector.shape_cast %get3A_490 : vector<16xf32> to vector<16xf32>
        %mul3A_492 = arith.mulf %get3A_488, %get3A_491 : vector<16xf32>
        %add3A_493 = arith.addf %add3A_481, %mul3A_492 : vector<16xf32>
        %mul3A_494 = arith.constant 16 : i32
        %mul3A_495 = arith.muli %scan3A_347, %mul3A_494 : i32
        %add3A_496 = arith.constant 3072 : i32
        %add3A_497 = arith.addi %add3A_496, %mul3A_495 : i32
        %get3A_498 = arith.index_cast %add3A_497 : i32 to index
        %get3A_499 = tpu.vector_load %arg8[%get3A_498] {strides = array<i32>} : memref<6656xf32, #tpu.memory_space<vmem>>, vector<16xf32>,
        %get3A_500 = vector.shape_cast %get3A_499 : vector<16xf32> to vector<16xf32>
        %get3A_501 = arith.constant 192 : index
        %get3A_502 = tpu.vector_load %arg10[%get3A_501] {strides = array<i32>} : memref<640xf32, #tpu.memory_space<vmem>>, vector<16xf32>,
        %get3A_503 = vector.shape_cast %get3A_502 : vector<16xf32> to vector<16xf32>
        %mul3A_504 = arith.mulf %get3A_500, %get3A_503 : vector<16xf32>
        %add3A_505 = arith.addf %add3A_493, %mul3A_504 : vector<16xf32>
        %mul3A_506 = arith.constant 16 : i32
        %mul3A_507 = arith.muli %scan3A_347, %mul3A_506 : i32
        %add3A_508 = arith.constant 3328 : i32
        %add3A_509 = arith.addi %add3A_508, %mul3A_507 : i32
        %get3A_510 = arith.index_cast %add3A_509 : i32 to index
        %get3A_511 = tpu.vector_load %arg8[%get3A_510] {strides = array<i32>} : memref<6656xf32, #tpu.memory_space<vmem>>, vector<16xf32>,
        %get3A_512 = vector.shape_cast %get3A_511 : vector<16xf32> to vector<16xf32>
        %get3A_513 = arith.constant 208 : index
        %get3A_514 = tpu.vector_load %arg10[%get3A_513] {strides = array<i32>} : memref<640xf32, #tpu.memory_space<vmem>>, vector<16xf32>,
        %get3A_515 = vector.shape_cast %get3A_514 : vector<16xf32> to vector<16xf32>
        %mul3A_516 = arith.mulf %get3A_512, %get3A_515 : vector<16xf32>
        %add3A_517 = arith.addf %add3A_505, %mul3A_516 : vector<16xf32>
        %mul3A_518 = arith.constant 16 : i32
        %mul3A_519 = arith.muli %scan3A_347, %mul3A_518 : i32
        %add3A_520 = arith.constant 3584 : i32
        %add3A_521 = arith.addi %add3A_520, %mul3A_519 : i32
        %get3A_522 = arith.index_cast %add3A_521 : i32 to index
        %get3A_523 = tpu.vector_load %arg8[%get3A_522] {strides = array<i32>} : memref<6656xf32, #tpu.memory_space<vmem>>, vector<16xf32>,
        %get3A_524 = vector.shape_cast %get3A_523 : vector<16xf32> to vector<16xf32>
        %get3A_525 = arith.constant 224 : index
        %get3A_526 = tpu.vector_load %arg10[%get3A_525] {strides = array<i32>} : memref<640xf32, #tpu.memory_space<vmem>>, vector<16xf32>,
        %get3A_527 = vector.shape_cast %get3A_526 : vector<16xf32> to vector<16xf32>
        %mul3A_528 = arith.mulf %get3A_524, %get3A_527 : vector<16xf32>
        %add3A_529 = arith.addf %add3A_517, %mul3A_528 : vector<16xf32>
        %mul3A_530 = arith.constant 16 : i32
        %mul3A_531 = arith.muli %scan3A_347, %mul3A_530 : i32
        %add3A_532 = arith.constant 3840 : i32
        %add3A_533 = arith.addi %add3A_532, %mul3A_531 : i32
        %get3A_534 = arith.index_cast %add3A_533 : i32 to index
        %get3A_535 = tpu.vector_load %arg8[%get3A_534] {strides = array<i32>} : memref<6656xf32, #tpu.memory_space<vmem>>, vector<16xf32>,
        %get3A_536 = vector.shape_cast %get3A_535 : vector<16xf32> to vector<16xf32>
        %get3A_537 = arith.constant 240 : index
        %get3A_538 = tpu.vector_load %arg10[%get3A_537] {strides = array<i32>} : memref<640xf32, #tpu.memory_space<vmem>>, vector<16xf32>,
        %get3A_539 = vector.shape_cast %get3A_538 : vector<16xf32> to vector<16xf32>
        %mul3A_540 = arith.mulf %get3A_536, %get3A_539 : vector<16xf32>
        %add3A_541 = arith.addf %add3A_529, %mul3A_540 : vector<16xf32>
        %mul3A_542 = arith.constant 16 : i32
        %mul3A_543 = arith.muli %scan3A_347, %mul3A_542 : i32
        %add3A_544 = arith.constant 4096 : i32
        %add3A_545 = arith.addi %add3A_544, %mul3A_543 : i32
        %get3A_546 = arith.index_cast %add3A_545 : i32 to index
        %get3A_547 = tpu.vector_load %arg8[%get3A_546] {strides = array<i32>} : memref<6656xf32, #tpu.memory_space<vmem>>, vector<16xf32>,
        %get3A_548 = vector.shape_cast %get3A_547 : vector<16xf32> to vector<16xf32>
        %get3A_549 = arith.constant 256 : index
        %get3A_550 = tpu.vector_load %arg10[%get3A_549] {strides = array<i32>} : memref<640xf32, #tpu.memory_space<vmem>>, vector<16xf32>,
        %get3A_551 = vector.shape_cast %get3A_550 : vector<16xf32> to vector<16xf32>
        %mul3A_552 = arith.mulf %get3A_548, %get3A_551 : vector<16xf32>
        %add3A_553 = arith.addf %add3A_541, %mul3A_552 : vector<16xf32>
        %mul3A_554 = arith.constant 16 : i32
        %mul3A_555 = arith.muli %scan3A_347, %mul3A_554 : i32
        %add3A_556 = arith.constant 4352 : i32
        %add3A_557 = arith.addi %add3A_556, %mul3A_555 : i32
        %get3A_558 = arith.index_cast %add3A_557 : i32 to index
        %get3A_559 = tpu.vector_load %arg8[%get3A_558] {strides = array<i32>} : memref<6656xf32, #tpu.memory_space<vmem>>, vector<16xf32>,
        %get3A_560 = vector.shape_cast %get3A_559 : vector<16xf32> to vector<16xf32>
        %get3A_561 = arith.constant 272 : index
        %get3A_562 = tpu.vector_load %arg10[%get3A_561] {strides = array<i32>} : memref<640xf32, #tpu.memory_space<vmem>>, vector<16xf32>,
        %get3A_563 = vector.shape_cast %get3A_562 : vector<16xf32> to vector<16xf32>
        %mul3A_564 = arith.mulf %get3A_560, %get3A_563 : vector<16xf32>
        %add3A_565 = arith.addf %add3A_553, %mul3A_564 : vector<16xf32>
        %mul3A_566 = arith.constant 16 : i32
        %mul3A_567 = arith.muli %scan3A_347, %mul3A_566 : i32
        %add3A_568 = arith.constant 4608 : i32
        %add3A_569 = arith.addi %add3A_568, %mul3A_567 : i32
        %get3A_570 = arith.index_cast %add3A_569 : i32 to index
        %get3A_571 = tpu.vector_load %arg8[%get3A_570] {strides = array<i32>} : memref<6656xf32, #tpu.memory_space<vmem>>, vector<16xf32>,
        %get3A_572 = vector.shape_cast %get3A_571 : vector<16xf32> to vector<16xf32>
        %get3A_573 = arith.constant 288 : index
        %get3A_574 = tpu.vector_load %arg10[%get3A_573] {strides = array<i32>} : memref<640xf32, #tpu.memory_space<vmem>>, vector<16xf32>,
        %get3A_575 = vector.shape_cast %get3A_574 : vector<16xf32> to vector<16xf32>
        %mul3A_576 = arith.mulf %get3A_572, %get3A_575 : vector<16xf32>
        %add3A_577 = arith.addf %add3A_565, %mul3A_576 : vector<16xf32>
        %mul3A_578 = arith.constant 16 : i32
        %mul3A_579 = arith.muli %scan3A_347, %mul3A_578 : i32
        %add3A_580 = arith.constant 4864 : i32
        %add3A_581 = arith.addi %add3A_580, %mul3A_579 : i32
        %get3A_582 = arith.index_cast %add3A_581 : i32 to index
        %get3A_583 = tpu.vector_load %arg8[%get3A_582] {strides = array<i32>} : memref<6656xf32, #tpu.memory_space<vmem>>, vector<16xf32>,
        %get3A_584 = vector.shape_cast %get3A_583 : vector<16xf32> to vector<16xf32>
        %get3A_585 = arith.constant 304 : index
        %get3A_586 = tpu.vector_load %arg10[%get3A_585] {strides = array<i32>} : memref<640xf32, #tpu.memory_space<vmem>>, vector<16xf32>,
        %get3A_587 = vector.shape_cast %get3A_586 : vector<16xf32> to vector<16xf32>
        %mul3A_588 = arith.mulf %get3A_584, %get3A_587 : vector<16xf32>
        %add3A_589 = arith.addf %add3A_577, %mul3A_588 : vector<16xf32>
        %mul3A_590 = arith.constant 16 : i32
        %mul3A_591 = arith.muli %scan3A_347, %mul3A_590 : i32
        %add3A_592 = arith.constant 5120 : i32
        %add3A_593 = arith.addi %add3A_592, %mul3A_591 : i32
        %get3A_594 = arith.index_cast %add3A_593 : i32 to index
        %get3A_595 = tpu.vector_load %arg8[%get3A_594] {strides = array<i32>} : memref<6656xf32, #tpu.memory_space<vmem>>, vector<16xf32>,
        %get3A_596 = vector.shape_cast %get3A_595 : vector<16xf32> to vector<16xf32>
        %get3A_597 = arith.constant 320 : index
        %get3A_598 = tpu.vector_load %arg10[%get3A_597] {strides = array<i32>} : memref<640xf32, #tpu.memory_space<vmem>>, vector<16xf32>,
        %get3A_599 = vector.shape_cast %get3A_598 : vector<16xf32> to vector<16xf32>
        %mul3A_600 = arith.mulf %get3A_596, %get3A_599 : vector<16xf32>
        %add3A_601 = arith.addf %add3A_589, %mul3A_600 : vector<16xf32>
        %mul3A_602 = arith.constant 16 : i32
        %mul3A_603 = arith.muli %scan3A_347, %mul3A_602 : i32
        %add3A_604 = arith.constant 5376 : i32
        %add3A_605 = arith.addi %add3A_604, %mul3A_603 : i32
        %get3A_606 = arith.index_cast %add3A_605 : i32 to index
        %get3A_607 = tpu.vector_load %arg8[%get3A_606] {strides = array<i32>} : memref<6656xf32, #tpu.memory_space<vmem>>, vector<16xf32>,
        %get3A_608 = vector.shape_cast %get3A_607 : vector<16xf32> to vector<16xf32>
        %get3A_609 = arith.constant 336 : index
        %get3A_610 = tpu.vector_load %arg10[%get3A_609] {strides = array<i32>} : memref<640xf32, #tpu.memory_space<vmem>>, vector<16xf32>,
        %get3A_611 = vector.shape_cast %get3A_610 : vector<16xf32> to vector<16xf32>
        %mul3A_612 = arith.mulf %get3A_608, %get3A_611 : vector<16xf32>
        %add3A_613 = arith.addf %add3A_601, %mul3A_612 : vector<16xf32>
        %mul3A_614 = arith.constant 16 : i32
        %mul3A_615 = arith.muli %scan3A_347, %mul3A_614 : i32
        %add3A_616 = arith.constant 5632 : i32
        %add3A_617 = arith.addi %add3A_616, %mul3A_615 : i32
        %get3A_618 = arith.index_cast %add3A_617 : i32 to index
        %get3A_619 = tpu.vector_load %arg8[%get3A_618] {strides = array<i32>} : memref<6656xf32, #tpu.memory_space<vmem>>, vector<16xf32>,
        %get3A_620 = vector.shape_cast %get3A_619 : vector<16xf32> to vector<16xf32>
        %get3A_621 = arith.constant 352 : index
        %get3A_622 = tpu.vector_load %arg10[%get3A_621] {strides = array<i32>} : memref<640xf32, #tpu.memory_space<vmem>>, vector<16xf32>,
        %get3A_623 = vector.shape_cast %get3A_622 : vector<16xf32> to vector<16xf32>
        %mul3A_624 = arith.mulf %get3A_620, %get3A_623 : vector<16xf32>
        %add3A_625 = arith.addf %add3A_613, %mul3A_624 : vector<16xf32>
        %mul3A_626 = arith.constant 16 : i32
        %mul3A_627 = arith.muli %scan3A_347, %mul3A_626 : i32
        %add3A_628 = arith.constant 5888 : i32
        %add3A_629 = arith.addi %add3A_628, %mul3A_627 : i32
        %get3A_630 = arith.index_cast %add3A_629 : i32 to index
        %get3A_631 = tpu.vector_load %arg8[%get3A_630] {strides = array<i32>} : memref<6656xf32, #tpu.memory_space<vmem>>, vector<16xf32>,
        %get3A_632 = vector.shape_cast %get3A_631 : vector<16xf32> to vector<16xf32>
        %get3A_633 = arith.constant 368 : index
        %get3A_634 = tpu.vector_load %arg10[%get3A_633] {strides = array<i32>} : memref<640xf32, #tpu.memory_space<vmem>>, vector<16xf32>,
        %get3A_635 = vector.shape_cast %get3A_634 : vector<16xf32> to vector<16xf32>
        %mul3A_636 = arith.mulf %get3A_632, %get3A_635 : vector<16xf32>
        %add3A_637 = arith.addf %add3A_625, %mul3A_636 : vector<16xf32>
        %mul3A_638 = arith.constant 16 : i32
        %mul3A_639 = arith.muli %scan3A_347, %mul3A_638 : i32
        %add3A_640 = arith.constant 6144 : i32
        %add3A_641 = arith.addi %add3A_640, %mul3A_639 : i32
        %get3A_642 = arith.index_cast %add3A_641 : i32 to index
        %get3A_643 = tpu.vector_load %arg8[%get3A_642] {strides = array<i32>} : memref<6656xf32, #tpu.memory_space<vmem>>, vector<16xf32>,
        %get3A_644 = vector.shape_cast %get3A_643 : vector<16xf32> to vector<16xf32>
        %get3A_645 = arith.constant 384 : index
        %get3A_646 = tpu.vector_load %arg10[%get3A_645] {strides = array<i32>} : memref<640xf32, #tpu.memory_space<vmem>>, vector<16xf32>,
        %get3A_647 = vector.shape_cast %get3A_646 : vector<16xf32> to vector<16xf32>
        %mul3A_648 = arith.mulf %get3A_644, %get3A_647 : vector<16xf32>
        %add3A_649 = arith.addf %add3A_637, %mul3A_648 : vector<16xf32>
        %mul3A_650 = arith.constant 16 : i32
        %mul3A_651 = arith.muli %scan3A_347, %mul3A_650 : i32
        %add3A_652 = arith.constant 6400 : i32
        %add3A_653 = arith.addi %add3A_652, %mul3A_651 : i32
        %get3A_654 = arith.index_cast %add3A_653 : i32 to index
        %get3A_655 = tpu.vector_load %arg8[%get3A_654] {strides = array<i32>} : memref<6656xf32, #tpu.memory_space<vmem>>, vector<16xf32>,
        %get3A_656 = vector.shape_cast %get3A_655 : vector<16xf32> to vector<16xf32>
        %get3A_657 = arith.constant 400 : index
        %get3A_658 = tpu.vector_load %arg10[%get3A_657] {strides = array<i32>} : memref<640xf32, #tpu.memory_space<vmem>>, vector<16xf32>,
        %get3A_659 = vector.shape_cast %get3A_658 : vector<16xf32> to vector<16xf32>
        %mul3A_660 = arith.mulf %get3A_656, %get3A_659 : vector<16xf32>
        %add3A_661 = arith.addf %add3A_649, %mul3A_660 : vector<16xf32>
        %mul3A_662 = arith.constant 16 : i32
        %mul3A_663 = arith.muli %scan3A_347, %mul3A_662 : i32
        %add3A_664 = arith.constant 0 : i32
        %add3A_665 = arith.addi %add3A_664, %mul3A_663 : i32
        %get3A_666 = arith.index_cast %add3A_665 : i32 to index
        %get3A_667 = tpu.vector_load %arg9[%get3A_666] {strides = array<i32>} : memref<3328xf32, #tpu.memory_space<vmem>>, vector<16xf32>,
        %get3A_668 = vector.shape_cast %get3A_667 : vector<16xf32> to vector<16xf32>
        %get3A_669 = arith.constant 416 : index
        %get3A_670 = tpu.vector_load %arg10[%get3A_669] {strides = array<i32>} : memref<640xf32, #tpu.memory_space<vmem>>, vector<16xf32>,
        %get3A_671 = vector.shape_cast %get3A_670 : vector<16xf32> to vector<16xf32>
        %mul3A_672 = arith.mulf %get3A_668, %get3A_671 : vector<16xf32>
        %add3A_673 = arith.addf %add3A_661, %mul3A_672 : vector<16xf32>
        %mul3A_674 = arith.constant 16 : i32
        %mul3A_675 = arith.muli %scan3A_347, %mul3A_674 : i32
        %add3A_676 = arith.constant 256 : i32
        %add3A_677 = arith.addi %add3A_676, %mul3A_675 : i32
        %get3A_678 = arith.index_cast %add3A_677 : i32 to index
        %get3A_679 = tpu.vector_load %arg9[%get3A_678] {strides = array<i32>} : memref<3328xf32, #tpu.memory_space<vmem>>, vector<16xf32>,
        %get3A_680 = vector.shape_cast %get3A_679 : vector<16xf32> to vector<16xf32>
        %get3A_681 = arith.constant 432 : index
        %get3A_682 = tpu.vector_load %arg10[%get3A_681] {strides = array<i32>} : memref<640xf32, #tpu.memory_space<vmem>>, vector<16xf32>,
        %get3A_683 = vector.shape_cast %get3A_682 : vector<16xf32> to vector<16xf32>
        %mul3A_684 = arith.mulf %get3A_680, %get3A_683 : vector<16xf32>
        %add3A_685 = arith.addf %add3A_673, %mul3A_684 : vector<16xf32>
        %mul3A_686 = arith.constant 16 : i32
        %mul3A_687 = arith.muli %scan3A_347, %mul3A_686 : i32
        %add3A_688 = arith.constant 512 : i32
        %add3A_689 = arith.addi %add3A_688, %mul3A_687 : i32
        %get3A_690 = arith.index_cast %add3A_689 : i32 to index
        %get3A_691 = tpu.vector_load %arg9[%get3A_690] {strides = array<i32>} : memref<3328xf32, #tpu.memory_space<vmem>>, vector<16xf32>,
        %get3A_692 = vector.shape_cast %get3A_691 : vector<16xf32> to vector<16xf32>
        %get3A_693 = arith.constant 448 : index
        %get3A_694 = tpu.vector_load %arg10[%get3A_693] {strides = array<i32>} : memref<640xf32, #tpu.memory_space<vmem>>, vector<16xf32>,
        %get3A_695 = vector.shape_cast %get3A_694 : vector<16xf32> to vector<16xf32>
        %mul3A_696 = arith.mulf %get3A_692, %get3A_695 : vector<16xf32>
        %add3A_697 = arith.addf %add3A_685, %mul3A_696 : vector<16xf32>
        %mul3A_698 = arith.constant 16 : i32
        %mul3A_699 = arith.muli %scan3A_347, %mul3A_698 : i32
        %add3A_700 = arith.constant 768 : i32
        %add3A_701 = arith.addi %add3A_700, %mul3A_699 : i32
        %get3A_702 = arith.index_cast %add3A_701 : i32 to index
        %get3A_703 = tpu.vector_load %arg9[%get3A_702] {strides = array<i32>} : memref<3328xf32, #tpu.memory_space<vmem>>, vector<16xf32>,
        %get3A_704 = vector.shape_cast %get3A_703 : vector<16xf32> to vector<16xf32>
        %get3A_705 = arith.constant 464 : index
        %get3A_706 = tpu.vector_load %arg10[%get3A_705] {strides = array<i32>} : memref<640xf32, #tpu.memory_space<vmem>>, vector<16xf32>,
        %get3A_707 = vector.shape_cast %get3A_706 : vector<16xf32> to vector<16xf32>
        %mul3A_708 = arith.mulf %get3A_704, %get3A_707 : vector<16xf32>
        %add3A_709 = arith.addf %add3A_697, %mul3A_708 : vector<16xf32>
        %mul3A_710 = arith.constant 16 : i32
        %mul3A_711 = arith.muli %scan3A_347, %mul3A_710 : i32
        %add3A_712 = arith.constant 1024 : i32
        %add3A_713 = arith.addi %add3A_712, %mul3A_711 : i32
        %get3A_714 = arith.index_cast %add3A_713 : i32 to index
        %get3A_715 = tpu.vector_load %arg9[%get3A_714] {strides = array<i32>} : memref<3328xf32, #tpu.memory_space<vmem>>, vector<16xf32>,
        %get3A_716 = vector.shape_cast %get3A_715 : vector<16xf32> to vector<16xf32>
        %get3A_717 = arith.constant 480 : index
        %get3A_718 = tpu.vector_load %arg10[%get3A_717] {strides = array<i32>} : memref<640xf32, #tpu.memory_space<vmem>>, vector<16xf32>,
        %get3A_719 = vector.shape_cast %get3A_718 : vector<16xf32> to vector<16xf32>
        %mul3A_720 = arith.mulf %get3A_716, %get3A_719 : vector<16xf32>
        %add3A_721 = arith.addf %add3A_709, %mul3A_720 : vector<16xf32>
        %mul3A_722 = arith.constant 16 : i32
        %mul3A_723 = arith.muli %scan3A_347, %mul3A_722 : i32
        %add3A_724 = arith.constant 1280 : i32
        %add3A_725 = arith.addi %add3A_724, %mul3A_723 : i32
        %get3A_726 = arith.index_cast %add3A_725 : i32 to index
        %get3A_727 = tpu.vector_load %arg9[%get3A_726] {strides = array<i32>} : memref<3328xf32, #tpu.memory_space<vmem>>, vector<16xf32>,
        %get3A_728 = vector.shape_cast %get3A_727 : vector<16xf32> to vector<16xf32>
        %get3A_729 = arith.constant 496 : index
        %get3A_730 = tpu.vector_load %arg10[%get3A_729] {strides = array<i32>} : memref<640xf32, #tpu.memory_space<vmem>>, vector<16xf32>,
        %get3A_731 = vector.shape_cast %get3A_730 : vector<16xf32> to vector<16xf32>
        %mul3A_732 = arith.mulf %get3A_728, %get3A_731 : vector<16xf32>
        %add3A_733 = arith.addf %add3A_721, %mul3A_732 : vector<16xf32>
        %mul3A_734 = arith.constant 16 : i32
        %mul3A_735 = arith.muli %scan3A_347, %mul3A_734 : i32
        %add3A_736 = arith.constant 1536 : i32
        %add3A_737 = arith.addi %add3A_736, %mul3A_735 : i32
        %get3A_738 = arith.index_cast %add3A_737 : i32 to index
        %get3A_739 = tpu.vector_load %arg9[%get3A_738] {strides = array<i32>} : memref<3328xf32, #tpu.memory_space<vmem>>, vector<16xf32>,
        %get3A_740 = vector.shape_cast %get3A_739 : vector<16xf32> to vector<16xf32>
        %get3A_741 = arith.constant 512 : index
        %get3A_742 = tpu.vector_load %arg10[%get3A_741] {strides = array<i32>} : memref<640xf32, #tpu.memory_space<vmem>>, vector<16xf32>,
        %get3A_743 = vector.shape_cast %get3A_742 : vector<16xf32> to vector<16xf32>
        %mul3A_744 = arith.mulf %get3A_740, %get3A_743 : vector<16xf32>
        %add3A_745 = arith.addf %add3A_733, %mul3A_744 : vector<16xf32>
        %mul3A_746 = arith.constant 16 : i32
        %mul3A_747 = arith.muli %scan3A_347, %mul3A_746 : i32
        %add3A_748 = arith.constant 1792 : i32
        %add3A_749 = arith.addi %add3A_748, %mul3A_747 : i32
        %get3A_750 = arith.index_cast %add3A_749 : i32 to index
        %get3A_751 = tpu.vector_load %arg9[%get3A_750] {strides = array<i32>} : memref<3328xf32, #tpu.memory_space<vmem>>, vector<16xf32>,
        %get3A_752 = vector.shape_cast %get3A_751 : vector<16xf32> to vector<16xf32>
        %get3A_753 = arith.constant 528 : index
        %get3A_754 = tpu.vector_load %arg10[%get3A_753] {strides = array<i32>} : memref<640xf32, #tpu.memory_space<vmem>>, vector<16xf32>,
        %get3A_755 = vector.shape_cast %get3A_754 : vector<16xf32> to vector<16xf32>
        %mul3A_756 = arith.mulf %get3A_752, %get3A_755 : vector<16xf32>
        %add3A_757 = arith.addf %add3A_745, %mul3A_756 : vector<16xf32>
        %mul3A_758 = arith.constant 16 : i32
        %mul3A_759 = arith.muli %scan3A_347, %mul3A_758 : i32
        %add3A_760 = arith.constant 2048 : i32
        %add3A_761 = arith.addi %add3A_760, %mul3A_759 : i32
        %get3A_762 = arith.index_cast %add3A_761 : i32 to index
        %get3A_763 = tpu.vector_load %arg9[%get3A_762] {strides = array<i32>} : memref<3328xf32, #tpu.memory_space<vmem>>, vector<16xf32>,
        %get3A_764 = vector.shape_cast %get3A_763 : vector<16xf32> to vector<16xf32>
        %get3A_765 = arith.constant 544 : index
        %get3A_766 = tpu.vector_load %arg10[%get3A_765] {strides = array<i32>} : memref<640xf32, #tpu.memory_space<vmem>>, vector<16xf32>,
        %get3A_767 = vector.shape_cast %get3A_766 : vector<16xf32> to vector<16xf32>
        %mul3A_768 = arith.mulf %get3A_764, %get3A_767 : vector<16xf32>
        %add3A_769 = arith.addf %add3A_757, %mul3A_768 : vector<16xf32>
        %mul3A_770 = arith.constant 16 : i32
        %mul3A_771 = arith.muli %scan3A_347, %mul3A_770 : i32
        %add3A_772 = arith.constant 2304 : i32
        %add3A_773 = arith.addi %add3A_772, %mul3A_771 : i32
        %get3A_774 = arith.index_cast %add3A_773 : i32 to index
        %get3A_775 = tpu.vector_load %arg9[%get3A_774] {strides = array<i32>} : memref<3328xf32, #tpu.memory_space<vmem>>, vector<16xf32>,
        %get3A_776 = vector.shape_cast %get3A_775 : vector<16xf32> to vector<16xf32>
        %get3A_777 = arith.constant 560 : index
        %get3A_778 = tpu.vector_load %arg10[%get3A_777] {strides = array<i32>} : memref<640xf32, #tpu.memory_space<vmem>>, vector<16xf32>,
        %get3A_779 = vector.shape_cast %get3A_778 : vector<16xf32> to vector<16xf32>
        %mul3A_780 = arith.mulf %get3A_776, %get3A_779 : vector<16xf32>
        %add3A_781 = arith.addf %add3A_769, %mul3A_780 : vector<16xf32>
        %mul3A_782 = arith.constant 16 : i32
        %mul3A_783 = arith.muli %scan3A_347, %mul3A_782 : i32
        %add3A_784 = arith.constant 2560 : i32
        %add3A_785 = arith.addi %add3A_784, %mul3A_783 : i32
        %get3A_786 = arith.index_cast %add3A_785 : i32 to index
        %get3A_787 = tpu.vector_load %arg9[%get3A_786] {strides = array<i32>} : memref<3328xf32, #tpu.memory_space<vmem>>, vector<16xf32>,
        %get3A_788 = vector.shape_cast %get3A_787 : vector<16xf32> to vector<16xf32>
        %get3A_789 = arith.constant 576 : index
        %get3A_790 = tpu.vector_load %arg10[%get3A_789] {strides = array<i32>} : memref<640xf32, #tpu.memory_space<vmem>>, vector<16xf32>,
        %get3A_791 = vector.shape_cast %get3A_790 : vector<16xf32> to vector<16xf32>
        %mul3A_792 = arith.mulf %get3A_788, %get3A_791 : vector<16xf32>
        %add3A_793 = arith.addf %add3A_781, %mul3A_792 : vector<16xf32>
        %mul3A_794 = arith.constant 16 : i32
        %mul3A_795 = arith.muli %scan3A_347, %mul3A_794 : i32
        %add3A_796 = arith.constant 2816 : i32
        %add3A_797 = arith.addi %add3A_796, %mul3A_795 : i32
        %get3A_798 = arith.index_cast %add3A_797 : i32 to index
        %get3A_799 = tpu.vector_load %arg9[%get3A_798] {strides = array<i32>} : memref<3328xf32, #tpu.memory_space<vmem>>, vector<16xf32>,
        %get3A_800 = vector.shape_cast %get3A_799 : vector<16xf32> to vector<16xf32>
        %get3A_801 = arith.constant 592 : index
        %get3A_802 = tpu.vector_load %arg10[%get3A_801] {strides = array<i32>} : memref<640xf32, #tpu.memory_space<vmem>>, vector<16xf32>,
        %get3A_803 = vector.shape_cast %get3A_802 : vector<16xf32> to vector<16xf32>
        %mul3A_804 = arith.mulf %get3A_800, %get3A_803 : vector<16xf32>
        %add3A_805 = arith.addf %add3A_793, %mul3A_804 : vector<16xf32>
        %mul3A_806 = arith.constant 16 : i32
        %mul3A_807 = arith.muli %scan3A_347, %mul3A_806 : i32
        %add3A_808 = arith.constant 3072 : i32
        %add3A_809 = arith.addi %add3A_808, %mul3A_807 : i32
        %get3A_810 = arith.index_cast %add3A_809 : i32 to index
        %get3A_811 = tpu.vector_load %arg9[%get3A_810] {strides = array<i32>} : memref<3328xf32, #tpu.memory_space<vmem>>, vector<16xf32>,
        %get3A_812 = vector.shape_cast %get3A_811 : vector<16xf32> to vector<16xf32>
        %get3A_813 = arith.constant 608 : index
        %get3A_814 = tpu.vector_load %arg10[%get3A_813] {strides = array<i32>} : memref<640xf32, #tpu.memory_space<vmem>>, vector<16xf32>,
        %get3A_815 = vector.shape_cast %get3A_814 : vector<16xf32> to vector<16xf32>
        %mul3A_816 = arith.mulf %get3A_812, %get3A_815 : vector<16xf32>
        %add3A_817 = arith.addf %add3A_805, %mul3A_816 : vector<16xf32>
        %mul3A_818 = arith.constant 16 : i32
        %mul3A_819 = arith.muli %scan3A_347, %mul3A_818 : i32
        %swap3A = arith.index_cast %mul3A_819 : i32 to index
        %swap3A_820 = tpu.vector_load %arg11[%swap3A] {strides = array<i32>} : memref<256xf32, #tpu.memory_space<vmem>>, vector<16xf32>,
        %swap3A_821 = vector.shape_cast %swap3A_820 : vector<16xf32> to vector<16xf32>
        %swap3A_822 = vector.shape_cast %add3A_817 : vector<16xf32> to vector<16xf32>
        tpu.vector_store %arg11[%swap3A], %swap3A_822 {strides = array<i32>} : memref<256xf32, #tpu.memory_space<vmem>>, vector<16xf32>,
      }
      %scan3A_346 = arith.constant 16 : i32
      "tpu.region"() ({
        %run_scoped3A = tpu.sem_alloc : memref<!tpu.dma_semaphore, #tpu.memory_space<semaphore_mem>>
        %dma_start3A_347 = tpu.memref_slice %arg6[%add3A_11] : memref<16384xf32, #tpu.memory_space<hbm>> -> memref<256xf32, #tpu.memory_space<hbm>>
        %dma_start3A_348 = tpu.memref_slice %arg6[%add3A_11] : memref<16384xf32, #tpu.memory_space<hbm>> -> memref<256xf32, #tpu.memory_space<hbm>>
        tpu.enqueue_dma source(%arg11 : memref<256xf32, #tpu.memory_space<vmem>>) target(%dma_start3A_348 : memref<256xf32, #tpu.memory_space<hbm>>) target_semaphore(%run_scoped3A : memref<!tpu.dma_semaphore, #tpu.memory_space<semaphore_mem>>)
        %dma_wait3A_349 = tpu.memref_slice %arg6[%add3A_11] : memref<16384xf32, #tpu.memory_space<hbm>> -> memref<256xf32, #tpu.memory_space<hbm>>
        %dma_wait3A_350 = tpu.memref_slice %arg6[%add3A_11] : memref<16384xf32, #tpu.memory_space<hbm>> -> memref<256xf32, #tpu.memory_space<hbm>>
        tpu.wait_dma2 semaphore(%run_scoped3A : memref<!tpu.dma_semaphore, #tpu.memory_space<semaphore_mem>>) src(%arg11 : memref<256xf32, #tpu.memory_space<vmem>>) dst(%dma_wait3A_350 : memref<256xf32, #tpu.memory_space<hbm>>)
        tpu.yield
      }) : () -> ()
    }
    %scan3A_5 = arith.constant 2 : i32
    return
  }
}

</mosaic_0001>

<sc_bundles>
// kernel: kernel.3.cloned.1.call-start
scs
__scs_entry_jumppad:
0x0: {  	(pc) =	sbr.rel $0x88, $3  }
0x1: {  	(tag) =	ssettag $0x0;
	lr =	simm.s32 $0x1  }
0x2: {  	[smem:$0x3F9C] =	sst lr;
	_ =	strace $0xD0000000  }
0x3: {  	_ = 	snop  }
0x4: {  	_ = 	snop  }
0x5: {  	_ = 	snop  }
0x6: {  	_ = 	snop  }
0x7: {  	_ = 	snop  }
__scs_overlays_trampoline_lowered:
0x8: {  	[smem:$0x3FAB] =	sst s0  }
0x9: {  	[smem:$0x3FAC] =	sst s1  }
0xa: {  	[smem:$0x3FAD] =	sst s2  }
0xb: {  	[smem:$0x3FAE] =	sst s3  }
0xc: {  	[smem:$0x3FAF] =	sst s4  }
0xd: {  	[smem:$0x3FB0] =	sst s5  }
0xe: {  	[smem:$0x3FB1] =	sst s6  }
0xf: {  	[smem:$0x3FB2] =	sst s7  }
0x10: {  	[smem:$0x3FB3] =	sst s8  }
0x11: {  	[smem:$0x3FB4] =	sst s9;
	s0 =	simm.s32 @!p0 $0x0  }
0x12: {  	s1 =	sld [smem:$0x3F9A];
	s0 =	simm.s32 @p0 $0x1  }
0x13: {  	[smem:$0x3FB5] =	sst s0;
	s0 =	simm.s32 @!p1 $0x0  }
0x14: {  	s2 =	sld [smem:$0x3F99];
	s0 =	simm.s32 @p1 $0x1  }
0x15: {  	[smem:$0x3FB6] =	sst s0;
	s0 =	simm.s32 @!p2 $0x0  }
0x16: {  	s3 =	sld [smem:$0x3FDB];
	s0 =	simm.s32 @p2 $0x1  }
0x17: {  	s4 =	simm.s32 $0x1BF5;
	[smem:$0x3FB8] =	sst s0  }
0x18: {  	s0 =	sld [smem:$0x3F9B];
	_ =	swait.ge [sflag:s4], $0x0  }
0x19: {  	s7 =	sld [smem:$0x3F9C]  }
0x1a: {  	s8 =	sadd.s32 $0xFFFFE003, lr  }
0x1b: {  	s9 =	sadd.s32 $0xFFFFFEF7, lr;
	s5 =	simm.s32 $0xFFFFFFFF;
	p2 =	slt.u32 s8, $0xFFFFF086  }
0x1c: {  	p1 =	slt.u32 s9, $0xF7A;
	s5 =	simm.s32 @!p2 $0x0  }
0x1d: {  	s5 =	simm.s32 @p1 $0x1;
	p0 =	seq.s32 s7, s2  }
0x1e: {  	s7 =	smul.u32 @!p0 $0xF7A, s2;
	p2 =	seq.s32 @!p0 s5, $0x0  }
0x1f: {  	s9 =	smul.u32 $0xF7A, s1;
	s8 =	simm.s32 @!p0 $0x1BF5;
	p2 =	por !p2, p0  }
0x20: {  	[sflag:s8] =	ssyncset.s32 @!p0 $0xFFFFF086;
	s6 =	sadd.s32 @!p0 s3, s7;
	s7 =	simm.s32 @!p0 $0x108  }
0x21: {  	s3 =	sadd.s32 s3, s9;
	s6 =	sadd.s32 @!p0 $0x88, s6;
	s7 =	simm.s32 @p2 $0x1082  }
0x22: {  	[simem:s7], [sflag:s8] =	dma.local @!p0 [hbm:s6], $0xF7A  }
0x23: {  	s9 =	sor.u32 $0xD0000000, s2;
	s6 =	simm.s32 $0x108;
	_ =	swait.ge @!p0 [sflag:s8], $0x0  }
0x24: {  	s3 =	sadd.s32 $0x88, s3;
	s6 =	simm.s32 @!p1 $0x1082;
	[sflag:s4] =	ssyncset.s32 $0xFFFFF086  }
0x25: {  	[simem:s6], [sflag:s4] =	dma.local [hbm:s3], $0xF7A  }
0x26: {  	[smem:$0x3F9C] =	sst s1;
	(tag) =	ssettag s2;
	_ =	strace s9  }
0x27: {  	s1 =	sld [smem:$0x3FAC]  }
0x28: {  	s2 =	sld [smem:$0x3FAD]  }
0x29: {  	s4 =	sld [smem:$0x3FAF]  }
0x2a: {  	p0 =	seq.s32 s5, $0x0;
	s5 =	sld [smem:$0x3FB0]  }
0x2b: {  	s6 =	sld [smem:$0x3FB1]  }
0x2c: {  	s7 =	sld [smem:$0x3FB2]  }
0x2d: {  	s3 =	simm.s32 $0x108;
	s8 =	sld [smem:$0x3FB3]  }
0x2e: {  	s3 =	simm.s32 @!p0 $0x1082;
	s9 =	sld [smem:$0x3FB4]  }
0x2f: {  	lr =	sadd.s32 s0, s3;
	s0 =	sld [smem:$0x3FAB]  }
0x30: {  	s3 =	sld [smem:$0x3FAE]  }
0x31: {  	[smem:$0x3FB7] =	sst s10  }
0x32: {  	s10 =	sld [smem:$0x3FB5];
	_ =	sdelay $0x3  }
0x33: {  	p0 =	seq.s32 s10, $0x1;
	s10 =	sld [smem:$0x3FB7];
	_ =	sdelay $0x3  }
0x34: {  	[smem:$0x3FB7] =	sst s10  }
0x35: {  	s10 =	sld [smem:$0x3FB6];
	_ =	sdelay $0x3  }
0x36: {  	p1 =	seq.s32 s10, $0x1;
	s10 =	sld [smem:$0x3FB7];
	_ =	sdelay $0x3  }
0x37: {  	[smem:$0x3FB7] =	sst s10  }
0x38: {  	s10 =	sld [smem:$0x3FB8]  }
0x39: {  	_ = 	snop;
	(pc) =	sbr.ind lr, $3  }
0x3a: {  	_ = 	snop  }
0x3b: {  	_ = 	snop  }
0x3c: {  	p2 =	seq.s32 s10, $0x1;
	s10 =	sld [smem:$0x3FB7]  }
0x3d: {  	_ =	shalt  }
0x3e: {  	_ =	shalt  }
0x3f: {  	_ =	shalt  }
0x40: {  	_ =	shalt  }
0x41: {  	_ =	shalt  }
0x42: {  	_ =	shalt  }
0x43: {  	_ =	shalt  }
0x44: {  	_ =	shalt  }
0x45: {  	_ =	shalt  }
0x46: {  	_ =	shalt  }
0x47: {  	_ =	shalt  }
0x48: {  	_ =	shalt  }
0x49: {  	_ =	shalt  }
0x4a: {  	_ =	shalt  }
0x4b: {  	_ =	shalt  }
0x4c: {  	_ =	shalt  }
0x4d: {  	_ =	shalt  }
0x4e: {  	_ =	shalt  }
0x4f: {  	_ =	shalt  }
0x50: {  	_ =	shalt  }
0x51: {  	_ =	shalt  }
0x52: {  	_ =	shalt  }
0x53: {  	_ =	shalt  }
0x54: {  	_ =	shalt  }
0x55: {  	_ =	shalt  }
0x56: {  	_ =	shalt  }
0x57: {  	_ =	shalt  }
0x58: {  	_ =	shalt  }
0x59: {  	_ =	shalt  }
0x5a: {  	_ =	shalt  }
0x5b: {  	_ =	shalt  }
0x5c: {  	_ =	shalt  }
0x5d: {  	_ =	shalt  }
0x5e: {  	_ =	shalt  }
0x5f: {  	_ =	shalt  }
0x60: {  	_ =	shalt  }
0x61: {  	_ =	shalt  }
0x62: {  	_ =	shalt  }
0x63: {  	_ =	shalt  }
0x64: {  	_ =	shalt  }
0x65: {  	_ =	shalt  }
0x66: {  	_ =	shalt  }
0x67: {  	_ =	shalt  }
0x68: {  	_ =	shalt  }
0x69: {  	_ =	shalt  }
0x6a: {  	_ =	shalt  }
0x6b: {  	_ =	shalt  }
0x6c: {  	_ =	shalt  }
0x6d: {  	_ =	shalt  }
0x6e: {  	_ =	shalt  }
0x6f: {  	_ =	shalt  }
0x70: {  	_ =	shalt  }
0x71: {  	_ =	shalt  }
0x72: {  	_ =	shalt  }
0x73: {  	_ =	shalt  }
0x74: {  	_ =	shalt  }
0x75: {  	_ =	shalt  }
0x76: {  	_ =	shalt  }
0x77: {  	_ =	shalt  }
0x78: {  	_ =	shalt  }
0x79: {  	_ =	shalt  }
0x7a: {  	_ =	shalt  }
0x7b: {  	_ =	shalt  }
0x7c: {  	_ =	shalt  }
0x7d: {  	_ =	shalt  }
0x7e: {  	_ =	shalt  }
0x7f: {  	_ =	shalt  }
0x80: {  	_ =	shalt  }
0x81: {  	_ =	shalt  }
0x82: {  	_ =	shalt  }
0x83: {  	_ =	shalt  }
0x84: {  	_ =	shalt  }
0x85: {  	_ =	shalt  }
0x86: {  	_ =	shalt  }
0x87: {  	_ =	shalt  }
.Lfunc_end0:
.L_simem_size_0:
called_computation_lowered:
.L_overlay_start_0:
0x88: {  	s2 =	sld [smem:$0x3FD9]  }
0x89: {  	s3 =	sld [smem:$0x3FFE];
	_ =	sdelay $0x1  }
0x8a: {  	s1 =	srdreg.scid  }
0x8b: {  	s0 =	sand.u32 $0x1, s1  }
0x8c: {  	s17 =	sshll.u32 s0, $0xA;
	s2 =	sadd.s32 s3, s2  }
0x8d: {  	s2 =	sadd.s32 s2, s17  }
0x8e: {  	[smem:$0x3FC3] =	sst s2  }
0x8f: {  	_ = 	snop  }
0x90: {  	s2 =	sld [smem:$0x3FD0];
	(tm) =	ssettm $0x1  }
0x91: {  	s18 =	sld [smem:$0x3FFB];
	_ =	sdelay $0x3  }
0x92: {  	_ =	strace s18  }
0x93: {  	s3 =	sld [smem:$0x3FFC];
	_ =	sdelay $0x3  }
0x94: {  	_ =	strace s3  }
0x95: {  	s3 =	sld [smem:$0x3FFD];
	_ =	sdelay $0x3  }
0x96: {  	_ =	strace s3  }
0x97: {  	_ =	strace $0x8FFFFFFF  }
0x98: {  	s19 =	sld [smem:$0x3FDB];
	_ =	sdelay $0x1  }
0x99: {  	s4 =	simm.s32 $_scs_section_size  }
0x9a: {  	s5 =	simm.s32 $_size__tile_overlayer_lowered;
	s6 =	simm.s32 $_tile_overlayer_lowered  }
0x9b: {  	s22 =	simm.s32 $0x1BFF;
	s21 =	sshll.u32 s6, $0x1;
	s3 =	sadd.s32 s4, s19  }
0x9c: {  	s7 =	simm.s32 $0x0;
	s20 =	sshll.u32 s5, $0x1;
	s5 =	sadd.s32 s21, s3  }
0x9d: {  	[timem:s7], [sflag:s22] =	dma.local [hbm:s5], s20  }
0x9e: {  	_ =	swait.ge [sflag:s22], s20  }
0x9f: {  	s4 =	ssub.s32 $0x0, s20;
	[sflag:s22] =	ssyncset.done $0x0  }
0xa0: {  	[sflag:s22] =	ssyncadd.s32 s4;
	_ =	sdelay $0x1  }
0xa1: {  	s23 =	simm.s32 $0x1B8B  }
0xa2: {  	_ =	swait.ge [sflag:s23], $0x1  }
0xa3: {  	[sflag:s23] =	ssyncset.done $0x0  }
0xa4: {  	s25 =	simm.s32 $0x1B8E;
	s24 =	sld [smem:$0x3FFE];
	[sflag:s23] =	ssyncadd.s32 $0xFFFFFFFF  }
0xa5: {  	s26 =	simm.s32 $execute0_lowered;
	[smem:$0x3FD2] =	sst s25  }
0xa6: {  	s5 =	sshll.u32 s26, $0x1;
	_ =	strace $0x80000046;
	[dreg:$0x1] =	wrdreg $0xFFFFFFFF  }
0xa7: {  	s28 =	simm.s32 $_size_execute0_lowered;
	s3 =	sadd.s32 s3, s5;
	[dreg:$0x0] =	wrdreg $0x0  }
0xa8: {  	s5 =	sshll.u32 s28, $0x1;
	[dreg:$0x2] =	wrdreg s3  }
0xa9: {  	[dreg:$0x3] =	wrdreg s5  }
0xaa: {  	[dreg:$0x4] =	wrdreg $0xC0  }
0xab: {  	_ =	task [dreg:s7], $0x5FFFF  }
0xac: {  	[dreg:$0x1] =	wrdreg $0xFFFFFFFF  }
0xad: {  	[dreg:$0x0] =	wrdreg $0x60  }
0xae: {  	[dreg:$0x2] =	wrdreg s24  }
0xaf: {  	[dreg:$0x3] =	wrdreg s2  }
0xb0: {  	[dreg:$0x4] =	wrdreg $0x9  }
0xb1: {  	_ =	task.clear_ibuf [dreg:s7], $0x5FFFF;
	_ =	strace $0x90000046  }
0xb2: {  	s29 =	simm.s32 $0x9;
	_ =	strace $0x80000048  }
0xb3: {  	_ =	swait.ge [sflag:s29], $0x1  }
0xb4: {  	[sflag:s29] =	ssyncadd.s32 $0xFFFFFFFF  }
0xb5: {  	_ =	strace $0x90000048  }
0xb6: {  	_ =	sfence  }
0xb7: {  	s30 =	sld [smem:$0x0];
	_ =	sdelay $0x2  }
0xb8: {  	s31 =	sshll.u32 s1, $0xD;
	s1 =	sshrl.u32 s1, $0x2  }
0xb9: {  	s3 =	sand.u32 $0x4000, s31;
	s1 =	sadd.s32 s1, s30  }
0xba: {  	s0 =	sor.u32 s3, s0;
	s1 =	sshll.u32 s1, $0x11  }
0xbb: {  	s0 =	sor.u32 s1, s0  }
0xbc: {  	s0 =	sadd.s32 $0x8F2B, s0  }
0xbd: {  	[sflag:s0] =	ssyncadd.remote.s32 $0x1  }
0xbe: {  	_ =	sfence.sel $0xFFFF  }
0xbf: {  	[dreg:$0x0] =	wrdreg $0xFFFFFFFF;
	(pc) =	sbr.abs _section_cstart, $3  }
0xc0: {  	[dreg:$0x1] =	wrdreg $0xFFFFFFFF  }
0xc1: {  	_ =	task.clear_ibuf [dreg:s7], $0x2FFFF;
	_ =	strace $0x9FFFFFFF  }
0xc2: {  	(tm) =	ssettm $0x7FFFFFFF  }
0xc3: {  	_ =	shalt  }
tec
execute0_lowered:
.L_overlay_start_1:
0x0: {  	(tag) =	ssettag $0x1  }
0x1: {  	s0 =	rddreg [dreg:$0x0]  }
0x2: {  	s2 =	rddreg [dreg:$0x1];
	s1 =	simm.s32 $0x0;
	s5 =	srdreg.scid  }
0x3: {  	s8 =	stileid.u32;
	s11 =	simm.s32 $0x2;
	s13 =	simm.s32 $0x1  }
0x4: {  	s17 =	simm.s32 $0x1A30;
	s18 =	simm.s32 $0x1A40;
	s19 =	simm.s32 $0x1A50  }
0x5: {  	s20 =	simm.s32 $0x1A60;
	s21 =	simm.s32 $0x1A70;
	s22 =	simm.s32 $0x1A80  }
0x6: {  	s23 =	simm.s32 $0x1A90;
	s24 =	simm.s32 $0x1AA0;
	s25 =	simm.s32 $0x1AB0  }
0x7: {  	s28 =	simm.s32 $0x1AD0;
	s29 =	simm.s32 $0x1AE0;
	s30 =	simm.s32 $0x1AF0  }
0x8: {  	s31 =	simm.s32 $0x4380;
	[smem:$0x7FF] =	sst s1;
	s3 =	sadd.s32 $0x237400, s0  }
0x9: {  	s4 =	sadd.s32 $0x227400, s0;
	s6 =	sand.u32 $0x1, s5;
	s5 =	sadd.s32 $0x244400, s0  }
0xa: {  	s8 =	sshll.u32 s8, $0x1;
	s0 =	sadd.s32 $0x22DC00, s0;
	s7 =	ssub.s32 $0x2, s6  }
0xb: {  	_ =	strace $0x80000047;
	s6 =	sor.u32 s6, s8;
	s26 =	sshrl.u32 s7, $0x1  }
0xc: {  	[dreg:$0x3] =	wrdreg s0;
	s8 =	sshll.u32 s6, $0x6;
	s0 =	ssub.s32 s7, s26  }
0xd: {  	s7 =	sshll.u32 s6, $0x1;
	s8 =	sadd.s32 s2, s8;
	s0 =	smax.u32 s0, $0x1  }
0xe: {  	vm0 =	vmmov $0xffff;
	s26 =	simm.s32 $0x1AC0;
	s2 =	simm.s32 $0x0;
	[dreg:$0x4] =	wrdreg s0  }
.LBB2_1:
0xf: {  	[dreg:$0x5] =	wrdreg s2  }
0x10: {  	s0 =	rddreg [dreg:$0x3];
	s16 =	simm.s32 $0x4100  }
0x11: {  	[tilespmem:s16], [sflag:$0x2] =	stream.linear.gather [hbm4b:s0+s1], $0x280, $0x38;
	[tilespmem:$0x4480] =	vst v63  }
0x12: {  	_ =	swait.ge [sflag:s11], $0x280  }
0x13: {  	[sflag:s11] =	ssyncset.done $0x0  }
0x14: {  	p1 =	por $0x1, $0x1;
	s2 =	simm.s32 $0x0;
	[sflag:s11] =	ssyncadd.s32 $0xFFFFFD80  }
.LBB2_2:
0x15: {  	s6 =	sor.u32 s7, s2  }
0x16: {  	s0 =	smul.u32 $0x340, s6;
	_ =	sdelay $0x1  }
0x17: {  	s6 =	smul.u32 $0x1A0, s6;
	s9 =	sadd.s32 s3, s0;
	s0 =	simm.s32 $0x0  }
0x18: {  	[tilespmem:s0], [sflag:$0x1] =	stream.linear.gather [hbm4b:s9+s0], $0x1A00, $0x38;
	[tilespmem:$0x4480] =	vst v63  }
0x19: {  	s14 =	simm.s32 $0x3400;
	s6 =	sadd.s32 s4, s6  }
0x1a: {  	[tilespmem:s14], [sflag:$0x1] =	stream.linear.gather [hbm4b:s6+s0], $0xD00, $0x38;
	[tilespmem:$0x4480] =	vst v63  }
0x1b: {  	_ =	swait.ge [sflag:s13], $0x1A00  }
0x1c: {  	[sflag:s13] =	ssyncset.done $0x0  }
0x1d: {  	[sflag:s13] =	ssyncadd.s32 $0xFFFFE600  }
0x1e: {  	_ =	swait.ge [sflag:s13], $0xD00  }
0x1f: {  	[sflag:s13] =	ssyncset.done $0x0  }
0x20: {  	[sflag:s13] =	ssyncadd.s32 $0xFFFFF300  }
0x21: {  	v0 =	vld [tilespmem:$0x0];
	_ =	sdelay $0x6  }
0x22: {  	s15 =	simm.s32 $0x1A00  }
0x23: {  	[tilespmem:s15], [sflag:$0x1] =	stream.indirect_vreg.gather [hbm4b:s5+s0], $0x1, v0, vm0, $0xb8;
	[tilespmem:$0x4480] =	vst v63  }
0x24: {  	v0 =	vld [tilespmem:$0x10];
	_ =	sdelay $0x6  }
0x25: {  	s16 =	simm.s32 $0x1A10  }
0x26: {  	[tilespmem:s16], [sflag:$0x1] =	stream.indirect_vreg.gather [hbm4b:s5+s0], $0x1, v0, vm0, $0xb8;
	[tilespmem:$0x4480] =	vst v63  }
0x27: {  	v0 =	vld [tilespmem:$0x20];
	_ =	sdelay $0x6  }
0x28: {  	s9 =	simm.s32 $0x1A20  }
0x29: {  	[tilespmem:s9], [sflag:$0x1] =	stream.indirect_vreg.gather [hbm4b:s5+s0], $0x1, v0, vm0, $0xb8;
	[tilespmem:$0x4480] =	vst v63  }
0x2a: {  	v0 =	vld [tilespmem:$0x30];
	_ =	sdelay $0x7  }
0x2b: {  	[tilespmem:s17], [sflag:$0x1] =	stream.indirect_vreg.gather [hbm4b:s5+s0], $0x1, v0, vm0, $0xb8;
	[tilespmem:$0x4480] =	vst v63  }
0x2c: {  	v0 =	vld [tilespmem:$0x40];
	_ =	sdelay $0x7  }
0x2d: {  	[tilespmem:s18], [sflag:$0x1] =	stream.indirect_vreg.gather [hbm4b:s5+s0], $0x1, v0, vm0, $0xb8;
	[tilespmem:$0x4480] =	vst v63  }
0x2e: {  	v0 =	vld [tilespmem:$0x50];
	_ =	sdelay $0x7  }
0x2f: {  	[tilespmem:s19], [sflag:$0x1] =	stream.indirect_vreg.gather [hbm4b:s5+s0], $0x1, v0, vm0, $0xb8;
	[tilespmem:$0x4480] =	vst v63  }
0x30: {  	v0 =	vld [tilespmem:$0x60];
	_ =	sdelay $0x7  }
0x31: {  	[tilespmem:s20], [sflag:$0x1] =	stream.indirect_vreg.gather [hbm4b:s5+s0], $0x1, v0, vm0, $0xb8;
	[tilespmem:$0x4480] =	vst v63  }
0x32: {  	v0 =	vld [tilespmem:$0x70];
	_ =	sdelay $0x7  }
0x33: {  	[tilespmem:s21], [sflag:$0x1] =	stream.indirect_vreg.gather [hbm4b:s5+s0], $0x1, v0, vm0, $0xb8;
	[tilespmem:$0x4480] =	vst v63  }
0x34: {  	v0 =	vld [tilespmem:$0x80];
	_ =	sdelay $0x7  }
0x35: {  	[tilespmem:s22], [sflag:$0x1] =	stream.indirect_vreg.gather [hbm4b:s5+s0], $0x1, v0, vm0, $0xb8;
	[tilespmem:$0x4480] =	vst v63  }
0x36: {  	v0 =	vld [tilespmem:$0x90];
	_ =	sdelay $0x7  }
0x37: {  	[tilespmem:s23], [sflag:$0x1] =	stream.indirect_vreg.gather [hbm4b:s5+s0], $0x1, v0, vm0, $0xb8;
	[tilespmem:$0x4480] =	vst v63  }
0x38: {  	v0 =	vld [tilespmem:$0xA0];
	_ =	sdelay $0x7  }
0x39: {  	[tilespmem:s24], [sflag:$0x1] =	stream.indirect_vreg.gather [hbm4b:s5+s0], $0x1, v0, vm0, $0xb8;
	[tilespmem:$0x4480] =	vst v63  }
0x3a: {  	v0 =	vld [tilespmem:$0xB0];
	_ =	sdelay $0x7  }
0x3b: {  	[tilespmem:s25], [sflag:$0x1] =	stream.indirect_vreg.gather [hbm4b:s5+s0], $0x1, v0, vm0, $0xb8;
	[tilespmem:$0x4480] =	vst v63  }
0x3c: {  	v0 =	vld [tilespmem:$0xC0];
	_ =	sdelay $0x7  }
0x3d: {  	[tilespmem:s26], [sflag:$0x1] =	stream.indirect_vreg.gather [hbm4b:s5+s0], $0x1, v0, vm0, $0xb8;
	[tilespmem:$0x4480] =	vst v63  }
0x3e: {  	v0 =	vld [tilespmem:$0xD0];
	_ =	sdelay $0x7  }
0x3f: {  	[tilespmem:s28], [sflag:$0x1] =	stream.indirect_vreg.gather [hbm4b:s5+s0], $0x1, v0, vm0, $0xb8;
	[tilespmem:$0x4480] =	vst v63  }
0x40: {  	v0 =	vld [tilespmem:$0xE0];
	_ =	sdelay $0x7  }
0x41: {  	[tilespmem:s29], [sflag:$0x1] =	stream.indirect_vreg.gather [hbm4b:s5+s0], $0x1, v0, vm0, $0xb8;
	[tilespmem:$0x4480] =	vst v63  }
0x42: {  	v0 =	vld [tilespmem:$0xF0];
	_ =	sdelay $0x4  }
0x43: {  	s10 =	simm.s32 $0x100  }
0x44: {  	s6 =	sand.u32 $0x180, s10;
	s10 =	sand.u32 $0x70, s0  }
0x45: {  	s6 =	sor.u32 s10, s6  }
0x46: {  	[tilespmem:s30], [sflag:$0x1] =	stream.indirect_vreg.gather [hbm4b:s5+s0], $0x1, v0, vm0, $0xb8;
	[tilespmem:$0x4480] =	vst v63  }
0x47: {  	v0 =	vld [tilespmem:s6+$0x0];
	_ =	sdelay $0x4  }
0x48: {  	v0 =	vadd.s32 $0xF4240, v0;
	_ =	sdelay $0x1  }
0x49: {  	s12 =	simm.s32 $0x10;
	s15 =	simm.s32 $0x110  }
0x4a: {  	s14 =	sand.u32 $0x180, s15;
	s9 =	sand.u32 $0x70, s12  }
0x4b: {  	s12 =	simm.s32 $0x1B00;
	s6 =	sor.u32 s9, s14  }
0x4c: {  	[tilespmem:s12], [sflag:$0x1] =	stream.indirect_vreg.gather [hbm4b:s5+s0], $0x1, v0, vm0, $0xb8;
	[tilespmem:$0x4480] =	vst v63  }
0x4d: {  	v0 =	vld [tilespmem:s6+$0x0];
	_ =	sdelay $0x4  }
0x4e: {  	v0 =	vadd.s32 $0xF4240, v0;
	_ =	sdelay $0x1  }
0x4f: {  	p0 =	por p1, p1;
	s16 =	simm.s32 $0x120;
	s6 =	simm.s32 $0x20  }
0x50: {  	s15 =	sand.u32 $0x180, s16;
	s14 =	simm.s32 $0x30;
	s16 =	sand.u32 $0x70, s6  }
.LBB2_3:
0x51: {  	p1 =	sne.s32 s14, $0xF0;
	s15 =	sor.u32 s16, s15;
	s12 =	sadd.s32 $0x10, s12  }
0x52: {  	[tilespmem:s12], [sflag:$0x1] =	stream.indirect_vreg.gather [hbm4b:s5+s0], $0x1, v0, vm0, $0xb8;
	[tilespmem:$0x4480] =	vst v63  }
0x53: {  	v0 =	vld [tilespmem:s15+$0x0];
	_ =	sdelay $0x3  }
.Ltmp0:
0x54: {  	(pc) =	sbr.rel @p1 .LBB2_3-.Ltmp0, $3  }
0x55: {  	v0 =	vadd.s32 $0xF4240, v0;
	_ =	sdelay $0x1  }
0x56: {  	s15 =	sadd.s32 $0x100, s14  }
0x57: {  	s16 =	sand.u32 $0x70, s14;
	s14 =	sadd.s32 $0x10, s14;
	s15 =	sand.u32 $0x180, s15  }
0x58: {  	_ =	sdelay $0x2  }
0x59: {  	s14 =	sor.u32 s16, s15;
	s12 =	sadd.s32 $0x10, s12  }
0x5a: {  	[tilespmem:s12], [sflag:$0x1] =	stream.indirect_vreg.gather [hbm4b:s5+s0], $0x1, v0, vm0, $0xb8;
	[tilespmem:$0x4480] =	vst v63  }
0x5b: {  	v0 =	vld [tilespmem:s14+$0x0];
	_ =	sdelay $0x4  }
0x5c: {  	v0 =	vadd.s32 $0xF4240, v0;
	_ =	sdelay $0x3  }
0x5d: {  	s15 =	simm.s32 $0x200;
	s12 =	sadd.s32 $0x10, s12  }
0x5e: {  	[tilespmem:s12], [sflag:$0x1] =	stream.indirect_vreg.gather [hbm4b:s5+s0], $0x1, v0, vm0, $0xb8;
	[tilespmem:$0x4480] =	vst v63  }
0x5f: {  	s0 =	sand.u32 $0x280, s15  }
0x60: {  	s0 =	sor.u32 s10, s0  }
0x61: {  	v0 =	vld [tilespmem:s0+$0x0];
	_ =	sdelay $0x4  }
0x62: {  	v0 =	vadd.s32 $0x1E8480, v0;
	_ =	sdelay $0x1  }
0x63: {  	s16 =	simm.s32 $0x210  }
0x64: {  	s12 =	sand.u32 $0x280, s16;
	s10 =	simm.s32 $0x1C00  }
.LBB2_5:
0x65: {  	p1 =	sne.s32 s6, $0xF0;
	s9 =	sor.u32 s9, s12;
	s0 =	simm.s32 $0x0  }
0x66: {  	[tilespmem:s10], [sflag:$0x1] =	stream.indirect_vreg.gather [hbm4b:s5+s0], $0x1, v0, vm0, $0xb8;
	[tilespmem:$0x4480] =	vst v63  }
0x67: {  	v0 =	vld [tilespmem:s9+$0x0];
	_ =	sdelay $0x3  }
.Ltmp1:
0x68: {  	(pc) =	sbr.rel @p1 .LBB2_5-.Ltmp1, $3  }
0x69: {  	v0 =	vadd.s32 $0x1E8480, v0;
	_ =	sdelay $0x1  }
0x6a: {  	s10 =	sadd.s32 $0x10, s10;
	s9 =	sadd.s32 $0x200, s6  }
0x6b: {  	s12 =	sand.u32 $0x280, s9;
	s9 =	sand.u32 $0x70, s6;
	s6 =	sadd.s32 $0x10, s6  }
0x6c: {  	_ =	sdelay $0x2  }
0x6d: {  	s6 =	sor.u32 s9, s12  }
0x6e: {  	[tilespmem:s10], [sflag:$0x1] =	stream.indirect_vreg.gather [hbm4b:s5+s0], $0x1, v0, vm0, $0xb8;
	[tilespmem:$0x4480] =	vst v63  }
0x6f: {  	v0 =	vld [tilespmem:s6+$0x0];
	_ =	sdelay $0x4  }
0x70: {  	v0 =	vadd.s32 $0x1E8480, v0;
	_ =	sdelay $0x1  }
0x71: {  	s9 =	sadd.s32 $0x10, s10;
	s10 =	simm.s32 $0x300  }
0x72: {  	s6 =	sand.u32 $0x380, s10;
	s10 =	sand.u32 $0x70, s0  }
0x73: {  	s6 =	sor.u32 s10, s6  }
0x74: {  	[tilespmem:s9], [sflag:$0x1] =	stream.indirect_vreg.gather [hbm4b:s5+s0], $0x1, v0, vm0, $0xb8;
	[tilespmem:$0x4480] =	vst v63  }
0x75: {  	v0 =	vld [tilespmem:s6+$0x0];
	_ =	sdelay $0x4  }
0x76: {  	v0 =	vadd.s32 $0x2DC6C0, v0;
	_ =	sdelay $0x1  }
0x77: {  	s12 =	simm.s32 $0x10;
	s15 =	simm.s32 $0x310  }
0x78: {  	s14 =	sand.u32 $0x380, s15;
	s9 =	sand.u32 $0x70, s12  }
0x79: {  	s12 =	simm.s32 $0x1D00;
	s6 =	sor.u32 s9, s14  }
0x7a: {  	[tilespmem:s12], [sflag:$0x1] =	stream.indirect_vreg.gather [hbm4b:s5+s0], $0x1, v0, vm0, $0xb8;
	[tilespmem:$0x4480] =	vst v63  }
0x7b: {  	v0 =	vld [tilespmem:s6+$0x0];
	_ =	sdelay $0x4  }
0x7c: {  	v0 =	vadd.s32 $0x2DC6C0, v0;
	_ =	sdelay $0x1  }
0x7d: {  	s16 =	simm.s32 $0x320;
	s6 =	simm.s32 $0x20  }
0x7e: {  	s15 =	sand.u32 $0x380, s16;
	s14 =	simm.s32 $0x30;
	s16 =	sand.u32 $0x70, s6  }
.LBB2_7:
0x7f: {  	p1 =	sne.s32 s14, $0xF0;
	s15 =	sor.u32 s16, s15;
	s12 =	sadd.s32 $0x10, s12  }
0x80: {  	[tilespmem:s12], [sflag:$0x1] =	stream.indirect_vreg.gather [hbm4b:s5+s0], $0x1, v0, vm0, $0xb8;
	[tilespmem:$0x4480] =	vst v63  }
0x81: {  	v0 =	vld [tilespmem:s15+$0x0];
	_ =	sdelay $0x3  }
.Ltmp2:
0x82: {  	(pc) =	sbr.rel @p1 .LBB2_7-.Ltmp2, $3  }
0x83: {  	v0 =	vadd.s32 $0x2DC6C0, v0;
	_ =	sdelay $0x1  }
0x84: {  	s15 =	sadd.s32 $0x300, s14  }
0x85: {  	s16 =	sand.u32 $0x70, s14;
	s14 =	sadd.s32 $0x10, s14;
	s15 =	sand.u32 $0x380, s15  }
0x86: {  	_ =	sdelay $0x2  }
0x87: {  	s14 =	sor.u32 s16, s15;
	s12 =	sadd.s32 $0x10, s12  }
0x88: {  	[tilespmem:s12], [sflag:$0x1] =	stream.indirect_vreg.gather [hbm4b:s5+s0], $0x1, v0, vm0, $0xb8;
	[tilespmem:$0x4480] =	vst v63  }
0x89: {  	v0 =	vld [tilespmem:s14+$0x0];
	_ =	sdelay $0x4  }
0x8a: {  	v0 =	vadd.s32 $0x2DC6C0, v0;
	_ =	sdelay $0x3  }
0x8b: {  	s15 =	simm.s32 $0x400;
	s12 =	sadd.s32 $0x10, s12  }
0x8c: {  	[tilespmem:s12], [sflag:$0x1] =	stream.indirect_vreg.gather [hbm4b:s5+s0], $0x1, v0, vm0, $0xb8;
	[tilespmem:$0x4480] =	vst v63  }
0x8d: {  	s0 =	sand.u32 $0x480, s15  }
0x8e: {  	s0 =	sor.u32 s10, s0  }
0x8f: {  	v0 =	vld [tilespmem:s0+$0x0];
	_ =	sdelay $0x4  }
0x90: {  	v0 =	vadd.s32 $0x3D0900, v0;
	_ =	sdelay $0x1  }
0x91: {  	s16 =	simm.s32 $0x410  }
0x92: {  	s12 =	sand.u32 $0x480, s16;
	s10 =	simm.s32 $0x1E00  }
.LBB2_9:
0x93: {  	p1 =	sne.s32 s6, $0xF0;
	s9 =	sor.u32 s9, s12;
	s0 =	simm.s32 $0x0  }
0x94: {  	[tilespmem:s10], [sflag:$0x1] =	stream.indirect_vreg.gather [hbm4b:s5+s0], $0x1, v0, vm0, $0xb8;
	[tilespmem:$0x4480] =	vst v63  }
0x95: {  	v0 =	vld [tilespmem:s9+$0x0];
	_ =	sdelay $0x3  }
.Ltmp3:
0x96: {  	(pc) =	sbr.rel @p1 .LBB2_9-.Ltmp3, $3  }
0x97: {  	v0 =	vadd.s32 $0x3D0900, v0;
	_ =	sdelay $0x1  }
0x98: {  	s10 =	sadd.s32 $0x10, s10;
	s9 =	sadd.s32 $0x400, s6  }
0x99: {  	s12 =	sand.u32 $0x480, s9;
	s9 =	sand.u32 $0x70, s6;
	s6 =	sadd.s32 $0x10, s6  }
0x9a: {  	_ =	sdelay $0x2  }
0x9b: {  	s6 =	sor.u32 s9, s12  }
0x9c: {  	[tilespmem:s10], [sflag:$0x1] =	stream.indirect_vreg.gather [hbm4b:s5+s0], $0x1, v0, vm0, $0xb8;
	[tilespmem:$0x4480] =	vst v63  }
0x9d: {  	v0 =	vld [tilespmem:s6+$0x0];
	_ =	sdelay $0x4  }
0x9e: {  	v0 =	vadd.s32 $0x3D0900, v0;
	_ =	sdelay $0x1  }
0x9f: {  	s9 =	sadd.s32 $0x10, s10;
	s10 =	simm.s32 $0x500  }
0xa0: {  	s6 =	sand.u32 $0x580, s10;
	s10 =	sand.u32 $0x70, s0  }
0xa1: {  	s6 =	sor.u32 s10, s6  }
0xa2: {  	[tilespmem:s9], [sflag:$0x1] =	stream.indirect_vreg.gather [hbm4b:s5+s0], $0x1, v0, vm0, $0xb8;
	[tilespmem:$0x4480] =	vst v63  }
0xa3: {  	v0 =	vld [tilespmem:s6+$0x0];
	_ =	sdelay $0x4  }
0xa4: {  	v0 =	vadd.s32 $0x4C4B40, v0;
	_ =	sdelay $0x1  }
0xa5: {  	s12 =	simm.s32 $0x10;
	s15 =	simm.s32 $0x510  }
0xa6: {  	s14 =	sand.u32 $0x580, s15;
	s9 =	sand.u32 $0x70, s12  }
0xa7: {  	s12 =	simm.s32 $0x1F00;
	s6 =	sor.u32 s9, s14  }
0xa8: {  	[tilespmem:s12], [sflag:$0x1] =	stream.indirect_vreg.gather [hbm4b:s5+s0], $0x1, v0, vm0, $0xb8;
	[tilespmem:$0x4480] =	vst v63  }
0xa9: {  	v0 =	vld [tilespmem:s6+$0x0];
	_ =	sdelay $0x4  }
0xaa: {  	v0 =	vadd.s32 $0x4C4B40, v0;
	_ =	sdelay $0x1  }
0xab: {  	s16 =	simm.s32 $0x520;
	s6 =	simm.s32 $0x20  }
0xac: {  	s15 =	sand.u32 $0x580, s16;
	s14 =	simm.s32 $0x30;
	s16 =	sand.u32 $0x70, s6  }
.LBB2_11:
0xad: {  	p1 =	sne.s32 s14, $0xF0;
	s15 =	sor.u32 s16, s15;
	s12 =	sadd.s32 $0x10, s12  }
0xae: {  	[tilespmem:s12], [sflag:$0x1] =	stream.indirect_vreg.gather [hbm4b:s5+s0], $0x1, v0, vm0, $0xb8;
	[tilespmem:$0x4480] =	vst v63  }
0xaf: {  	v0 =	vld [tilespmem:s15+$0x0];
	_ =	sdelay $0x3  }
.Ltmp4:
0xb0: {  	(pc) =	sbr.rel @p1 .LBB2_11-.Ltmp4, $3  }
0xb1: {  	v0 =	vadd.s32 $0x4C4B40, v0;
	_ =	sdelay $0x1  }
0xb2: {  	s15 =	sadd.s32 $0x500, s14  }
0xb3: {  	s16 =	sand.u32 $0x70, s14;
	s14 =	sadd.s32 $0x10, s14;
	s15 =	sand.u32 $0x580, s15  }
0xb4: {  	_ =	sdelay $0x2  }
0xb5: {  	s14 =	sor.u32 s16, s15;
	s12 =	sadd.s32 $0x10, s12  }
0xb6: {  	[tilespmem:s12], [sflag:$0x1] =	stream.indirect_vreg.gather [hbm4b:s5+s0], $0x1, v0, vm0, $0xb8;
	[tilespmem:$0x4480] =	vst v63  }
0xb7: {  	v0 =	vld [tilespmem:s14+$0x0];
	_ =	sdelay $0x4  }
0xb8: {  	v0 =	vadd.s32 $0x4C4B40, v0;
	_ =	sdelay $0x3  }
0xb9: {  	s15 =	simm.s32 $0x600;
	s12 =	sadd.s32 $0x10, s12  }
0xba: {  	[tilespmem:s12], [sflag:$0x1] =	stream.indirect_vreg.gather [hbm4b:s5+s0], $0x1, v0, vm0, $0xb8;
	[tilespmem:$0x4480] =	vst v63  }
0xbb: {  	s0 =	sand.u32 $0x680, s15  }
0xbc: {  	s0 =	sor.u32 s10, s0  }
0xbd: {  	v0 =	vld [tilespmem:s0+$0x0];
	_ =	sdelay $0x4  }
0xbe: {  	v0 =	vadd.s32 $0x5B8D80, v0;
	_ =	sdelay $0x1  }
0xbf: {  	s16 =	simm.s32 $0x610  }
0xc0: {  	s12 =	sand.u32 $0x680, s16;
	s10 =	simm.s32 $0x2000  }
.LBB2_13:
0xc1: {  	p1 =	sne.s32 s6, $0xF0;
	s9 =	sor.u32 s9, s12;
	s0 =	simm.s32 $0x0  }
0xc2: {  	[tilespmem:s10], [sflag:$0x1] =	stream.indirect_vreg.gather [hbm4b:s5+s0], $0x1, v0, vm0, $0xb8;
	[tilespmem:$0x4480] =	vst v63  }
0xc3: {  	v0 =	vld [tilespmem:s9+$0x0];
	_ =	sdelay $0x3  }
.Ltmp5:
0xc4: {  	(pc) =	sbr.rel @p1 .LBB2_13-.Ltmp5, $3  }
0xc5: {  	v0 =	vadd.s32 $0x5B8D80, v0;
	_ =	sdelay $0x1  }
0xc6: {  	s10 =	sadd.s32 $0x10, s10;
	s9 =	sadd.s32 $0x600, s6  }
0xc7: {  	s12 =	sand.u32 $0x680, s9;
	s9 =	sand.u32 $0x70, s6;
	s6 =	sadd.s32 $0x10, s6  }
0xc8: {  	_ =	sdelay $0x2  }
0xc9: {  	s6 =	sor.u32 s9, s12  }
0xca: {  	[tilespmem:s10], [sflag:$0x1] =	stream.indirect_vreg.gather [hbm4b:s5+s0], $0x1, v0, vm0, $0xb8;
	[tilespmem:$0x4480] =	vst v63  }
0xcb: {  	v0 =	vld [tilespmem:s6+$0x0];
	_ =	sdelay $0x4  }
0xcc: {  	v0 =	vadd.s32 $0x5B8D80, v0;
	_ =	sdelay $0x1  }
0xcd: {  	s9 =	sadd.s32 $0x10, s10;
	s10 =	simm.s32 $0x700  }
0xce: {  	s6 =	sand.u32 $0x780, s10;
	s10 =	sand.u32 $0x70, s0  }
0xcf: {  	s6 =	sor.u32 s10, s6  }
0xd0: {  	[tilespmem:s9], [sflag:$0x1] =	stream.indirect_vreg.gather [hbm4b:s5+s0], $0x1, v0, vm0, $0xb8;
	[tilespmem:$0x4480] =	vst v63  }
0xd1: {  	v0 =	vld [tilespmem:s6+$0x0];
	_ =	sdelay $0x4  }
0xd2: {  	v0 =	vadd.s32 $0x6ACFC0, v0;
	_ =	sdelay $0x1  }
0xd3: {  	s12 =	simm.s32 $0x10;
	s15 =	simm.s32 $0x710  }
0xd4: {  	s14 =	sand.u32 $0x780, s15;
	s9 =	sand.u32 $0x70, s12  }
0xd5: {  	s12 =	simm.s32 $0x2100;
	s6 =	sor.u32 s9, s14  }
0xd6: {  	[tilespmem:s12], [sflag:$0x1] =	stream.indirect_vreg.gather [hbm4b:s5+s0], $0x1, v0, vm0, $0xb8;
	[tilespmem:$0x4480] =	vst v63  }
0xd7: {  	v0 =	vld [tilespmem:s6+$0x0];
	_ =	sdelay $0x4  }
0xd8: {  	v0 =	vadd.s32 $0x6ACFC0, v0;
	_ =	sdelay $0x1  }
0xd9: {  	s16 =	simm.s32 $0x720;
	s6 =	simm.s32 $0x20  }
0xda: {  	s15 =	sand.u32 $0x780, s16;
	s14 =	simm.s32 $0x30;
	s16 =	sand.u32 $0x70, s6  }
.LBB2_15:
0xdb: {  	p1 =	sne.s32 s14, $0xF0;
	s15 =	sor.u32 s16, s15;
	s12 =	sadd.s32 $0x10, s12  }
0xdc: {  	[tilespmem:s12], [sflag:$0x1] =	stream.indirect_vreg.gather [hbm4b:s5+s0], $0x1, v0, vm0, $0xb8;
	[tilespmem:$0x4480] =	vst v63  }
0xdd: {  	v0 =	vld [tilespmem:s15+$0x0];
	_ =	sdelay $0x3  }
.Ltmp6:
0xde: {  	(pc) =	sbr.rel @p1 .LBB2_15-.Ltmp6, $3  }
0xdf: {  	v0 =	vadd.s32 $0x6ACFC0, v0;
	_ =	sdelay $0x1  }
0xe0: {  	s15 =	sadd.s32 $0x700, s14  }
0xe1: {  	s16 =	sand.u32 $0x70, s14;
	s14 =	sadd.s32 $0x10, s14;
	s15 =	sand.u32 $0x780, s15  }
0xe2: {  	_ =	sdelay $0x2  }
0xe3: {  	s14 =	sor.u32 s16, s15;
	s12 =	sadd.s32 $0x10, s12  }
0xe4: {  	[tilespmem:s12], [sflag:$0x1] =	stream.indirect_vreg.gather [hbm4b:s5+s0], $0x1, v0, vm0, $0xb8;
	[tilespmem:$0x4480] =	vst v63  }
0xe5: {  	v0 =	vld [tilespmem:s14+$0x0];
	_ =	sdelay $0x4  }
0xe6: {  	v0 =	vadd.s32 $0x6ACFC0, v0;
	_ =	sdelay $0x3  }
0xe7: {  	s15 =	simm.s32 $0x800;
	s12 =	sadd.s32 $0x10, s12  }
0xe8: {  	[tilespmem:s12], [sflag:$0x1] =	stream.indirect_vreg.gather [hbm4b:s5+s0], $0x1, v0, vm0, $0xb8;
	[tilespmem:$0x4480] =	vst v63  }
0xe9: {  	s0 =	sand.u32 $0x880, s15  }
0xea: {  	s0 =	sor.u32 s10, s0  }
0xeb: {  	v0 =	vld [tilespmem:s0+$0x0];
	_ =	sdelay $0x4  }
0xec: {  	v0 =	vadd.s32 $0x7A1200, v0;
	_ =	sdelay $0x1  }
0xed: {  	s16 =	simm.s32 $0x810  }
0xee: {  	s12 =	sand.u32 $0x880, s16;
	s10 =	simm.s32 $0x2200  }
.LBB2_17:
0xef: {  	p1 =	sne.s32 s6, $0xF0;
	s9 =	sor.u32 s9, s12;
	s0 =	simm.s32 $0x0  }
0xf0: {  	[tilespmem:s10], [sflag:$0x1] =	stream.indirect_vreg.gather [hbm4b:s5+s0], $0x1, v0, vm0, $0xb8;
	[tilespmem:$0x4480] =	vst v63  }
0xf1: {  	v0 =	vld [tilespmem:s9+$0x0];
	_ =	sdelay $0x3  }
.Ltmp7:
0xf2: {  	(pc) =	sbr.rel @p1 .LBB2_17-.Ltmp7, $3  }
0xf3: {  	v0 =	vadd.s32 $0x7A1200, v0;
	_ =	sdelay $0x1  }
0xf4: {  	s10 =	sadd.s32 $0x10, s10;
	s9 =	sadd.s32 $0x800, s6  }
0xf5: {  	s12 =	sand.u32 $0x880, s9;
	s9 =	sand.u32 $0x70, s6;
	s6 =	sadd.s32 $0x10, s6  }
0xf6: {  	_ =	sdelay $0x2  }
0xf7: {  	s6 =	sor.u32 s9, s12  }
0xf8: {  	[tilespmem:s10], [sflag:$0x1] =	stream.indirect_vreg.gather [hbm4b:s5+s0], $0x1, v0, vm0, $0xb8;
	[tilespmem:$0x4480] =	vst v63  }
0xf9: {  	v0 =	vld [tilespmem:s6+$0x0];
	_ =	sdelay $0x4  }
0xfa: {  	v0 =	vadd.s32 $0x7A1200, v0;
	_ =	sdelay $0x1  }
0xfb: {  	s9 =	sadd.s32 $0x10, s10;
	s10 =	simm.s32 $0x900  }
0xfc: {  	s6 =	sand.u32 $0x980, s10;
	s10 =	sand.u32 $0x70, s0  }
0xfd: {  	s6 =	sor.u32 s10, s6  }
0xfe: {  	[tilespmem:s9], [sflag:$0x1] =	stream.indirect_vreg.gather [hbm4b:s5+s0], $0x1, v0, vm0, $0xb8;
	[tilespmem:$0x4480] =	vst v63  }
0xff: {  	v0 =	vld [tilespmem:s6+$0x0];
	_ =	sdelay $0x4  }
0x100: {  	v0 =	vadd.s32 $0x895440, v0;
	_ =	sdelay $0x1  }
0x101: {  	s12 =	simm.s32 $0x10;
	s15 =	simm.s32 $0x910  }
0x102: {  	s14 =	sand.u32 $0x980, s15;
	s9 =	sand.u32 $0x70, s12  }
0x103: {  	s12 =	simm.s32 $0x2300;
	s6 =	sor.u32 s9, s14  }
0x104: {  	[tilespmem:s12], [sflag:$0x1] =	stream.indirect_vreg.gather [hbm4b:s5+s0], $0x1, v0, vm0, $0xb8;
	[tilespmem:$0x4480] =	vst v63  }
0x105: {  	v0 =	vld [tilespmem:s6+$0x0];
	_ =	sdelay $0x4  }
0x106: {  	v0 =	vadd.s32 $0x895440, v0;
	_ =	sdelay $0x1  }
0x107: {  	s16 =	simm.s32 $0x920;
	s6 =	simm.s32 $0x20  }
0x108: {  	s15 =	sand.u32 $0x980, s16;
	s14 =	simm.s32 $0x30;
	s16 =	sand.u32 $0x70, s6  }
.LBB2_19:
0x109: {  	p1 =	sne.s32 s14, $0xF0;
	s15 =	sor.u32 s16, s15;
	s12 =	sadd.s32 $0x10, s12  }
0x10a: {  	[tilespmem:s12], [sflag:$0x1] =	stream.indirect_vreg.gather [hbm4b:s5+s0], $0x1, v0, vm0, $0xb8;
	[tilespmem:$0x4480] =	vst v63  }
0x10b: {  	v0 =	vld [tilespmem:s15+$0x0];
	_ =	sdelay $0x3  }
.Ltmp8:
0x10c: {  	(pc) =	sbr.rel @p1 .LBB2_19-.Ltmp8, $3  }
0x10d: {  	v0 =	vadd.s32 $0x895440, v0;
	_ =	sdelay $0x1  }
0x10e: {  	s15 =	sadd.s32 $0x900, s14  }
0x10f: {  	s16 =	sand.u32 $0x70, s14;
	s14 =	sadd.s32 $0x10, s14;
	s15 =	sand.u32 $0x980, s15  }
0x110: {  	_ =	sdelay $0x2  }
0x111: {  	s14 =	sor.u32 s16, s15;
	s12 =	sadd.s32 $0x10, s12  }
0x112: {  	[tilespmem:s12], [sflag:$0x1] =	stream.indirect_vreg.gather [hbm4b:s5+s0], $0x1, v0, vm0, $0xb8;
	[tilespmem:$0x4480] =	vst v63  }
0x113: {  	v0 =	vld [tilespmem:s14+$0x0];
	_ =	sdelay $0x4  }
0x114: {  	v0 =	vadd.s32 $0x895440, v0;
	_ =	sdelay $0x3  }
0x115: {  	s15 =	simm.s32 $0xA00;
	s12 =	sadd.s32 $0x10, s12  }
0x116: {  	[tilespmem:s12], [sflag:$0x1] =	stream.indirect_vreg.gather [hbm4b:s5+s0], $0x1, v0, vm0, $0xb8;
	[tilespmem:$0x4480] =	vst v63  }
0x117: {  	s0 =	sand.u32 $0xA80, s15  }
0x118: {  	s0 =	sor.u32 s10, s0  }
0x119: {  	v0 =	vld [tilespmem:s0+$0x0];
	_ =	sdelay $0x4  }
0x11a: {  	v0 =	vadd.s32 $0x989680, v0;
	_ =	sdelay $0x1  }
0x11b: {  	s16 =	simm.s32 $0xA10  }
0x11c: {  	s12 =	sand.u32 $0xA80, s16;
	s10 =	simm.s32 $0x2400  }
.LBB2_21:
0x11d: {  	p1 =	sne.s32 s6, $0xF0;
	s9 =	sor.u32 s9, s12;
	s0 =	simm.s32 $0x0  }
0x11e: {  	[tilespmem:s10], [sflag:$0x1] =	stream.indirect_vreg.gather [hbm4b:s5+s0], $0x1, v0, vm0, $0xb8;
	[tilespmem:$0x4480] =	vst v63  }
0x11f: {  	v0 =	vld [tilespmem:s9+$0x0];
	_ =	sdelay $0x3  }
.Ltmp9:
0x120: {  	(pc) =	sbr.rel @p1 .LBB2_21-.Ltmp9, $3  }
0x121: {  	v0 =	vadd.s32 $0x989680, v0;
	_ =	sdelay $0x1  }
0x122: {  	s10 =	sadd.s32 $0x10, s10;
	s9 =	sadd.s32 $0xA00, s6  }
0x123: {  	s12 =	sand.u32 $0xA80, s9;
	s9 =	sand.u32 $0x70, s6;
	s6 =	sadd.s32 $0x10, s6  }
0x124: {  	_ =	sdelay $0x2  }
0x125: {  	s6 =	sor.u32 s9, s12  }
0x126: {  	[tilespmem:s10], [sflag:$0x1] =	stream.indirect_vreg.gather [hbm4b:s5+s0], $0x1, v0, vm0, $0xb8;
	[tilespmem:$0x4480] =	vst v63  }
0x127: {  	v0 =	vld [tilespmem:s6+$0x0];
	_ =	sdelay $0x4  }
0x128: {  	v0 =	vadd.s32 $0x989680, v0;
	_ =	sdelay $0x1  }
0x129: {  	s9 =	sadd.s32 $0x10, s10;
	s10 =	simm.s32 $0xB00  }
0x12a: {  	s6 =	sand.u32 $0xB80, s10;
	s10 =	sand.u32 $0x70, s0  }
0x12b: {  	s6 =	sor.u32 s10, s6  }
0x12c: {  	[tilespmem:s9], [sflag:$0x1] =	stream.indirect_vreg.gather [hbm4b:s5+s0], $0x1, v0, vm0, $0xb8;
	[tilespmem:$0x4480] =	vst v63  }
0x12d: {  	v0 =	vld [tilespmem:s6+$0x0];
	_ =	sdelay $0x4  }
0x12e: {  	v0 =	vadd.s32 $0xA7D8C0, v0;
	_ =	sdelay $0x1  }
0x12f: {  	s12 =	simm.s32 $0x10;
	s15 =	simm.s32 $0xB10  }
0x130: {  	s14 =	sand.u32 $0xB80, s15;
	s9 =	sand.u32 $0x70, s12  }
0x131: {  	s12 =	simm.s32 $0x2500;
	s6 =	sor.u32 s9, s14  }
0x132: {  	[tilespmem:s12], [sflag:$0x1] =	stream.indirect_vreg.gather [hbm4b:s5+s0], $0x1, v0, vm0, $0xb8;
	[tilespmem:$0x4480] =	vst v63  }
0x133: {  	v0 =	vld [tilespmem:s6+$0x0];
	_ =	sdelay $0x4  }
0x134: {  	v0 =	vadd.s32 $0xA7D8C0, v0;
	_ =	sdelay $0x1  }
0x135: {  	s16 =	simm.s32 $0xB20;
	s6 =	simm.s32 $0x20  }
0x136: {  	s15 =	sand.u32 $0xB80, s16;
	s14 =	simm.s32 $0x30;
	s16 =	sand.u32 $0x70, s6  }
.LBB2_23:
0x137: {  	p1 =	sne.s32 s14, $0xF0;
	s15 =	sor.u32 s16, s15;
	s12 =	sadd.s32 $0x10, s12  }
0x138: {  	[tilespmem:s12], [sflag:$0x1] =	stream.indirect_vreg.gather [hbm4b:s5+s0], $0x1, v0, vm0, $0xb8;
	[tilespmem:$0x4480] =	vst v63  }
0x139: {  	v0 =	vld [tilespmem:s15+$0x0];
	_ =	sdelay $0x3  }
.Ltmp10:
0x13a: {  	(pc) =	sbr.rel @p1 .LBB2_23-.Ltmp10, $3  }
0x13b: {  	v0 =	vadd.s32 $0xA7D8C0, v0;
	_ =	sdelay $0x1  }
0x13c: {  	s15 =	sadd.s32 $0xB00, s14  }
0x13d: {  	s16 =	sand.u32 $0x70, s14;
	s14 =	sadd.s32 $0x10, s14;
	s15 =	sand.u32 $0xB80, s15  }
0x13e: {  	_ =	sdelay $0x2  }
0x13f: {  	s14 =	sor.u32 s16, s15;
	s12 =	sadd.s32 $0x10, s12  }
0x140: {  	[tilespmem:s12], [sflag:$0x1] =	stream.indirect_vreg.gather [hbm4b:s5+s0], $0x1, v0, vm0, $0xb8;
	[tilespmem:$0x4480] =	vst v63  }
0x141: {  	v0 =	vld [tilespmem:s14+$0x0];
	_ =	sdelay $0x4  }
0x142: {  	v0 =	vadd.s32 $0xA7D8C0, v0;
	_ =	sdelay $0x3  }
0x143: {  	s15 =	simm.s32 $0xC00;
	s12 =	sadd.s32 $0x10, s12  }
0x144: {  	[tilespmem:s12], [sflag:$0x1] =	stream.indirect_vreg.gather [hbm4b:s5+s0], $0x1, v0, vm0, $0xb8;
	[tilespmem:$0x4480] =	vst v63  }
0x145: {  	s0 =	sand.u32 $0xC80, s15  }
0x146: {  	s0 =	sor.u32 s10, s0  }
0x147: {  	v0 =	vld [tilespmem:s0+$0x0];
	_ =	sdelay $0x4  }
0x148: {  	v0 =	vadd.s32 $0xB71B00, v0;
	_ =	sdelay $0x1  }
0x149: {  	s16 =	simm.s32 $0xC10  }
0x14a: {  	s12 =	sand.u32 $0xC80, s16;
	s10 =	simm.s32 $0x2600  }
.LBB2_25:
0x14b: {  	p1 =	sne.s32 s6, $0xF0;
	s9 =	sor.u32 s9, s12;
	s0 =	simm.s32 $0x0  }
0x14c: {  	[tilespmem:s10], [sflag:$0x1] =	stream.indirect_vreg.gather [hbm4b:s5+s0], $0x1, v0, vm0, $0xb8;
	[tilespmem:$0x4480] =	vst v63  }
0x14d: {  	v0 =	vld [tilespmem:s9+$0x0];
	_ =	sdelay $0x3  }
.Ltmp11:
0x14e: {  	(pc) =	sbr.rel @p1 .LBB2_25-.Ltmp11, $3  }
0x14f: {  	v0 =	vadd.s32 $0xB71B00, v0;
	_ =	sdelay $0x1  }
0x150: {  	s10 =	sadd.s32 $0x10, s10;
	s9 =	sadd.s32 $0xC00, s6  }
0x151: {  	s12 =	sand.u32 $0xC80, s9;
	s9 =	sand.u32 $0x70, s6;
	s6 =	sadd.s32 $0x10, s6  }
0x152: {  	_ =	sdelay $0x2  }
0x153: {  	s6 =	sor.u32 s9, s12  }
0x154: {  	[tilespmem:s10], [sflag:$0x1] =	stream.indirect_vreg.gather [hbm4b:s5+s0], $0x1, v0, vm0, $0xb8;
	[tilespmem:$0x4480] =	vst v63  }
0x155: {  	v0 =	vld [tilespmem:s6+$0x0];
	_ =	sdelay $0x4  }
0x156: {  	v0 =	vadd.s32 $0xB71B00, v0;
	_ =	sdelay $0x1  }
0x157: {  	s9 =	sadd.s32 $0x10, s10;
	s10 =	simm.s32 $0xD00  }
0x158: {  	s6 =	sand.u32 $0xD80, s10;
	s10 =	sand.u32 $0x70, s0  }
0x159: {  	s6 =	sor.u32 s10, s6  }
0x15a: {  	[tilespmem:s9], [sflag:$0x1] =	stream.indirect_vreg.gather [hbm4b:s5+s0], $0x1, v0, vm0, $0xb8;
	[tilespmem:$0x4480] =	vst v63  }
0x15b: {  	v0 =	vld [tilespmem:s6+$0x0];
	_ =	sdelay $0x4  }
0x15c: {  	v0 =	vadd.s32 $0xC65D40, v0;
	_ =	sdelay $0x1  }
0x15d: {  	s12 =	simm.s32 $0x10;
	s15 =	simm.s32 $0xD10  }
0x15e: {  	s14 =	sand.u32 $0xD80, s15;
	s9 =	sand.u32 $0x70, s12  }
0x15f: {  	s12 =	simm.s32 $0x2700;
	s6 =	sor.u32 s9, s14  }
0x160: {  	[tilespmem:s12], [sflag:$0x1] =	stream.indirect_vreg.gather [hbm4b:s5+s0], $0x1, v0, vm0, $0xb8;
	[tilespmem:$0x4480] =	vst v63  }
0x161: {  	v0 =	vld [tilespmem:s6+$0x0];
	_ =	sdelay $0x4  }
0x162: {  	v0 =	vadd.s32 $0xC65D40, v0;
	_ =	sdelay $0x1  }
0x163: {  	s16 =	simm.s32 $0xD20;
	s6 =	simm.s32 $0x20  }
0x164: {  	s15 =	sand.u32 $0xD80, s16;
	s14 =	simm.s32 $0x30;
	s16 =	sand.u32 $0x70, s6  }
.LBB2_27:
0x165: {  	p1 =	sne.s32 s14, $0xF0;
	s15 =	sor.u32 s16, s15;
	s12 =	sadd.s32 $0x10, s12  }
0x166: {  	[tilespmem:s12], [sflag:$0x1] =	stream.indirect_vreg.gather [hbm4b:s5+s0], $0x1, v0, vm0, $0xb8;
	[tilespmem:$0x4480] =	vst v63  }
0x167: {  	v0 =	vld [tilespmem:s15+$0x0];
	_ =	sdelay $0x3  }
.Ltmp12:
0x168: {  	(pc) =	sbr.rel @p1 .LBB2_27-.Ltmp12, $3  }
0x169: {  	v0 =	vadd.s32 $0xC65D40, v0;
	_ =	sdelay $0x1  }
0x16a: {  	s15 =	sadd.s32 $0xD00, s14  }
0x16b: {  	s16 =	sand.u32 $0x70, s14;
	s14 =	sadd.s32 $0x10, s14;
	s15 =	sand.u32 $0xD80, s15  }
0x16c: {  	_ =	sdelay $0x2  }
0x16d: {  	s14 =	sor.u32 s16, s15;
	s12 =	sadd.s32 $0x10, s12  }
0x16e: {  	[tilespmem:s12], [sflag:$0x1] =	stream.indirect_vreg.gather [hbm4b:s5+s0], $0x1, v0, vm0, $0xb8;
	[tilespmem:$0x4480] =	vst v63  }
0x16f: {  	v0 =	vld [tilespmem:s14+$0x0];
	_ =	sdelay $0x4  }
0x170: {  	v0 =	vadd.s32 $0xC65D40, v0;
	_ =	sdelay $0x3  }
0x171: {  	s15 =	simm.s32 $0xE00;
	s12 =	sadd.s32 $0x10, s12  }
0x172: {  	[tilespmem:s12], [sflag:$0x1] =	stream.indirect_vreg.gather [hbm4b:s5+s0], $0x1, v0, vm0, $0xb8;
	[tilespmem:$0x4480] =	vst v63  }
0x173: {  	s0 =	sand.u32 $0xE80, s15  }
0x174: {  	s0 =	sor.u32 s10, s0  }
0x175: {  	v0 =	vld [tilespmem:s0+$0x0];
	_ =	sdelay $0x4  }
0x176: {  	v0 =	vadd.s32 $0xD59F80, v0;
	_ =	sdelay $0x1  }
0x177: {  	s16 =	simm.s32 $0xE10  }
0x178: {  	s12 =	sand.u32 $0xE80, s16;
	s10 =	simm.s32 $0x2800  }
.LBB2_29:
0x179: {  	p1 =	sne.s32 s6, $0xF0;
	s9 =	sor.u32 s9, s12;
	s0 =	simm.s32 $0x0  }
0x17a: {  	[tilespmem:s10], [sflag:$0x1] =	stream.indirect_vreg.gather [hbm4b:s5+s0], $0x1, v0, vm0, $0xb8;
	[tilespmem:$0x4480] =	vst v63  }
0x17b: {  	v0 =	vld [tilespmem:s9+$0x0];
	_ =	sdelay $0x3  }
.Ltmp13:
0x17c: {  	(pc) =	sbr.rel @p1 .LBB2_29-.Ltmp13, $3  }
0x17d: {  	v0 =	vadd.s32 $0xD59F80, v0;
	_ =	sdelay $0x1  }
0x17e: {  	s10 =	sadd.s32 $0x10, s10;
	s9 =	sadd.s32 $0xE00, s6  }
0x17f: {  	s12 =	sand.u32 $0xE80, s9;
	s9 =	sand.u32 $0x70, s6;
	s6 =	sadd.s32 $0x10, s6  }
0x180: {  	_ =	sdelay $0x2  }
0x181: {  	s6 =	sor.u32 s9, s12  }
0x182: {  	[tilespmem:s10], [sflag:$0x1] =	stream.indirect_vreg.gather [hbm4b:s5+s0], $0x1, v0, vm0, $0xb8;
	[tilespmem:$0x4480] =	vst v63  }
0x183: {  	v0 =	vld [tilespmem:s6+$0x0];
	_ =	sdelay $0x4  }
0x184: {  	v0 =	vadd.s32 $0xD59F80, v0;
	_ =	sdelay $0x1  }
0x185: {  	s9 =	sadd.s32 $0x10, s10;
	s10 =	simm.s32 $0xF00  }
0x186: {  	s6 =	sand.u32 $0xF80, s10;
	s10 =	sand.u32 $0x70, s0  }
0x187: {  	s6 =	sor.u32 s10, s6  }
0x188: {  	[tilespmem:s9], [sflag:$0x1] =	stream.indirect_vreg.gather [hbm4b:s5+s0], $0x1, v0, vm0, $0xb8;
	[tilespmem:$0x4480] =	vst v63  }
0x189: {  	v0 =	vld [tilespmem:s6+$0x0];
	_ =	sdelay $0x4  }
0x18a: {  	v0 =	vadd.s32 $0xE4E1C0, v0;
	_ =	sdelay $0x1  }
0x18b: {  	s12 =	simm.s32 $0x10;
	s15 =	simm.s32 $0xF10  }
0x18c: {  	s14 =	sand.u32 $0xF80, s15;
	s9 =	sand.u32 $0x70, s12  }
0x18d: {  	s12 =	simm.s32 $0x2900;
	s6 =	sor.u32 s9, s14  }
0x18e: {  	[tilespmem:s12], [sflag:$0x1] =	stream.indirect_vreg.gather [hbm4b:s5+s0], $0x1, v0, vm0, $0xb8;
	[tilespmem:$0x4480] =	vst v63  }
0x18f: {  	v0 =	vld [tilespmem:s6+$0x0];
	_ =	sdelay $0x4  }
0x190: {  	v0 =	vadd.s32 $0xE4E1C0, v0;
	_ =	sdelay $0x1  }
0x191: {  	s16 =	simm.s32 $0xF20;
	s6 =	simm.s32 $0x20  }
0x192: {  	s15 =	sand.u32 $0xF80, s16;
	s14 =	simm.s32 $0x30;
	s16 =	sand.u32 $0x70, s6  }
.LBB2_31:
0x193: {  	p1 =	sne.s32 s14, $0xF0;
	s15 =	sor.u32 s16, s15;
	s12 =	sadd.s32 $0x10, s12  }
0x194: {  	[tilespmem:s12], [sflag:$0x1] =	stream.indirect_vreg.gather [hbm4b:s5+s0], $0x1, v0, vm0, $0xb8;
	[tilespmem:$0x4480] =	vst v63  }
0x195: {  	v0 =	vld [tilespmem:s15+$0x0];
	_ =	sdelay $0x3  }
.Ltmp14:
0x196: {  	(pc) =	sbr.rel @p1 .LBB2_31-.Ltmp14, $3  }
0x197: {  	v0 =	vadd.s32 $0xE4E1C0, v0;
	_ =	sdelay $0x1  }
0x198: {  	s15 =	sadd.s32 $0xF00, s14  }
0x199: {  	s16 =	sand.u32 $0x70, s14;
	s14 =	sadd.s32 $0x10, s14;
	s15 =	sand.u32 $0xF80, s15  }
0x19a: {  	_ =	sdelay $0x2  }
0x19b: {  	s14 =	sor.u32 s16, s15;
	s12 =	sadd.s32 $0x10, s12  }
0x19c: {  	[tilespmem:s12], [sflag:$0x1] =	stream.indirect_vreg.gather [hbm4b:s5+s0], $0x1, v0, vm0, $0xb8;
	[tilespmem:$0x4480] =	vst v63  }
0x19d: {  	v0 =	vld [tilespmem:s14+$0x0];
	_ =	sdelay $0x4  }
0x19e: {  	v0 =	vadd.s32 $0xE4E1C0, v0;
	_ =	sdelay $0x3  }
0x19f: {  	s15 =	simm.s32 $0x1000;
	s12 =	sadd.s32 $0x10, s12  }
0x1a0: {  	[tilespmem:s12], [sflag:$0x1] =	stream.indirect_vreg.gather [hbm4b:s5+s0], $0x1, v0, vm0, $0xb8;
	[tilespmem:$0x4480] =	vst v63  }
0x1a1: {  	s0 =	sand.u32 $0x1080, s15  }
0x1a2: {  	s0 =	sor.u32 s10, s0  }
0x1a3: {  	v0 =	vld [tilespmem:s0+$0x0];
	_ =	sdelay $0x4  }
0x1a4: {  	v0 =	vadd.s32 $0xF42400, v0;
	_ =	sdelay $0x1  }
0x1a5: {  	s16 =	simm.s32 $0x1010  }
0x1a6: {  	s12 =	sand.u32 $0x1080, s16;
	s10 =	simm.s32 $0x2A00  }
.LBB2_33:
0x1a7: {  	p1 =	sne.s32 s6, $0xF0;
	s9 =	sor.u32 s9, s12;
	s0 =	simm.s32 $0x0  }
0x1a8: {  	[tilespmem:s10], [sflag:$0x1] =	stream.indirect_vreg.gather [hbm4b:s5+s0], $0x1, v0, vm0, $0xb8;
	[tilespmem:$0x4480] =	vst v63  }
0x1a9: {  	v0 =	vld [tilespmem:s9+$0x0];
	_ =	sdelay $0x3  }
.Ltmp15:
0x1aa: {  	(pc) =	sbr.rel @p1 .LBB2_33-.Ltmp15, $3  }
0x1ab: {  	v0 =	vadd.s32 $0xF42400, v0;
	_ =	sdelay $0x1  }
0x1ac: {  	s10 =	sadd.s32 $0x10, s10;
	s9 =	sadd.s32 $0x1000, s6  }
0x1ad: {  	s12 =	sand.u32 $0x1080, s9;
	s9 =	sand.u32 $0x70, s6;
	s6 =	sadd.s32 $0x10, s6  }
0x1ae: {  	_ =	sdelay $0x2  }
0x1af: {  	s6 =	sor.u32 s9, s12  }
0x1b0: {  	[tilespmem:s10], [sflag:$0x1] =	stream.indirect_vreg.gather [hbm4b:s5+s0], $0x1, v0, vm0, $0xb8;
	[tilespmem:$0x4480] =	vst v63  }
0x1b1: {  	v0 =	vld [tilespmem:s6+$0x0];
	_ =	sdelay $0x4  }
0x1b2: {  	v0 =	vadd.s32 $0xF42400, v0;
	_ =	sdelay $0x1  }
0x1b3: {  	s9 =	sadd.s32 $0x10, s10;
	s10 =	simm.s32 $0x1100  }
0x1b4: {  	s6 =	sand.u32 $0x1180, s10;
	s10 =	sand.u32 $0x70, s0  }
0x1b5: {  	s6 =	sor.u32 s10, s6  }
0x1b6: {  	[tilespmem:s9], [sflag:$0x1] =	stream.indirect_vreg.gather [hbm4b:s5+s0], $0x1, v0, vm0, $0xb8;
	[tilespmem:$0x4480] =	vst v63  }
0x1b7: {  	v0 =	vld [tilespmem:s6+$0x0];
	_ =	sdelay $0x4  }
0x1b8: {  	v0 =	vadd.s32 $0x1036640, v0;
	_ =	sdelay $0x1  }
0x1b9: {  	s12 =	simm.s32 $0x10;
	s15 =	simm.s32 $0x1110  }
0x1ba: {  	s14 =	sand.u32 $0x1180, s15;
	s9 =	sand.u32 $0x70, s12  }
0x1bb: {  	s12 =	simm.s32 $0x2B00;
	s6 =	sor.u32 s9, s14  }
0x1bc: {  	[tilespmem:s12], [sflag:$0x1] =	stream.indirect_vreg.gather [hbm4b:s5+s0], $0x1, v0, vm0, $0xb8;
	[tilespmem:$0x4480] =	vst v63  }
0x1bd: {  	v0 =	vld [tilespmem:s6+$0x0];
	_ =	sdelay $0x4  }
0x1be: {  	v0 =	vadd.s32 $0x1036640, v0;
	_ =	sdelay $0x1  }
0x1bf: {  	s16 =	simm.s32 $0x1120;
	s6 =	simm.s32 $0x20  }
0x1c0: {  	s15 =	sand.u32 $0x1180, s16;
	s14 =	simm.s32 $0x30;
	s16 =	sand.u32 $0x70, s6  }
.LBB2_35:
0x1c1: {  	p1 =	sne.s32 s14, $0xF0;
	s15 =	sor.u32 s16, s15;
	s12 =	sadd.s32 $0x10, s12  }
0x1c2: {  	[tilespmem:s12], [sflag:$0x1] =	stream.indirect_vreg.gather [hbm4b:s5+s0], $0x1, v0, vm0, $0xb8;
	[tilespmem:$0x4480] =	vst v63  }
0x1c3: {  	v0 =	vld [tilespmem:s15+$0x0];
	_ =	sdelay $0x3  }
.Ltmp16:
0x1c4: {  	(pc) =	sbr.rel @p1 .LBB2_35-.Ltmp16, $3  }
0x1c5: {  	v0 =	vadd.s32 $0x1036640, v0;
	_ =	sdelay $0x1  }
0x1c6: {  	s15 =	sadd.s32 $0x1100, s14  }
0x1c7: {  	s16 =	sand.u32 $0x70, s14;
	s14 =	sadd.s32 $0x10, s14;
	s15 =	sand.u32 $0x1180, s15  }
0x1c8: {  	_ =	sdelay $0x2  }
0x1c9: {  	s14 =	sor.u32 s16, s15;
	s12 =	sadd.s32 $0x10, s12  }
0x1ca: {  	[tilespmem:s12], [sflag:$0x1] =	stream.indirect_vreg.gather [hbm4b:s5+s0], $0x1, v0, vm0, $0xb8;
	[tilespmem:$0x4480] =	vst v63  }
0x1cb: {  	v0 =	vld [tilespmem:s14+$0x0];
	_ =	sdelay $0x4  }
0x1cc: {  	v0 =	vadd.s32 $0x1036640, v0;
	_ =	sdelay $0x3  }
0x1cd: {  	s15 =	simm.s32 $0x1200;
	s12 =	sadd.s32 $0x10, s12  }
0x1ce: {  	[tilespmem:s12], [sflag:$0x1] =	stream.indirect_vreg.gather [hbm4b:s5+s0], $0x1, v0, vm0, $0xb8;
	[tilespmem:$0x4480] =	vst v63  }
0x1cf: {  	s0 =	sand.u32 $0x1280, s15  }
0x1d0: {  	s0 =	sor.u32 s10, s0  }
0x1d1: {  	v0 =	vld [tilespmem:s0+$0x0];
	_ =	sdelay $0x4  }
0x1d2: {  	v0 =	vadd.s32 $0x112A880, v0;
	_ =	sdelay $0x1  }
0x1d3: {  	s16 =	simm.s32 $0x1210  }
0x1d4: {  	s12 =	sand.u32 $0x1280, s16;
	s10 =	simm.s32 $0x2C00  }
.LBB2_37:
0x1d5: {  	p1 =	sne.s32 s6, $0xF0;
	s9 =	sor.u32 s9, s12;
	s0 =	simm.s32 $0x0  }
0x1d6: {  	[tilespmem:s10], [sflag:$0x1] =	stream.indirect_vreg.gather [hbm4b:s5+s0], $0x1, v0, vm0, $0xb8;
	[tilespmem:$0x4480] =	vst v63  }
0x1d7: {  	v0 =	vld [tilespmem:s9+$0x0];
	_ =	sdelay $0x3  }
.Ltmp17:
0x1d8: {  	(pc) =	sbr.rel @p1 .LBB2_37-.Ltmp17, $3  }
0x1d9: {  	v0 =	vadd.s32 $0x112A880, v0;
	_ =	sdelay $0x1  }
0x1da: {  	s10 =	sadd.s32 $0x10, s10;
	s9 =	sadd.s32 $0x1200, s6  }
0x1db: {  	s12 =	sand.u32 $0x1280, s9;
	s9 =	sand.u32 $0x70, s6;
	s6 =	sadd.s32 $0x10, s6  }
0x1dc: {  	_ =	sdelay $0x2  }
0x1dd: {  	s6 =	sor.u32 s9, s12  }
0x1de: {  	[tilespmem:s10], [sflag:$0x1] =	stream.indirect_vreg.gather [hbm4b:s5+s0], $0x1, v0, vm0, $0xb8;
	[tilespmem:$0x4480] =	vst v63  }
0x1df: {  	v0 =	vld [tilespmem:s6+$0x0];
	_ =	sdelay $0x4  }
0x1e0: {  	v0 =	vadd.s32 $0x112A880, v0;
	_ =	sdelay $0x1  }
0x1e1: {  	s9 =	sadd.s32 $0x10, s10;
	s10 =	simm.s32 $0x1300  }
0x1e2: {  	s6 =	sand.u32 $0x1380, s10;
	s10 =	sand.u32 $0x70, s0  }
0x1e3: {  	s6 =	sor.u32 s10, s6  }
0x1e4: {  	[tilespmem:s9], [sflag:$0x1] =	stream.indirect_vreg.gather [hbm4b:s5+s0], $0x1, v0, vm0, $0xb8;
	[tilespmem:$0x4480] =	vst v63  }
0x1e5: {  	v0 =	vld [tilespmem:s6+$0x0];
	_ =	sdelay $0x4  }
0x1e6: {  	v0 =	vadd.s32 $0x121EAC0, v0;
	_ =	sdelay $0x1  }
0x1e7: {  	s12 =	simm.s32 $0x10;
	s15 =	simm.s32 $0x1310  }
0x1e8: {  	s14 =	sand.u32 $0x1380, s15;
	s9 =	sand.u32 $0x70, s12  }
0x1e9: {  	s12 =	simm.s32 $0x2D00;
	s6 =	sor.u32 s9, s14  }
0x1ea: {  	[tilespmem:s12], [sflag:$0x1] =	stream.indirect_vreg.gather [hbm4b:s5+s0], $0x1, v0, vm0, $0xb8;
	[tilespmem:$0x4480] =	vst v63  }
0x1eb: {  	v0 =	vld [tilespmem:s6+$0x0];
	_ =	sdelay $0x4  }
0x1ec: {  	v0 =	vadd.s32 $0x121EAC0, v0;
	_ =	sdelay $0x1  }
0x1ed: {  	s16 =	simm.s32 $0x1320;
	s6 =	simm.s32 $0x20  }
0x1ee: {  	s15 =	sand.u32 $0x1380, s16;
	s14 =	simm.s32 $0x30;
	s16 =	sand.u32 $0x70, s6  }
.LBB2_39:
0x1ef: {  	p1 =	sne.s32 s14, $0xF0;
	s15 =	sor.u32 s16, s15;
	s12 =	sadd.s32 $0x10, s12  }
0x1f0: {  	[tilespmem:s12], [sflag:$0x1] =	stream.indirect_vreg.gather [hbm4b:s5+s0], $0x1, v0, vm0, $0xb8;
	[tilespmem:$0x4480] =	vst v63  }
0x1f1: {  	v0 =	vld [tilespmem:s15+$0x0];
	_ =	sdelay $0x3  }
.Ltmp18:
0x1f2: {  	(pc) =	sbr.rel @p1 .LBB2_39-.Ltmp18, $3  }
0x1f3: {  	v0 =	vadd.s32 $0x121EAC0, v0;
	_ =	sdelay $0x1  }
0x1f4: {  	s15 =	sadd.s32 $0x1300, s14  }
0x1f5: {  	s16 =	sand.u32 $0x70, s14;
	s14 =	sadd.s32 $0x10, s14;
	s15 =	sand.u32 $0x1380, s15  }
0x1f6: {  	_ =	sdelay $0x2  }
0x1f7: {  	s14 =	sor.u32 s16, s15;
	s12 =	sadd.s32 $0x10, s12  }
0x1f8: {  	[tilespmem:s12], [sflag:$0x1] =	stream.indirect_vreg.gather [hbm4b:s5+s0], $0x1, v0, vm0, $0xb8;
	[tilespmem:$0x4480] =	vst v63  }
0x1f9: {  	v0 =	vld [tilespmem:s14+$0x0];
	_ =	sdelay $0x4  }
0x1fa: {  	v0 =	vadd.s32 $0x121EAC0, v0;
	_ =	sdelay $0x3  }
0x1fb: {  	s15 =	simm.s32 $0x1400;
	s12 =	sadd.s32 $0x10, s12  }
0x1fc: {  	[tilespmem:s12], [sflag:$0x1] =	stream.indirect_vreg.gather [hbm4b:s5+s0], $0x1, v0, vm0, $0xb8;
	[tilespmem:$0x4480] =	vst v63  }
0x1fd: {  	s0 =	sand.u32 $0x1480, s15  }
0x1fe: {  	s0 =	sor.u32 s10, s0  }
0x1ff: {  	v0 =	vld [tilespmem:s0+$0x0];
	_ =	sdelay $0x4  }
0x200: {  	v0 =	vadd.s32 $0x1312D00, v0;
	_ =	sdelay $0x1  }
0x201: {  	s16 =	simm.s32 $0x1410  }
0x202: {  	s12 =	sand.u32 $0x1480, s16;
	s10 =	simm.s32 $0x2E00  }
.LBB2_41:
0x203: {  	p1 =	sne.s32 s6, $0xF0;
	s9 =	sor.u32 s9, s12;
	s0 =	simm.s32 $0x0  }
0x204: {  	[tilespmem:s10], [sflag:$0x1] =	stream.indirect_vreg.gather [hbm4b:s5+s0], $0x1, v0, vm0, $0xb8;
	[tilespmem:$0x4480] =	vst v63  }
0x205: {  	v0 =	vld [tilespmem:s9+$0x0];
	_ =	sdelay $0x3  }
.Ltmp19:
0x206: {  	(pc) =	sbr.rel @p1 .LBB2_41-.Ltmp19, $3  }
0x207: {  	v0 =	vadd.s32 $0x1312D00, v0;
	_ =	sdelay $0x1  }
0x208: {  	s10 =	sadd.s32 $0x10, s10;
	s9 =	sadd.s32 $0x1400, s6  }
0x209: {  	s12 =	sand.u32 $0x1480, s9;
	s9 =	sand.u32 $0x70, s6;
	s6 =	sadd.s32 $0x10, s6  }
0x20a: {  	_ =	sdelay $0x2  }
0x20b: {  	s6 =	sor.u32 s9, s12  }
0x20c: {  	[tilespmem:s10], [sflag:$0x1] =	stream.indirect_vreg.gather [hbm4b:s5+s0], $0x1, v0, vm0, $0xb8;
	[tilespmem:$0x4480] =	vst v63  }
0x20d: {  	v0 =	vld [tilespmem:s6+$0x0];
	_ =	sdelay $0x4  }
0x20e: {  	v0 =	vadd.s32 $0x1312D00, v0;
	_ =	sdelay $0x1  }
0x20f: {  	s9 =	sadd.s32 $0x10, s10;
	s10 =	simm.s32 $0x1500  }
0x210: {  	s6 =	sand.u32 $0x1580, s10;
	s10 =	sand.u32 $0x70, s0  }
0x211: {  	s6 =	sor.u32 s10, s6  }
0x212: {  	[tilespmem:s9], [sflag:$0x1] =	stream.indirect_vreg.gather [hbm4b:s5+s0], $0x1, v0, vm0, $0xb8;
	[tilespmem:$0x4480] =	vst v63  }
0x213: {  	v0 =	vld [tilespmem:s6+$0x0];
	_ =	sdelay $0x4  }
0x214: {  	v0 =	vadd.s32 $0x1406F40, v0;
	_ =	sdelay $0x1  }
0x215: {  	s12 =	simm.s32 $0x10;
	s15 =	simm.s32 $0x1510  }
0x216: {  	s14 =	sand.u32 $0x1580, s15;
	s9 =	sand.u32 $0x70, s12  }
0x217: {  	s12 =	simm.s32 $0x2F00;
	s6 =	sor.u32 s9, s14  }
0x218: {  	[tilespmem:s12], [sflag:$0x1] =	stream.indirect_vreg.gather [hbm4b:s5+s0], $0x1, v0, vm0, $0xb8;
	[tilespmem:$0x4480] =	vst v63  }
0x219: {  	v0 =	vld [tilespmem:s6+$0x0];
	_ =	sdelay $0x4  }
0x21a: {  	v0 =	vadd.s32 $0x1406F40, v0;
	_ =	sdelay $0x1  }
0x21b: {  	s16 =	simm.s32 $0x1520;
	s6 =	simm.s32 $0x20  }
0x21c: {  	s15 =	sand.u32 $0x1580, s16;
	s14 =	simm.s32 $0x30;
	s16 =	sand.u32 $0x70, s6  }
.LBB2_43:
0x21d: {  	p1 =	sne.s32 s14, $0xF0;
	s15 =	sor.u32 s16, s15;
	s12 =	sadd.s32 $0x10, s12  }
0x21e: {  	[tilespmem:s12], [sflag:$0x1] =	stream.indirect_vreg.gather [hbm4b:s5+s0], $0x1, v0, vm0, $0xb8;
	[tilespmem:$0x4480] =	vst v63  }
0x21f: {  	v0 =	vld [tilespmem:s15+$0x0];
	_ =	sdelay $0x3  }
.Ltmp20:
0x220: {  	(pc) =	sbr.rel @p1 .LBB2_43-.Ltmp20, $3  }
0x221: {  	v0 =	vadd.s32 $0x1406F40, v0;
	_ =	sdelay $0x1  }
0x222: {  	s15 =	sadd.s32 $0x1500, s14  }
0x223: {  	s16 =	sand.u32 $0x70, s14;
	s14 =	sadd.s32 $0x10, s14;
	s15 =	sand.u32 $0x1580, s15  }
0x224: {  	_ =	sdelay $0x2  }
0x225: {  	s14 =	sor.u32 s16, s15;
	s12 =	sadd.s32 $0x10, s12  }
0x226: {  	[tilespmem:s12], [sflag:$0x1] =	stream.indirect_vreg.gather [hbm4b:s5+s0], $0x1, v0, vm0, $0xb8;
	[tilespmem:$0x4480] =	vst v63  }
0x227: {  	v0 =	vld [tilespmem:s14+$0x0];
	_ =	sdelay $0x4  }
0x228: {  	v0 =	vadd.s32 $0x1406F40, v0;
	_ =	sdelay $0x3  }
0x229: {  	s15 =	simm.s32 $0x1600;
	s12 =	sadd.s32 $0x10, s12  }
0x22a: {  	[tilespmem:s12], [sflag:$0x1] =	stream.indirect_vreg.gather [hbm4b:s5+s0], $0x1, v0, vm0, $0xb8;
	[tilespmem:$0x4480] =	vst v63  }
0x22b: {  	s0 =	sand.u32 $0x1680, s15  }
0x22c: {  	s0 =	sor.u32 s10, s0  }
0x22d: {  	v0 =	vld [tilespmem:s0+$0x0];
	_ =	sdelay $0x4  }
0x22e: {  	v0 =	vadd.s32 $0x14FB180, v0;
	_ =	sdelay $0x1  }
0x22f: {  	s16 =	simm.s32 $0x1610  }
0x230: {  	s12 =	sand.u32 $0x1680, s16;
	s10 =	simm.s32 $0x3000  }
.LBB2_45:
0x231: {  	p1 =	sne.s32 s6, $0xF0;
	s9 =	sor.u32 s9, s12;
	s0 =	simm.s32 $0x0  }
0x232: {  	[tilespmem:s10], [sflag:$0x1] =	stream.indirect_vreg.gather [hbm4b:s5+s0], $0x1, v0, vm0, $0xb8;
	[tilespmem:$0x4480] =	vst v63  }
0x233: {  	v0 =	vld [tilespmem:s9+$0x0];
	_ =	sdelay $0x3  }
.Ltmp21:
0x234: {  	(pc) =	sbr.rel @p1 .LBB2_45-.Ltmp21, $3  }
0x235: {  	v0 =	vadd.s32 $0x14FB180, v0;
	_ =	sdelay $0x1  }
0x236: {  	s10 =	sadd.s32 $0x10, s10;
	s9 =	sadd.s32 $0x1600, s6  }
0x237: {  	s12 =	sand.u32 $0x1680, s9;
	s9 =	sand.u32 $0x70, s6;
	s6 =	sadd.s32 $0x10, s6  }
0x238: {  	_ =	sdelay $0x2  }
0x239: {  	s6 =	sor.u32 s9, s12  }
0x23a: {  	[tilespmem:s10], [sflag:$0x1] =	stream.indirect_vreg.gather [hbm4b:s5+s0], $0x1, v0, vm0, $0xb8;
	[tilespmem:$0x4480] =	vst v63  }
0x23b: {  	v0 =	vld [tilespmem:s6+$0x0];
	_ =	sdelay $0x4  }
0x23c: {  	v0 =	vadd.s32 $0x14FB180, v0;
	_ =	sdelay $0x1  }
0x23d: {  	s9 =	sadd.s32 $0x10, s10;
	s10 =	simm.s32 $0x1700  }
0x23e: {  	s6 =	sand.u32 $0x1780, s10;
	s10 =	sand.u32 $0x70, s0  }
0x23f: {  	s6 =	sor.u32 s10, s6  }
0x240: {  	[tilespmem:s9], [sflag:$0x1] =	stream.indirect_vreg.gather [hbm4b:s5+s0], $0x1, v0, vm0, $0xb8;
	[tilespmem:$0x4480] =	vst v63  }
0x241: {  	v0 =	vld [tilespmem:s6+$0x0];
	_ =	sdelay $0x4  }
0x242: {  	v0 =	vadd.s32 $0x15EF3C0, v0;
	_ =	sdelay $0x1  }
0x243: {  	s12 =	simm.s32 $0x10;
	s15 =	simm.s32 $0x1710  }
0x244: {  	s14 =	sand.u32 $0x1780, s15;
	s9 =	sand.u32 $0x70, s12  }
0x245: {  	s12 =	simm.s32 $0x3100;
	s6 =	sor.u32 s9, s14  }
0x246: {  	[tilespmem:s12], [sflag:$0x1] =	stream.indirect_vreg.gather [hbm4b:s5+s0], $0x1, v0, vm0, $0xb8;
	[tilespmem:$0x4480] =	vst v63  }
0x247: {  	v0 =	vld [tilespmem:s6+$0x0];
	_ =	sdelay $0x4  }
0x248: {  	v0 =	vadd.s32 $0x15EF3C0, v0;
	_ =	sdelay $0x1  }
0x249: {  	s16 =	simm.s32 $0x1720;
	s6 =	simm.s32 $0x20  }
0x24a: {  	s15 =	sand.u32 $0x1780, s16;
	s14 =	simm.s32 $0x30;
	s16 =	sand.u32 $0x70, s6  }
.LBB2_47:
0x24b: {  	p1 =	sne.s32 s14, $0xF0;
	s15 =	sor.u32 s16, s15;
	s12 =	sadd.s32 $0x10, s12  }
0x24c: {  	[tilespmem:s12], [sflag:$0x1] =	stream.indirect_vreg.gather [hbm4b:s5+s0], $0x1, v0, vm0, $0xb8;
	[tilespmem:$0x4480] =	vst v63  }
0x24d: {  	v0 =	vld [tilespmem:s15+$0x0];
	_ =	sdelay $0x3  }
.Ltmp22:
0x24e: {  	(pc) =	sbr.rel @p1 .LBB2_47-.Ltmp22, $3  }
0x24f: {  	v0 =	vadd.s32 $0x15EF3C0, v0;
	_ =	sdelay $0x1  }
0x250: {  	s15 =	sadd.s32 $0x1700, s14  }
0x251: {  	s16 =	sand.u32 $0x70, s14;
	s14 =	sadd.s32 $0x10, s14;
	s15 =	sand.u32 $0x1780, s15  }
0x252: {  	_ =	sdelay $0x2  }
0x253: {  	s14 =	sor.u32 s16, s15;
	s12 =	sadd.s32 $0x10, s12  }
0x254: {  	[tilespmem:s12], [sflag:$0x1] =	stream.indirect_vreg.gather [hbm4b:s5+s0], $0x1, v0, vm0, $0xb8;
	[tilespmem:$0x4480] =	vst v63  }
0x255: {  	v0 =	vld [tilespmem:s14+$0x0];
	_ =	sdelay $0x4  }
0x256: {  	v0 =	vadd.s32 $0x15EF3C0, v0;
	_ =	sdelay $0x3  }
0x257: {  	s15 =	simm.s32 $0x1800;
	s12 =	sadd.s32 $0x10, s12  }
0x258: {  	[tilespmem:s12], [sflag:$0x1] =	stream.indirect_vreg.gather [hbm4b:s5+s0], $0x1, v0, vm0, $0xb8;
	[tilespmem:$0x4480] =	vst v63  }
0x259: {  	s0 =	sand.u32 $0x1880, s15  }
0x25a: {  	s0 =	sor.u32 s10, s0  }
0x25b: {  	v0 =	vld [tilespmem:s0+$0x0];
	_ =	sdelay $0x4  }
0x25c: {  	v0 =	vadd.s32 $0x16E3600, v0;
	_ =	sdelay $0x1  }
0x25d: {  	s16 =	simm.s32 $0x1810  }
0x25e: {  	s12 =	sand.u32 $0x1880, s16;
	s0 =	simm.s32 $0x3200  }
.LBB2_49:
0x25f: {  	p1 =	sne.s32 s6, $0xF0;
	s9 =	sor.u32 s9, s12;
	s10 =	simm.s32 $0x0  }
0x260: {  	[tilespmem:s0], [sflag:$0x1] =	stream.indirect_vreg.gather [hbm4b:s5+s10], $0x1, v0, vm0, $0xb8;
	[tilespmem:$0x4480] =	vst v63  }
0x261: {  	v0 =	vld [tilespmem:s9+$0x0];
	_ =	sdelay $0x3  }
.Ltmp23:
0x262: {  	(pc) =	sbr.rel @p1 .LBB2_49-.Ltmp23, $3  }
0x263: {  	v0 =	vadd.s32 $0x16E3600, v0;
	_ =	sdelay $0x1  }
0x264: {  	s0 =	sadd.s32 $0x10, s0;
	s9 =	sadd.s32 $0x1800, s6  }
0x265: {  	s12 =	sand.u32 $0x1880, s9;
	s9 =	sand.u32 $0x70, s6;
	s6 =	sadd.s32 $0x10, s6  }
0x266: {  	_ =	sdelay $0x2  }
0x267: {  	s6 =	sor.u32 s9, s12  }
0x268: {  	[tilespmem:s0], [sflag:$0x1] =	stream.indirect_vreg.gather [hbm4b:s5+s10], $0x1, v0, vm0, $0xb8;
	[tilespmem:$0x4480] =	vst v63  }
0x269: {  	v0 =	vld [tilespmem:s6+$0x0];
	_ =	sdelay $0x4  }
0x26a: {  	v0 =	vadd.s32 $0x16E3600, v0;
	_ =	sdelay $0x1  }
0x26b: {  	s6 =	simm.s32 $0x1900  }
0x26c: {  	s16 =	sadd.s32 $0x10, s0;
	s9 =	sand.u32 $0x70, s10;
	s0 =	sand.u32 $0x1980, s6  }
0x26d: {  	s0 =	sor.u32 s9, s0  }
0x26e: {  	[tilespmem:s16], [sflag:$0x1] =	stream.indirect_vreg.gather [hbm4b:s5+s10], $0x1, v0, vm0, $0xb8;
	[tilespmem:$0x4480] =	vst v63  }
0x26f: {  	v0 =	vld [tilespmem:s0+$0x0];
	_ =	sdelay $0x4  }
0x270: {  	v0 =	vadd.s32 $0x17D7840, v0;
	_ =	sdelay $0x1  }
0x271: {  	s12 =	simm.s32 $0x1910;
	s10 =	simm.s32 $0x10  }
0x272: {  	s6 =	sand.u32 $0x1980, s12;
	s14 =	sand.u32 $0x70, s10  }
0x273: {  	s0 =	simm.s32 $0x3300;
	s6 =	sor.u32 s14, s6  }
0x274: {  	[tilespmem:s0], [sflag:$0x1] =	stream.indirect_vreg.gather [hbm4b:s5+s1], $0x1, v0, vm0, $0xb8;
	[tilespmem:$0x4480] =	vst v63  }
0x275: {  	v0 =	vld [tilespmem:s6+$0x0];
	_ =	sdelay $0x4  }
0x276: {  	v0 =	vadd.s32 $0x17D7840, v0;
	_ =	sdelay $0x1  }
0x277: {  	s15 =	simm.s32 $0x20;
	s16 =	simm.s32 $0x1920  }
0x278: {  	s9 =	sand.u32 $0x1980, s16;
	s10 =	sand.u32 $0x70, s15;
	s6 =	simm.s32 $0x30  }
.LBB2_51:
0x279: {  	p1 =	sne.s32 s6, $0xF0;
	s9 =	sor.u32 s10, s9;
	s0 =	sadd.s32 $0x10, s0  }
0x27a: {  	[tilespmem:s0], [sflag:$0x1] =	stream.indirect_vreg.gather [hbm4b:s5+s1], $0x1, v0, vm0, $0xb8;
	[tilespmem:$0x4480] =	vst v63  }
0x27b: {  	v0 =	vld [tilespmem:s9+$0x0];
	_ =	sdelay $0x3  }
.Ltmp24:
0x27c: {  	(pc) =	sbr.rel @p1 .LBB2_51-.Ltmp24, $3  }
0x27d: {  	v0 =	vadd.s32 $0x17D7840, v0;
	_ =	sdelay $0x1  }
0x27e: {  	s9 =	sadd.s32 $0x1900, s6  }
0x27f: {  	s10 =	sand.u32 $0x70, s6;
	s6 =	sadd.s32 $0x10, s6;
	s9 =	sand.u32 $0x1980, s9  }
0x280: {  	_ =	sdelay $0x2  }
0x281: {  	s6 =	sor.u32 s10, s9;
	s0 =	sadd.s32 $0x10, s0  }
0x282: {  	[tilespmem:s0], [sflag:$0x1] =	stream.indirect_vreg.gather [hbm4b:s5+s1], $0x1, v0, vm0, $0xb8;
	[tilespmem:$0x4480] =	vst v63  }
0x283: {  	v0 =	vld [tilespmem:s6+$0x0];
	_ =	sdelay $0x4  }
0x284: {  	v0 =	vadd.s32 $0x17D7840, v0;
	_ =	sdelay $0x3  }
0x285: {  	s0 =	sadd.s32 $0x10, s0  }
0x286: {  	[tilespmem:s0], [sflag:$0x1] =	stream.indirect_vreg.gather [hbm4b:s5+s1], $0x1, v0, vm0, $0xb8;
	[tilespmem:$0x4480] =	vst v63  }
0x287: {  	_ =	swait.ge [sflag:s13], $0x10  }
0x288: {  	[sflag:s13] =	ssyncset.done $0x0  }
0x289: {  	[sflag:s13] =	ssyncadd.s32 $0xFFFFFFF0  }
0x28a: {  	_ =	swait.ge [sflag:s13], $0x10  }
0x28b: {  	[sflag:s13] =	ssyncset.done $0x0  }
0x28c: {  	[sflag:s13] =	ssyncadd.s32 $0xFFFFFFF0  }
0x28d: {  	_ =	swait.ge [sflag:s13], $0x10  }
0x28e: {  	[sflag:s13] =	ssyncset.done $0x0  }
0x28f: {  	[sflag:s13] =	ssyncadd.s32 $0xFFFFFFF0  }
0x290: {  	_ =	swait.ge [sflag:s13], $0x10  }
0x291: {  	[sflag:s13] =	ssyncset.done $0x0  }
0x292: {  	[sflag:s13] =	ssyncadd.s32 $0xFFFFFFF0  }
0x293: {  	_ =	swait.ge [sflag:s13], $0x10  }
0x294: {  	[sflag:s13] =	ssyncset.done $0x0  }
0x295: {  	[sflag:s13] =	ssyncadd.s32 $0xFFFFFFF0  }
0x296: {  	_ =	swait.ge [sflag:s13], $0x10  }
0x297: {  	[sflag:s13] =	ssyncset.done $0x0  }
0x298: {  	[sflag:s13] =	ssyncadd.s32 $0xFFFFFFF0  }
0x299: {  	_ =	swait.ge [sflag:s13], $0x10  }
0x29a: {  	[sflag:s13] =	ssyncset.done $0x0  }
0x29b: {  	[sflag:s13] =	ssyncadd.s32 $0xFFFFFFF0  }
0x29c: {  	_ =	swait.ge [sflag:s13], $0x10  }
0x29d: {  	[sflag:s13] =	ssyncset.done $0x0  }
0x29e: {  	[sflag:s13] =	ssyncadd.s32 $0xFFFFFFF0  }
0x29f: {  	_ =	swait.ge [sflag:s13], $0x10  }
0x2a0: {  	[sflag:s13] =	ssyncset.done $0x0  }
0x2a1: {  	[sflag:s13] =	ssyncadd.s32 $0xFFFFFFF0  }
0x2a2: {  	_ =	swait.ge [sflag:s13], $0x10  }
0x2a3: {  	[sflag:s13] =	ssyncset.done $0x0  }
0x2a4: {  	[sflag:s13] =	ssyncadd.s32 $0xFFFFFFF0  }
0x2a5: {  	_ =	swait.ge [sflag:s13], $0x10  }
0x2a6: {  	[sflag:s13] =	ssyncset.done $0x0  }
0x2a7: {  	[sflag:s13] =	ssyncadd.s32 $0xFFFFFFF0  }
0x2a8: {  	_ =	swait.ge [sflag:s13], $0x10  }
0x2a9: {  	[sflag:s13] =	ssyncset.done $0x0  }
0x2aa: {  	[sflag:s13] =	ssyncadd.s32 $0xFFFFFFF0  }
0x2ab: {  	_ =	swait.ge [sflag:s13], $0x10  }
0x2ac: {  	[sflag:s13] =	ssyncset.done $0x0  }
0x2ad: {  	[sflag:s13] =	ssyncadd.s32 $0xFFFFFFF0  }
0x2ae: {  	_ =	swait.ge [sflag:s13], $0x10  }
0x2af: {  	[sflag:s13] =	ssyncset.done $0x0  }
0x2b0: {  	[sflag:s13] =	ssyncadd.s32 $0xFFFFFFF0  }
0x2b1: {  	_ =	swait.ge [sflag:s13], $0x10  }
0x2b2: {  	[sflag:s13] =	ssyncset.done $0x0  }
0x2b3: {  	[sflag:s13] =	ssyncadd.s32 $0xFFFFFFF0  }
0x2b4: {  	_ =	swait.ge [sflag:s13], $0x10  }
0x2b5: {  	[sflag:s13] =	ssyncset.done $0x0  }
0x2b6: {  	[sflag:s13] =	ssyncadd.s32 $0xFFFFFFF0  }
0x2b7: {  	_ =	swait.ge [sflag:s13], $0x10  }
0x2b8: {  	[sflag:s13] =	ssyncset.done $0x0  }
0x2b9: {  	[sflag:s13] =	ssyncadd.s32 $0xFFFFFFF0  }
0x2ba: {  	_ =	swait.ge [sflag:s13], $0x10  }
0x2bb: {  	[sflag:s13] =	ssyncset.done $0x0  }
0x2bc: {  	[sflag:s13] =	ssyncadd.s32 $0xFFFFFFF0  }
0x2bd: {  	_ =	swait.ge [sflag:s13], $0x10  }
0x2be: {  	[sflag:s13] =	ssyncset.done $0x0  }
0x2bf: {  	[sflag:s13] =	ssyncadd.s32 $0xFFFFFFF0  }
0x2c0: {  	_ =	swait.ge [sflag:s13], $0x10  }
0x2c1: {  	[sflag:s13] =	ssyncset.done $0x0  }
0x2c2: {  	[sflag:s13] =	ssyncadd.s32 $0xFFFFFFF0  }
0x2c3: {  	_ =	swait.ge [sflag:s13], $0x10  }
0x2c4: {  	[sflag:s13] =	ssyncset.done $0x0  }
0x2c5: {  	[sflag:s13] =	ssyncadd.s32 $0xFFFFFFF0  }
0x2c6: {  	_ =	swait.ge [sflag:s13], $0x10  }
0x2c7: {  	[sflag:s13] =	ssyncset.done $0x0  }
0x2c8: {  	[sflag:s13] =	ssyncadd.s32 $0xFFFFFFF0  }
0x2c9: {  	_ =	swait.ge [sflag:s13], $0x10  }
0x2ca: {  	[sflag:s13] =	ssyncset.done $0x0  }
0x2cb: {  	[sflag:s13] =	ssyncadd.s32 $0xFFFFFFF0  }
0x2cc: {  	_ =	swait.ge [sflag:s13], $0x10  }
0x2cd: {  	[sflag:s13] =	ssyncset.done $0x0  }
0x2ce: {  	[sflag:s13] =	ssyncadd.s32 $0xFFFFFFF0  }
0x2cf: {  	_ =	swait.ge [sflag:s13], $0x10  }
0x2d0: {  	[sflag:s13] =	ssyncset.done $0x0  }
0x2d1: {  	[sflag:s13] =	ssyncadd.s32 $0xFFFFFFF0  }
0x2d2: {  	_ =	swait.ge [sflag:s13], $0x10  }
0x2d3: {  	[sflag:s13] =	ssyncset.done $0x0  }
0x2d4: {  	[sflag:s13] =	ssyncadd.s32 $0xFFFFFFF0  }
0x2d5: {  	_ =	swait.ge [sflag:s13], $0x10  }
0x2d6: {  	[sflag:s13] =	ssyncset.done $0x0  }
0x2d7: {  	[sflag:s13] =	ssyncadd.s32 $0xFFFFFFF0  }
0x2d8: {  	_ =	swait.ge [sflag:s13], $0x10  }
0x2d9: {  	[sflag:s13] =	ssyncset.done $0x0  }
0x2da: {  	[sflag:s13] =	ssyncadd.s32 $0xFFFFFFF0  }
0x2db: {  	_ =	swait.ge [sflag:s13], $0x10  }
0x2dc: {  	[sflag:s13] =	ssyncset.done $0x0  }
0x2dd: {  	[sflag:s13] =	ssyncadd.s32 $0xFFFFFFF0  }
0x2de: {  	_ =	swait.ge [sflag:s13], $0x10  }
0x2df: {  	[sflag:s13] =	ssyncset.done $0x0  }
0x2e0: {  	[sflag:s13] =	ssyncadd.s32 $0xFFFFFFF0  }
0x2e1: {  	_ =	swait.ge [sflag:s13], $0x10  }
0x2e2: {  	[sflag:s13] =	ssyncset.done $0x0  }
0x2e3: {  	[sflag:s13] =	ssyncadd.s32 $0xFFFFFFF0  }
0x2e4: {  	_ =	swait.ge [sflag:s13], $0x10  }
0x2e5: {  	[sflag:s13] =	ssyncset.done $0x0  }
0x2e6: {  	[sflag:s13] =	ssyncadd.s32 $0xFFFFFFF0  }
0x2e7: {  	_ =	swait.ge [sflag:s13], $0x10  }
0x2e8: {  	[sflag:s13] =	ssyncset.done $0x0  }
0x2e9: {  	[sflag:s13] =	ssyncadd.s32 $0xFFFFFFF0  }
0x2ea: {  	_ =	swait.ge [sflag:s13], $0x10  }
0x2eb: {  	[sflag:s13] =	ssyncset.done $0x0  }
0x2ec: {  	[sflag:s13] =	ssyncadd.s32 $0xFFFFFFF0  }
0x2ed: {  	_ =	swait.ge [sflag:s13], $0x10  }
0x2ee: {  	[sflag:s13] =	ssyncset.done $0x0  }
0x2ef: {  	[sflag:s13] =	ssyncadd.s32 $0xFFFFFFF0  }
0x2f0: {  	_ =	swait.ge [sflag:s13], $0x10  }
0x2f1: {  	[sflag:s13] =	ssyncset.done $0x0  }
0x2f2: {  	[sflag:s13] =	ssyncadd.s32 $0xFFFFFFF0  }
0x2f3: {  	_ =	swait.ge [sflag:s13], $0x10  }
0x2f4: {  	[sflag:s13] =	ssyncset.done $0x0  }
0x2f5: {  	[sflag:s13] =	ssyncadd.s32 $0xFFFFFFF0  }
0x2f6: {  	_ =	swait.ge [sflag:s13], $0x10  }
0x2f7: {  	[sflag:s13] =	ssyncset.done $0x0  }
0x2f8: {  	[sflag:s13] =	ssyncadd.s32 $0xFFFFFFF0  }
0x2f9: {  	_ =	swait.ge [sflag:s13], $0x10  }
0x2fa: {  	[sflag:s13] =	ssyncset.done $0x0  }
0x2fb: {  	[sflag:s13] =	ssyncadd.s32 $0xFFFFFFF0  }
0x2fc: {  	_ =	swait.ge [sflag:s13], $0x10  }
0x2fd: {  	[sflag:s13] =	ssyncset.done $0x0  }
0x2fe: {  	[sflag:s13] =	ssyncadd.s32 $0xFFFFFFF0  }
0x2ff: {  	_ =	swait.ge [sflag:s13], $0x10  }
0x300: {  	[sflag:s13] =	ssyncset.done $0x0  }
0x301: {  	[sflag:s13] =	ssyncadd.s32 $0xFFFFFFF0  }
0x302: {  	_ =	swait.ge [sflag:s13], $0x10  }
0x303: {  	[sflag:s13] =	ssyncset.done $0x0  }
0x304: {  	[sflag:s13] =	ssyncadd.s32 $0xFFFFFFF0  }
0x305: {  	_ =	swait.ge [sflag:s13], $0x10  }
0x306: {  	[sflag:s13] =	ssyncset.done $0x0  }
0x307: {  	[sflag:s13] =	ssyncadd.s32 $0xFFFFFFF0  }
0x308: {  	_ =	swait.ge [sflag:s13], $0x10  }
0x309: {  	[sflag:s13] =	ssyncset.done $0x0  }
0x30a: {  	[sflag:s13] =	ssyncadd.s32 $0xFFFFFFF0  }
0x30b: {  	_ =	swait.ge [sflag:s13], $0x10  }
0x30c: {  	[sflag:s13] =	ssyncset.done $0x0  }
0x30d: {  	[sflag:s13] =	ssyncadd.s32 $0xFFFFFFF0  }
0x30e: {  	_ =	swait.ge [sflag:s13], $0x10  }
0x30f: {  	[sflag:s13] =	ssyncset.done $0x0  }
0x310: {  	[sflag:s13] =	ssyncadd.s32 $0xFFFFFFF0  }
0x311: {  	_ =	swait.ge [sflag:s13], $0x10  }
0x312: {  	[sflag:s13] =	ssyncset.done $0x0  }
0x313: {  	[sflag:s13] =	ssyncadd.s32 $0xFFFFFFF0  }
0x314: {  	_ =	swait.ge [sflag:s13], $0x10  }
0x315: {  	[sflag:s13] =	ssyncset.done $0x0  }
0x316: {  	[sflag:s13] =	ssyncadd.s32 $0xFFFFFFF0  }
0x317: {  	_ =	swait.ge [sflag:s13], $0x10  }
0x318: {  	[sflag:s13] =	ssyncset.done $0x0  }
0x319: {  	[sflag:s13] =	ssyncadd.s32 $0xFFFFFFF0  }
0x31a: {  	_ =	swait.ge [sflag:s13], $0x10  }
0x31b: {  	[sflag:s13] =	ssyncset.done $0x0  }
0x31c: {  	[sflag:s13] =	ssyncadd.s32 $0xFFFFFFF0  }
0x31d: {  	_ =	swait.ge [sflag:s13], $0x10  }
0x31e: {  	[sflag:s13] =	ssyncset.done $0x0  }
0x31f: {  	[sflag:s13] =	ssyncadd.s32 $0xFFFFFFF0  }
0x320: {  	_ =	swait.ge [sflag:s13], $0x10  }
0x321: {  	[sflag:s13] =	ssyncset.done $0x0  }
0x322: {  	[sflag:s13] =	ssyncadd.s32 $0xFFFFFFF0  }
0x323: {  	_ =	swait.ge [sflag:s13], $0x10  }
0x324: {  	[sflag:s13] =	ssyncset.done $0x0  }
0x325: {  	[sflag:s13] =	ssyncadd.s32 $0xFFFFFFF0  }
0x326: {  	_ =	swait.ge [sflag:s13], $0x10  }
0x327: {  	[sflag:s13] =	ssyncset.done $0x0  }
0x328: {  	[sflag:s13] =	ssyncadd.s32 $0xFFFFFFF0  }
0x329: {  	_ =	swait.ge [sflag:s13], $0x10  }
0x32a: {  	[sflag:s13] =	ssyncset.done $0x0  }
0x32b: {  	[sflag:s13] =	ssyncadd.s32 $0xFFFFFFF0  }
0x32c: {  	_ =	swait.ge [sflag:s13], $0x10  }
0x32d: {  	[sflag:s13] =	ssyncset.done $0x0  }
0x32e: {  	[sflag:s13] =	ssyncadd.s32 $0xFFFFFFF0  }
0x32f: {  	_ =	swait.ge [sflag:s13], $0x10  }
0x330: {  	[sflag:s13] =	ssyncset.done $0x0  }
0x331: {  	[sflag:s13] =	ssyncadd.s32 $0xFFFFFFF0  }
0x332: {  	_ =	swait.ge [sflag:s13], $0x10  }
0x333: {  	[sflag:s13] =	ssyncset.done $0x0  }
0x334: {  	[sflag:s13] =	ssyncadd.s32 $0xFFFFFFF0  }
0x335: {  	_ =	swait.ge [sflag:s13], $0x10  }
0x336: {  	[sflag:s13] =	ssyncset.done $0x0  }
0x337: {  	[sflag:s13] =	ssyncadd.s32 $0xFFFFFFF0  }
0x338: {  	_ =	swait.ge [sflag:s13], $0x10  }
0x339: {  	[sflag:s13] =	ssyncset.done $0x0  }
0x33a: {  	[sflag:s13] =	ssyncadd.s32 $0xFFFFFFF0  }
0x33b: {  	_ =	swait.ge [sflag:s13], $0x10  }
0x33c: {  	[sflag:s13] =	ssyncset.done $0x0  }
0x33d: {  	[sflag:s13] =	ssyncadd.s32 $0xFFFFFFF0  }
0x33e: {  	_ =	swait.ge [sflag:s13], $0x10  }
0x33f: {  	[sflag:s13] =	ssyncset.done $0x0  }
0x340: {  	[sflag:s13] =	ssyncadd.s32 $0xFFFFFFF0  }
0x341: {  	_ =	swait.ge [sflag:s13], $0x10  }
0x342: {  	[sflag:s13] =	ssyncset.done $0x0  }
0x343: {  	[sflag:s13] =	ssyncadd.s32 $0xFFFFFFF0  }
0x344: {  	_ =	swait.ge [sflag:s13], $0x10  }
0x345: {  	[sflag:s13] =	ssyncset.done $0x0  }
0x346: {  	[sflag:s13] =	ssyncadd.s32 $0xFFFFFFF0  }
0x347: {  	_ =	swait.ge [sflag:s13], $0x10  }
0x348: {  	[sflag:s13] =	ssyncset.done $0x0  }
0x349: {  	[sflag:s13] =	ssyncadd.s32 $0xFFFFFFF0  }
0x34a: {  	_ =	swait.ge [sflag:s13], $0x10  }
0x34b: {  	[sflag:s13] =	ssyncset.done $0x0  }
0x34c: {  	[sflag:s13] =	ssyncadd.s32 $0xFFFFFFF0  }
0x34d: {  	_ =	swait.ge [sflag:s13], $0x10  }
0x34e: {  	[sflag:s13] =	ssyncset.done $0x0  }
0x34f: {  	[sflag:s13] =	ssyncadd.s32 $0xFFFFFFF0  }
0x350: {  	_ =	swait.ge [sflag:s13], $0x10  }
0x351: {  	[sflag:s13] =	ssyncset.done $0x0  }
0x352: {  	[sflag:s13] =	ssyncadd.s32 $0xFFFFFFF0  }
0x353: {  	_ =	swait.ge [sflag:s13], $0x10  }
0x354: {  	[sflag:s13] =	ssyncset.done $0x0  }
0x355: {  	[sflag:s13] =	ssyncadd.s32 $0xFFFFFFF0  }
0x356: {  	_ =	swait.ge [sflag:s13], $0x10  }
0x357: {  	[sflag:s13] =	ssyncset.done $0x0  }
0x358: {  	[sflag:s13] =	ssyncadd.s32 $0xFFFFFFF0  }
0x359: {  	_ =	swait.ge [sflag:s13], $0x10  }
0x35a: {  	[sflag:s13] =	ssyncset.done $0x0  }
0x35b: {  	[sflag:s13] =	ssyncadd.s32 $0xFFFFFFF0  }
0x35c: {  	_ =	swait.ge [sflag:s13], $0x10  }
0x35d: {  	[sflag:s13] =	ssyncset.done $0x0  }
0x35e: {  	[sflag:s13] =	ssyncadd.s32 $0xFFFFFFF0  }
0x35f: {  	_ =	swait.ge [sflag:s13], $0x10  }
0x360: {  	[sflag:s13] =	ssyncset.done $0x0  }
0x361: {  	[sflag:s13] =	ssyncadd.s32 $0xFFFFFFF0  }
0x362: {  	_ =	swait.ge [sflag:s13], $0x10  }
0x363: {  	[sflag:s13] =	ssyncset.done $0x0  }
0x364: {  	[sflag:s13] =	ssyncadd.s32 $0xFFFFFFF0  }
0x365: {  	_ =	swait.ge [sflag:s13], $0x10  }
0x366: {  	[sflag:s13] =	ssyncset.done $0x0  }
0x367: {  	[sflag:s13] =	ssyncadd.s32 $0xFFFFFFF0  }
0x368: {  	_ =	swait.ge [sflag:s13], $0x10  }
0x369: {  	[sflag:s13] =	ssyncset.done $0x0  }
0x36a: {  	[sflag:s13] =	ssyncadd.s32 $0xFFFFFFF0  }
0x36b: {  	_ =	swait.ge [sflag:s13], $0x10  }
0x36c: {  	[sflag:s13] =	ssyncset.done $0x0  }
0x36d: {  	[sflag:s13] =	ssyncadd.s32 $0xFFFFFFF0  }
0x36e: {  	_ =	swait.ge [sflag:s13], $0x10  }
0x36f: {  	[sflag:s13] =	ssyncset.done $0x0  }
0x370: {  	[sflag:s13] =	ssyncadd.s32 $0xFFFFFFF0  }
0x371: {  	_ =	swait.ge [sflag:s13], $0x10  }
0x372: {  	[sflag:s13] =	ssyncset.done $0x0  }
0x373: {  	[sflag:s13] =	ssyncadd.s32 $0xFFFFFFF0  }
0x374: {  	_ =	swait.ge [sflag:s13], $0x10  }
0x375: {  	[sflag:s13] =	ssyncset.done $0x0  }
0x376: {  	[sflag:s13] =	ssyncadd.s32 $0xFFFFFFF0  }
0x377: {  	_ =	swait.ge [sflag:s13], $0x10  }
0x378: {  	[sflag:s13] =	ssyncset.done $0x0  }
0x379: {  	[sflag:s13] =	ssyncadd.s32 $0xFFFFFFF0  }
0x37a: {  	_ =	swait.ge [sflag:s13], $0x10  }
0x37b: {  	[sflag:s13] =	ssyncset.done $0x0  }
0x37c: {  	[sflag:s13] =	ssyncadd.s32 $0xFFFFFFF0  }
0x37d: {  	_ =	swait.ge [sflag:s13], $0x10  }
0x37e: {  	[sflag:s13] =	ssyncset.done $0x0  }
0x37f: {  	[sflag:s13] =	ssyncadd.s32 $0xFFFFFFF0  }
0x380: {  	_ =	swait.ge [sflag:s13], $0x10  }
0x381: {  	[sflag:s13] =	ssyncset.done $0x0  }
0x382: {  	[sflag:s13] =	ssyncadd.s32 $0xFFFFFFF0  }
0x383: {  	_ =	swait.ge [sflag:s13], $0x10  }
0x384: {  	[sflag:s13] =	ssyncset.done $0x0  }
0x385: {  	[sflag:s13] =	ssyncadd.s32 $0xFFFFFFF0  }
0x386: {  	_ =	swait.ge [sflag:s13], $0x10  }
0x387: {  	[sflag:s13] =	ssyncset.done $0x0  }
0x388: {  	[sflag:s13] =	ssyncadd.s32 $0xFFFFFFF0  }
0x389: {  	_ =	swait.ge [sflag:s13], $0x10  }
0x38a: {  	[sflag:s13] =	ssyncset.done $0x0  }
0x38b: {  	[sflag:s13] =	ssyncadd.s32 $0xFFFFFFF0  }
0x38c: {  	_ =	swait.ge [sflag:s13], $0x10  }
0x38d: {  	[sflag:s13] =	ssyncset.done $0x0  }
0x38e: {  	[sflag:s13] =	ssyncadd.s32 $0xFFFFFFF0  }
0x38f: {  	_ =	swait.ge [sflag:s13], $0x10  }
0x390: {  	[sflag:s13] =	ssyncset.done $0x0  }
0x391: {  	[sflag:s13] =	ssyncadd.s32 $0xFFFFFFF0  }
0x392: {  	_ =	swait.ge [sflag:s13], $0x10  }
0x393: {  	[sflag:s13] =	ssyncset.done $0x0  }
0x394: {  	[sflag:s13] =	ssyncadd.s32 $0xFFFFFFF0  }
0x395: {  	_ =	swait.ge [sflag:s13], $0x10  }
0x396: {  	[sflag:s13] =	ssyncset.done $0x0  }
0x397: {  	[sflag:s13] =	ssyncadd.s32 $0xFFFFFFF0  }
0x398: {  	_ =	swait.ge [sflag:s13], $0x10  }
0x399: {  	[sflag:s13] =	ssyncset.done $0x0  }
0x39a: {  	[sflag:s13] =	ssyncadd.s32 $0xFFFFFFF0  }
0x39b: {  	_ =	swait.ge [sflag:s13], $0x10  }
0x39c: {  	[sflag:s13] =	ssyncset.done $0x0  }
0x39d: {  	[sflag:s13] =	ssyncadd.s32 $0xFFFFFFF0  }
0x39e: {  	_ =	swait.ge [sflag:s13], $0x10  }
0x39f: {  	[sflag:s13] =	ssyncset.done $0x0  }
0x3a0: {  	[sflag:s13] =	ssyncadd.s32 $0xFFFFFFF0  }
0x3a1: {  	_ =	swait.ge [sflag:s13], $0x10  }
0x3a2: {  	[sflag:s13] =	ssyncset.done $0x0  }
0x3a3: {  	[sflag:s13] =	ssyncadd.s32 $0xFFFFFFF0  }
0x3a4: {  	_ =	swait.ge [sflag:s13], $0x10  }
0x3a5: {  	[sflag:s13] =	ssyncset.done $0x0  }
0x3a6: {  	[sflag:s13] =	ssyncadd.s32 $0xFFFFFFF0  }
0x3a7: {  	_ =	swait.ge [sflag:s13], $0x10  }
0x3a8: {  	[sflag:s13] =	ssyncset.done $0x0  }
0x3a9: {  	[sflag:s13] =	ssyncadd.s32 $0xFFFFFFF0  }
0x3aa: {  	_ =	swait.ge [sflag:s13], $0x10  }
0x3ab: {  	[sflag:s13] =	ssyncset.done $0x0  }
0x3ac: {  	[sflag:s13] =	ssyncadd.s32 $0xFFFFFFF0  }
0x3ad: {  	_ =	swait.ge [sflag:s13], $0x10  }
0x3ae: {  	[sflag:s13] =	ssyncset.done $0x0  }
0x3af: {  	[sflag:s13] =	ssyncadd.s32 $0xFFFFFFF0  }
0x3b0: {  	_ =	swait.ge [sflag:s13], $0x10  }
0x3b1: {  	[sflag:s13] =	ssyncset.done $0x0  }
0x3b2: {  	[sflag:s13] =	ssyncadd.s32 $0xFFFFFFF0  }
0x3b3: {  	_ =	swait.ge [sflag:s13], $0x10  }
0x3b4: {  	[sflag:s13] =	ssyncset.done $0x0  }
0x3b5: {  	[sflag:s13] =	ssyncadd.s32 $0xFFFFFFF0  }
0x3b6: {  	_ =	swait.ge [sflag:s13], $0x10  }
0x3b7: {  	[sflag:s13] =	ssyncset.done $0x0  }
0x3b8: {  	[sflag:s13] =	ssyncadd.s32 $0xFFFFFFF0  }
0x3b9: {  	_ =	swait.ge [sflag:s13], $0x10  }
0x3ba: {  	[sflag:s13] =	ssyncset.done $0x0  }
0x3bb: {  	[sflag:s13] =	ssyncadd.s32 $0xFFFFFFF0  }
0x3bc: {  	_ =	swait.ge [sflag:s13], $0x10  }
0x3bd: {  	[sflag:s13] =	ssyncset.done $0x0  }
0x3be: {  	[sflag:s13] =	ssyncadd.s32 $0xFFFFFFF0  }
0x3bf: {  	_ =	swait.ge [sflag:s13], $0x10  }
0x3c0: {  	[sflag:s13] =	ssyncset.done $0x0  }
0x3c1: {  	[sflag:s13] =	ssyncadd.s32 $0xFFFFFFF0  }
0x3c2: {  	_ =	swait.ge [sflag:s13], $0x10  }
0x3c3: {  	[sflag:s13] =	ssyncset.done $0x0  }
0x3c4: {  	[sflag:s13] =	ssyncadd.s32 $0xFFFFFFF0  }
0x3c5: {  	_ =	swait.ge [sflag:s13], $0x10  }
0x3c6: {  	[sflag:s13] =	ssyncset.done $0x0  }
0x3c7: {  	[sflag:s13] =	ssyncadd.s32 $0xFFFFFFF0  }
0x3c8: {  	_ =	swait.ge [sflag:s13], $0x10  }
0x3c9: {  	[sflag:s13] =	ssyncset.done $0x0  }
0x3ca: {  	[sflag:s13] =	ssyncadd.s32 $0xFFFFFFF0  }
0x3cb: {  	_ =	swait.ge [sflag:s13], $0x10  }
0x3cc: {  	[sflag:s13] =	ssyncset.done $0x0  }
0x3cd: {  	[sflag:s13] =	ssyncadd.s32 $0xFFFFFFF0  }
0x3ce: {  	_ =	swait.ge [sflag:s13], $0x10  }
0x3cf: {  	[sflag:s13] =	ssyncset.done $0x0  }
0x3d0: {  	[sflag:s13] =	ssyncadd.s32 $0xFFFFFFF0  }
0x3d1: {  	_ =	swait.ge [sflag:s13], $0x10  }
0x3d2: {  	[sflag:s13] =	ssyncset.done $0x0  }
0x3d3: {  	[sflag:s13] =	ssyncadd.s32 $0xFFFFFFF0  }
0x3d4: {  	_ =	swait.ge [sflag:s13], $0x10  }
0x3d5: {  	[sflag:s13] =	ssyncset.done $0x0  }
0x3d6: {  	[sflag:s13] =	ssyncadd.s32 $0xFFFFFFF0  }
0x3d7: {  	_ =	swait.ge [sflag:s13], $0x10  }
0x3d8: {  	[sflag:s13] =	ssyncset.done $0x0  }
0x3d9: {  	[sflag:s13] =	ssyncadd.s32 $0xFFFFFFF0  }
0x3da: {  	_ =	swait.ge [sflag:s13], $0x10  }
0x3db: {  	[sflag:s13] =	ssyncset.done $0x0  }
0x3dc: {  	[sflag:s13] =	ssyncadd.s32 $0xFFFFFFF0  }
0x3dd: {  	_ =	swait.ge [sflag:s13], $0x10  }
0x3de: {  	[sflag:s13] =	ssyncset.done $0x0  }
0x3df: {  	[sflag:s13] =	ssyncadd.s32 $0xFFFFFFF0  }
0x3e0: {  	_ =	swait.ge [sflag:s13], $0x10  }
0x3e1: {  	[sflag:s13] =	ssyncset.done $0x0  }
0x3e2: {  	[sflag:s13] =	ssyncadd.s32 $0xFFFFFFF0  }
0x3e3: {  	_ =	swait.ge [sflag:s13], $0x10  }
0x3e4: {  	[sflag:s13] =	ssyncset.done $0x0  }
0x3e5: {  	[sflag:s13] =	ssyncadd.s32 $0xFFFFFFF0  }
0x3e6: {  	_ =	swait.ge [sflag:s13], $0x10  }
0x3e7: {  	[sflag:s13] =	ssyncset.done $0x0  }
0x3e8: {  	[sflag:s13] =	ssyncadd.s32 $0xFFFFFFF0  }
0x3e9: {  	_ =	swait.ge [sflag:s13], $0x10  }
0x3ea: {  	[sflag:s13] =	ssyncset.done $0x0  }
0x3eb: {  	[sflag:s13] =	ssyncadd.s32 $0xFFFFFFF0  }
0x3ec: {  	_ =	swait.ge [sflag:s13], $0x10  }
0x3ed: {  	[sflag:s13] =	ssyncset.done $0x0  }
0x3ee: {  	[sflag:s13] =	ssyncadd.s32 $0xFFFFFFF0  }
0x3ef: {  	_ =	swait.ge [sflag:s13], $0x10  }
0x3f0: {  	[sflag:s13] =	ssyncset.done $0x0  }
0x3f1: {  	[sflag:s13] =	ssyncadd.s32 $0xFFFFFFF0  }
0x3f2: {  	_ =	swait.ge [sflag:s13], $0x10  }
0x3f3: {  	[sflag:s13] =	ssyncset.done $0x0  }
0x3f4: {  	[sflag:s13] =	ssyncadd.s32 $0xFFFFFFF0  }
0x3f5: {  	_ =	swait.ge [sflag:s13], $0x10  }
0x3f6: {  	[sflag:s13] =	ssyncset.done $0x0  }
0x3f7: {  	[sflag:s13] =	ssyncadd.s32 $0xFFFFFFF0  }
0x3f8: {  	_ =	swait.ge [sflag:s13], $0x10  }
0x3f9: {  	[sflag:s13] =	ssyncset.done $0x0  }
0x3fa: {  	[sflag:s13] =	ssyncadd.s32 $0xFFFFFFF0  }
0x3fb: {  	_ =	swait.ge [sflag:s13], $0x10  }
0x3fc: {  	[sflag:s13] =	ssyncset.done $0x0  }
0x3fd: {  	[sflag:s13] =	ssyncadd.s32 $0xFFFFFFF0  }
0x3fe: {  	_ =	swait.ge [sflag:s13], $0x10  }
0x3ff: {  	[sflag:s13] =	ssyncset.done $0x0  }
0x400: {  	[sflag:s13] =	ssyncadd.s32 $0xFFFFFFF0  }
0x401: {  	_ =	swait.ge [sflag:s13], $0x10  }
0x402: {  	[sflag:s13] =	ssyncset.done $0x0  }
0x403: {  	[sflag:s13] =	ssyncadd.s32 $0xFFFFFFF0  }
0x404: {  	_ =	swait.ge [sflag:s13], $0x10  }
0x405: {  	[sflag:s13] =	ssyncset.done $0x0  }
0x406: {  	[sflag:s13] =	ssyncadd.s32 $0xFFFFFFF0  }
0x407: {  	_ =	swait.ge [sflag:s13], $0x10  }
0x408: {  	[sflag:s13] =	ssyncset.done $0x0  }
0x409: {  	[sflag:s13] =	ssyncadd.s32 $0xFFFFFFF0  }
0x40a: {  	_ =	swait.ge [sflag:s13], $0x10  }
0x40b: {  	[sflag:s13] =	ssyncset.done $0x0  }
0x40c: {  	[sflag:s13] =	ssyncadd.s32 $0xFFFFFFF0  }
0x40d: {  	_ =	swait.ge [sflag:s13], $0x10  }
0x40e: {  	[sflag:s13] =	ssyncset.done $0x0  }
0x40f: {  	[sflag:s13] =	ssyncadd.s32 $0xFFFFFFF0  }
0x410: {  	_ =	swait.ge [sflag:s13], $0x10  }
0x411: {  	[sflag:s13] =	ssyncset.done $0x0  }
0x412: {  	[sflag:s13] =	ssyncadd.s32 $0xFFFFFFF0  }
0x413: {  	_ =	swait.ge [sflag:s13], $0x10  }
0x414: {  	[sflag:s13] =	ssyncset.done $0x0  }
0x415: {  	[sflag:s13] =	ssyncadd.s32 $0xFFFFFFF0  }
0x416: {  	_ =	swait.ge [sflag:s13], $0x10  }
0x417: {  	[sflag:s13] =	ssyncset.done $0x0  }
0x418: {  	[sflag:s13] =	ssyncadd.s32 $0xFFFFFFF0  }
0x419: {  	_ =	swait.ge [sflag:s13], $0x10  }
0x41a: {  	[sflag:s13] =	ssyncset.done $0x0  }
0x41b: {  	[sflag:s13] =	ssyncadd.s32 $0xFFFFFFF0  }
0x41c: {  	_ =	swait.ge [sflag:s13], $0x10  }
0x41d: {  	[sflag:s13] =	ssyncset.done $0x0  }
0x41e: {  	[sflag:s13] =	ssyncadd.s32 $0xFFFFFFF0  }
0x41f: {  	_ =	swait.ge [sflag:s13], $0x10  }
0x420: {  	[sflag:s13] =	ssyncset.done $0x0  }
0x421: {  	[sflag:s13] =	ssyncadd.s32 $0xFFFFFFF0  }
0x422: {  	_ =	swait.ge [sflag:s13], $0x10  }
0x423: {  	[sflag:s13] =	ssyncset.done $0x0  }
0x424: {  	[sflag:s13] =	ssyncadd.s32 $0xFFFFFFF0  }
0x425: {  	_ =	swait.ge [sflag:s13], $0x10  }
0x426: {  	[sflag:s13] =	ssyncset.done $0x0  }
0x427: {  	[sflag:s13] =	ssyncadd.s32 $0xFFFFFFF0  }
0x428: {  	_ =	swait.ge [sflag:s13], $0x10  }
0x429: {  	[sflag:s13] =	ssyncset.done $0x0  }
0x42a: {  	[sflag:s13] =	ssyncadd.s32 $0xFFFFFFF0  }
0x42b: {  	_ =	swait.ge [sflag:s13], $0x10  }
0x42c: {  	[sflag:s13] =	ssyncset.done $0x0  }
0x42d: {  	[sflag:s13] =	ssyncadd.s32 $0xFFFFFFF0  }
0x42e: {  	_ =	swait.ge [sflag:s13], $0x10  }
0x42f: {  	[sflag:s13] =	ssyncset.done $0x0  }
0x430: {  	[sflag:s13] =	ssyncadd.s32 $0xFFFFFFF0  }
0x431: {  	_ =	swait.ge [sflag:s13], $0x10  }
0x432: {  	[sflag:s13] =	ssyncset.done $0x0  }
0x433: {  	[sflag:s13] =	ssyncadd.s32 $0xFFFFFFF0  }
0x434: {  	_ =	swait.ge [sflag:s13], $0x10  }
0x435: {  	[sflag:s13] =	ssyncset.done $0x0  }
0x436: {  	[sflag:s13] =	ssyncadd.s32 $0xFFFFFFF0  }
0x437: {  	_ =	swait.ge [sflag:s13], $0x10  }
0x438: {  	[sflag:s13] =	ssyncset.done $0x0  }
0x439: {  	[sflag:s13] =	ssyncadd.s32 $0xFFFFFFF0  }
0x43a: {  	_ =	swait.ge [sflag:s13], $0x10  }
0x43b: {  	[sflag:s13] =	ssyncset.done $0x0  }
0x43c: {  	[sflag:s13] =	ssyncadd.s32 $0xFFFFFFF0  }
0x43d: {  	_ =	swait.ge [sflag:s13], $0x10  }
0x43e: {  	[sflag:s13] =	ssyncset.done $0x0  }
0x43f: {  	[sflag:s13] =	ssyncadd.s32 $0xFFFFFFF0  }
0x440: {  	_ =	swait.ge [sflag:s13], $0x10  }
0x441: {  	[sflag:s13] =	ssyncset.done $0x0  }
0x442: {  	[sflag:s13] =	ssyncadd.s32 $0xFFFFFFF0  }
0x443: {  	_ =	swait.ge [sflag:s13], $0x10  }
0x444: {  	[sflag:s13] =	ssyncset.done $0x0  }
0x445: {  	[sflag:s13] =	ssyncadd.s32 $0xFFFFFFF0  }
0x446: {  	_ =	swait.ge [sflag:s13], $0x10  }
0x447: {  	[sflag:s13] =	ssyncset.done $0x0  }
0x448: {  	[sflag:s13] =	ssyncadd.s32 $0xFFFFFFF0  }
0x449: {  	_ =	swait.ge [sflag:s13], $0x10  }
0x44a: {  	[sflag:s13] =	ssyncset.done $0x0  }
0x44b: {  	[sflag:s13] =	ssyncadd.s32 $0xFFFFFFF0  }
0x44c: {  	_ =	swait.ge [sflag:s13], $0x10  }
0x44d: {  	[sflag:s13] =	ssyncset.done $0x0  }
0x44e: {  	[sflag:s13] =	ssyncadd.s32 $0xFFFFFFF0  }
0x44f: {  	_ =	swait.ge [sflag:s13], $0x10  }
0x450: {  	[sflag:s13] =	ssyncset.done $0x0  }
0x451: {  	[sflag:s13] =	ssyncadd.s32 $0xFFFFFFF0  }
0x452: {  	_ =	swait.ge [sflag:s13], $0x10  }
0x453: {  	[sflag:s13] =	ssyncset.done $0x0  }
0x454: {  	[sflag:s13] =	ssyncadd.s32 $0xFFFFFFF0  }
0x455: {  	_ =	swait.ge [sflag:s13], $0x10  }
0x456: {  	[sflag:s13] =	ssyncset.done $0x0  }
0x457: {  	[sflag:s13] =	ssyncadd.s32 $0xFFFFFFF0  }
0x458: {  	_ =	swait.ge [sflag:s13], $0x10  }
0x459: {  	[sflag:s13] =	ssyncset.done $0x0  }
0x45a: {  	[sflag:s13] =	ssyncadd.s32 $0xFFFFFFF0  }
0x45b: {  	_ =	swait.ge [sflag:s13], $0x10  }
0x45c: {  	[sflag:s13] =	ssyncset.done $0x0  }
0x45d: {  	[sflag:s13] =	ssyncadd.s32 $0xFFFFFFF0  }
0x45e: {  	_ =	swait.ge [sflag:s13], $0x10  }
0x45f: {  	[sflag:s13] =	ssyncset.done $0x0  }
0x460: {  	[sflag:s13] =	ssyncadd.s32 $0xFFFFFFF0  }
0x461: {  	_ =	swait.ge [sflag:s13], $0x10  }
0x462: {  	[sflag:s13] =	ssyncset.done $0x0  }
0x463: {  	[sflag:s13] =	ssyncadd.s32 $0xFFFFFFF0  }
0x464: {  	_ =	swait.ge [sflag:s13], $0x10  }
0x465: {  	[sflag:s13] =	ssyncset.done $0x0  }
0x466: {  	[sflag:s13] =	ssyncadd.s32 $0xFFFFFFF0  }
0x467: {  	_ =	swait.ge [sflag:s13], $0x10  }
0x468: {  	[sflag:s13] =	ssyncset.done $0x0  }
0x469: {  	[sflag:s13] =	ssyncadd.s32 $0xFFFFFFF0  }
0x46a: {  	_ =	swait.ge [sflag:s13], $0x10  }
0x46b: {  	[sflag:s13] =	ssyncset.done $0x0  }
0x46c: {  	[sflag:s13] =	ssyncadd.s32 $0xFFFFFFF0  }
0x46d: {  	_ =	swait.ge [sflag:s13], $0x10  }
0x46e: {  	[sflag:s13] =	ssyncset.done $0x0  }
0x46f: {  	[sflag:s13] =	ssyncadd.s32 $0xFFFFFFF0  }
0x470: {  	_ =	swait.ge [sflag:s13], $0x10  }
0x471: {  	[sflag:s13] =	ssyncset.done $0x0  }
0x472: {  	[sflag:s13] =	ssyncadd.s32 $0xFFFFFFF0  }
0x473: {  	_ =	swait.ge [sflag:s13], $0x10  }
0x474: {  	[sflag:s13] =	ssyncset.done $0x0  }
0x475: {  	[sflag:s13] =	ssyncadd.s32 $0xFFFFFFF0  }
0x476: {  	_ =	swait.ge [sflag:s13], $0x10  }
0x477: {  	[sflag:s13] =	ssyncset.done $0x0  }
0x478: {  	[sflag:s13] =	ssyncadd.s32 $0xFFFFFFF0  }
0x479: {  	_ =	swait.ge [sflag:s13], $0x10  }
0x47a: {  	[sflag:s13] =	ssyncset.done $0x0  }
0x47b: {  	[sflag:s13] =	ssyncadd.s32 $0xFFFFFFF0  }
0x47c: {  	_ =	swait.ge [sflag:s13], $0x10  }
0x47d: {  	[sflag:s13] =	ssyncset.done $0x0  }
0x47e: {  	[sflag:s13] =	ssyncadd.s32 $0xFFFFFFF0  }
0x47f: {  	_ =	swait.ge [sflag:s13], $0x10  }
0x480: {  	[sflag:s13] =	ssyncset.done $0x0  }
0x481: {  	[sflag:s13] =	ssyncadd.s32 $0xFFFFFFF0  }
0x482: {  	_ =	swait.ge [sflag:s13], $0x10  }
0x483: {  	[sflag:s13] =	ssyncset.done $0x0  }
0x484: {  	[sflag:s13] =	ssyncadd.s32 $0xFFFFFFF0  }
0x485: {  	_ =	swait.ge [sflag:s13], $0x10  }
0x486: {  	[sflag:s13] =	ssyncset.done $0x0  }
0x487: {  	[sflag:s13] =	ssyncadd.s32 $0xFFFFFFF0  }
0x488: {  	_ =	swait.ge [sflag:s13], $0x10  }
0x489: {  	[sflag:s13] =	ssyncset.done $0x0  }
0x48a: {  	[sflag:s13] =	ssyncadd.s32 $0xFFFFFFF0  }
0x48b: {  	_ =	swait.ge [sflag:s13], $0x10  }
0x48c: {  	[sflag:s13] =	ssyncset.done $0x0  }
0x48d: {  	[sflag:s13] =	ssyncadd.s32 $0xFFFFFFF0  }
0x48e: {  	_ =	swait.ge [sflag:s13], $0x10  }
0x48f: {  	[sflag:s13] =	ssyncset.done $0x0  }
0x490: {  	[sflag:s13] =	ssyncadd.s32 $0xFFFFFFF0  }
0x491: {  	_ =	swait.ge [sflag:s13], $0x10  }
0x492: {  	[sflag:s13] =	ssyncset.done $0x0  }
0x493: {  	[sflag:s13] =	ssyncadd.s32 $0xFFFFFFF0  }
0x494: {  	_ =	swait.ge [sflag:s13], $0x10  }
0x495: {  	[sflag:s13] =	ssyncset.done $0x0  }
0x496: {  	[sflag:s13] =	ssyncadd.s32 $0xFFFFFFF0  }
0x497: {  	_ =	swait.ge [sflag:s13], $0x10  }
0x498: {  	[sflag:s13] =	ssyncset.done $0x0  }
0x499: {  	[sflag:s13] =	ssyncadd.s32 $0xFFFFFFF0  }
0x49a: {  	_ =	swait.ge [sflag:s13], $0x10  }
0x49b: {  	[sflag:s13] =	ssyncset.done $0x0  }
0x49c: {  	[sflag:s13] =	ssyncadd.s32 $0xFFFFFFF0  }
0x49d: {  	_ =	swait.ge [sflag:s13], $0x10  }
0x49e: {  	[sflag:s13] =	ssyncset.done $0x0  }
0x49f: {  	[sflag:s13] =	ssyncadd.s32 $0xFFFFFFF0  }
0x4a0: {  	_ =	swait.ge [sflag:s13], $0x10  }
0x4a1: {  	[sflag:s13] =	ssyncset.done $0x0  }
0x4a2: {  	[sflag:s13] =	ssyncadd.s32 $0xFFFFFFF0  }
0x4a3: {  	_ =	swait.ge [sflag:s13], $0x10  }
0x4a4: {  	[sflag:s13] =	ssyncset.done $0x0  }
0x4a5: {  	[sflag:s13] =	ssyncadd.s32 $0xFFFFFFF0  }
0x4a6: {  	_ =	swait.ge [sflag:s13], $0x10  }
0x4a7: {  	[sflag:s13] =	ssyncset.done $0x0  }
0x4a8: {  	[sflag:s13] =	ssyncadd.s32 $0xFFFFFFF0  }
0x4a9: {  	_ =	swait.ge [sflag:s13], $0x10  }
0x4aa: {  	[sflag:s13] =	ssyncset.done $0x0  }
0x4ab: {  	[sflag:s13] =	ssyncadd.s32 $0xFFFFFFF0  }
0x4ac: {  	_ =	swait.ge [sflag:s13], $0x10  }
0x4ad: {  	[sflag:s13] =	ssyncset.done $0x0  }
0x4ae: {  	[sflag:s13] =	ssyncadd.s32 $0xFFFFFFF0  }
0x4af: {  	_ =	swait.ge [sflag:s13], $0x10  }
0x4b0: {  	[sflag:s13] =	ssyncset.done $0x0  }
0x4b1: {  	[sflag:s13] =	ssyncadd.s32 $0xFFFFFFF0  }
0x4b2: {  	_ =	swait.ge [sflag:s13], $0x10  }
0x4b3: {  	[sflag:s13] =	ssyncset.done $0x0  }
0x4b4: {  	[sflag:s13] =	ssyncadd.s32 $0xFFFFFFF0  }
0x4b5: {  	_ =	swait.ge [sflag:s13], $0x10  }
0x4b6: {  	[sflag:s13] =	ssyncset.done $0x0  }
0x4b7: {  	[sflag:s13] =	ssyncadd.s32 $0xFFFFFFF0  }
0x4b8: {  	_ =	swait.ge [sflag:s13], $0x10  }
0x4b9: {  	[sflag:s13] =	ssyncset.done $0x0  }
0x4ba: {  	[sflag:s13] =	ssyncadd.s32 $0xFFFFFFF0  }
0x4bb: {  	_ =	swait.ge [sflag:s13], $0x10  }
0x4bc: {  	[sflag:s13] =	ssyncset.done $0x0  }
0x4bd: {  	[sflag:s13] =	ssyncadd.s32 $0xFFFFFFF0  }
0x4be: {  	_ =	swait.ge [sflag:s13], $0x10  }
0x4bf: {  	[sflag:s13] =	ssyncset.done $0x0  }
0x4c0: {  	[sflag:s13] =	ssyncadd.s32 $0xFFFFFFF0  }
0x4c1: {  	_ =	swait.ge [sflag:s13], $0x10  }
0x4c2: {  	[sflag:s13] =	ssyncset.done $0x0  }
0x4c3: {  	[sflag:s13] =	ssyncadd.s32 $0xFFFFFFF0  }
0x4c4: {  	_ =	swait.ge [sflag:s13], $0x10  }
0x4c5: {  	[sflag:s13] =	ssyncset.done $0x0  }
0x4c6: {  	[sflag:s13] =	ssyncadd.s32 $0xFFFFFFF0  }
0x4c7: {  	_ =	swait.ge [sflag:s13], $0x10  }
0x4c8: {  	[sflag:s13] =	ssyncset.done $0x0  }
0x4c9: {  	[sflag:s13] =	ssyncadd.s32 $0xFFFFFFF0  }
0x4ca: {  	_ =	swait.ge [sflag:s13], $0x10  }
0x4cb: {  	[sflag:s13] =	ssyncset.done $0x0  }
0x4cc: {  	[sflag:s13] =	ssyncadd.s32 $0xFFFFFFF0  }
0x4cd: {  	_ =	swait.ge [sflag:s13], $0x10  }
0x4ce: {  	[sflag:s13] =	ssyncset.done $0x0  }
0x4cf: {  	[sflag:s13] =	ssyncadd.s32 $0xFFFFFFF0  }
0x4d0: {  	_ =	swait.ge [sflag:s13], $0x10  }
0x4d1: {  	[sflag:s13] =	ssyncset.done $0x0  }
0x4d2: {  	[sflag:s13] =	ssyncadd.s32 $0xFFFFFFF0  }
0x4d3: {  	_ =	swait.ge [sflag:s13], $0x10  }
0x4d4: {  	[sflag:s13] =	ssyncset.done $0x0  }
0x4d5: {  	[sflag:s13] =	ssyncadd.s32 $0xFFFFFFF0  }
0x4d6: {  	_ =	swait.ge [sflag:s13], $0x10  }
0x4d7: {  	[sflag:s13] =	ssyncset.done $0x0  }
0x4d8: {  	[sflag:s13] =	ssyncadd.s32 $0xFFFFFFF0  }
0x4d9: {  	_ =	swait.ge [sflag:s13], $0x10  }
0x4da: {  	[sflag:s13] =	ssyncset.done $0x0  }
0x4db: {  	[sflag:s13] =	ssyncadd.s32 $0xFFFFFFF0  }
0x4dc: {  	_ =	swait.ge [sflag:s13], $0x10  }
0x4dd: {  	[sflag:s13] =	ssyncset.done $0x0  }
0x4de: {  	[sflag:s13] =	ssyncadd.s32 $0xFFFFFFF0  }
0x4df: {  	_ =	swait.ge [sflag:s13], $0x10  }
0x4e0: {  	[sflag:s13] =	ssyncset.done $0x0  }
0x4e1: {  	[sflag:s13] =	ssyncadd.s32 $0xFFFFFFF0  }
0x4e2: {  	_ =	swait.ge [sflag:s13], $0x10  }
0x4e3: {  	[sflag:s13] =	ssyncset.done $0x0  }
0x4e4: {  	[sflag:s13] =	ssyncadd.s32 $0xFFFFFFF0  }
0x4e5: {  	_ =	swait.ge [sflag:s13], $0x10  }
0x4e6: {  	[sflag:s13] =	ssyncset.done $0x0  }
0x4e7: {  	[sflag:s13] =	ssyncadd.s32 $0xFFFFFFF0  }
0x4e8: {  	_ =	swait.ge [sflag:s13], $0x10  }
0x4e9: {  	[sflag:s13] =	ssyncset.done $0x0  }
0x4ea: {  	[sflag:s13] =	ssyncadd.s32 $0xFFFFFFF0  }
0x4eb: {  	_ =	swait.ge [sflag:s13], $0x10  }
0x4ec: {  	[sflag:s13] =	ssyncset.done $0x0  }
0x4ed: {  	[sflag:s13] =	ssyncadd.s32 $0xFFFFFFF0  }
0x4ee: {  	_ =	swait.ge [sflag:s13], $0x10  }
0x4ef: {  	[sflag:s13] =	ssyncset.done $0x0  }
0x4f0: {  	[sflag:s13] =	ssyncadd.s32 $0xFFFFFFF0  }
0x4f1: {  	_ =	swait.ge [sflag:s13], $0x10  }
0x4f2: {  	[sflag:s13] =	ssyncset.done $0x0  }
0x4f3: {  	[sflag:s13] =	ssyncadd.s32 $0xFFFFFFF0  }
0x4f4: {  	_ =	swait.ge [sflag:s13], $0x10  }
0x4f5: {  	[sflag:s13] =	ssyncset.done $0x0  }
0x4f6: {  	[sflag:s13] =	ssyncadd.s32 $0xFFFFFFF0  }
0x4f7: {  	_ =	swait.ge [sflag:s13], $0x10  }
0x4f8: {  	[sflag:s13] =	ssyncset.done $0x0  }
0x4f9: {  	[sflag:s13] =	ssyncadd.s32 $0xFFFFFFF0  }
0x4fa: {  	_ =	swait.ge [sflag:s13], $0x10  }
0x4fb: {  	[sflag:s13] =	ssyncset.done $0x0  }
0x4fc: {  	[sflag:s13] =	ssyncadd.s32 $0xFFFFFFF0  }
0x4fd: {  	_ =	swait.ge [sflag:s13], $0x10  }
0x4fe: {  	[sflag:s13] =	ssyncset.done $0x0  }
0x4ff: {  	[sflag:s13] =	ssyncadd.s32 $0xFFFFFFF0  }
0x500: {  	_ =	swait.ge [sflag:s13], $0x10  }
0x501: {  	[sflag:s13] =	ssyncset.done $0x0  }
0x502: {  	[sflag:s13] =	ssyncadd.s32 $0xFFFFFFF0  }
0x503: {  	_ =	swait.ge [sflag:s13], $0x10  }
0x504: {  	[sflag:s13] =	ssyncset.done $0x0  }
0x505: {  	[sflag:s13] =	ssyncadd.s32 $0xFFFFFFF0  }
0x506: {  	_ =	swait.ge [sflag:s13], $0x10  }
0x507: {  	[sflag:s13] =	ssyncset.done $0x0  }
0x508: {  	[sflag:s13] =	ssyncadd.s32 $0xFFFFFFF0  }
0x509: {  	_ =	swait.ge [sflag:s13], $0x10  }
0x50a: {  	[sflag:s13] =	ssyncset.done $0x0  }
0x50b: {  	[sflag:s13] =	ssyncadd.s32 $0xFFFFFFF0  }
0x50c: {  	_ =	swait.ge [sflag:s13], $0x10  }
0x50d: {  	[sflag:s13] =	ssyncset.done $0x0  }
0x50e: {  	[sflag:s13] =	ssyncadd.s32 $0xFFFFFFF0  }
0x50f: {  	_ =	swait.ge [sflag:s13], $0x10  }
0x510: {  	[sflag:s13] =	ssyncset.done $0x0  }
0x511: {  	[sflag:s13] =	ssyncadd.s32 $0xFFFFFFF0  }
0x512: {  	_ =	swait.ge [sflag:s13], $0x10  }
0x513: {  	[sflag:s13] =	ssyncset.done $0x0  }
0x514: {  	[sflag:s13] =	ssyncadd.s32 $0xFFFFFFF0  }
0x515: {  	_ =	swait.ge [sflag:s13], $0x10  }
0x516: {  	[sflag:s13] =	ssyncset.done $0x0  }
0x517: {  	[sflag:s13] =	ssyncadd.s32 $0xFFFFFFF0  }
0x518: {  	_ =	swait.ge [sflag:s13], $0x10  }
0x519: {  	[sflag:s13] =	ssyncset.done $0x0  }
0x51a: {  	[sflag:s13] =	ssyncadd.s32 $0xFFFFFFF0  }
0x51b: {  	_ =	swait.ge [sflag:s13], $0x10  }
0x51c: {  	[sflag:s13] =	ssyncset.done $0x0  }
0x51d: {  	[sflag:s13] =	ssyncadd.s32 $0xFFFFFFF0  }
0x51e: {  	_ =	swait.ge [sflag:s13], $0x10  }
0x51f: {  	[sflag:s13] =	ssyncset.done $0x0  }
0x520: {  	[sflag:s13] =	ssyncadd.s32 $0xFFFFFFF0  }
0x521: {  	_ =	swait.ge [sflag:s13], $0x10  }
0x522: {  	[sflag:s13] =	ssyncset.done $0x0  }
0x523: {  	[sflag:s13] =	ssyncadd.s32 $0xFFFFFFF0  }
0x524: {  	_ =	swait.ge [sflag:s13], $0x10  }
0x525: {  	[sflag:s13] =	ssyncset.done $0x0  }
0x526: {  	[sflag:s13] =	ssyncadd.s32 $0xFFFFFFF0  }
0x527: {  	_ =	swait.ge [sflag:s13], $0x10  }
0x528: {  	[sflag:s13] =	ssyncset.done $0x0  }
0x529: {  	[sflag:s13] =	ssyncadd.s32 $0xFFFFFFF0  }
0x52a: {  	_ =	swait.ge [sflag:s13], $0x10  }
0x52b: {  	[sflag:s13] =	ssyncset.done $0x0  }
0x52c: {  	[sflag:s13] =	ssyncadd.s32 $0xFFFFFFF0  }
0x52d: {  	_ =	swait.ge [sflag:s13], $0x10  }
0x52e: {  	[sflag:s13] =	ssyncset.done $0x0  }
0x52f: {  	[sflag:s13] =	ssyncadd.s32 $0xFFFFFFF0  }
0x530: {  	_ =	swait.ge [sflag:s13], $0x10  }
0x531: {  	[sflag:s13] =	ssyncset.done $0x0  }
0x532: {  	[sflag:s13] =	ssyncadd.s32 $0xFFFFFFF0  }
0x533: {  	_ =	swait.ge [sflag:s13], $0x10  }
0x534: {  	[sflag:s13] =	ssyncset.done $0x0  }
0x535: {  	[sflag:s13] =	ssyncadd.s32 $0xFFFFFFF0  }
0x536: {  	_ =	swait.ge [sflag:s13], $0x10  }
0x537: {  	[sflag:s13] =	ssyncset.done $0x0  }
0x538: {  	[sflag:s13] =	ssyncadd.s32 $0xFFFFFFF0  }
0x539: {  	_ =	swait.ge [sflag:s13], $0x10  }
0x53a: {  	[sflag:s13] =	ssyncset.done $0x0  }
0x53b: {  	[sflag:s13] =	ssyncadd.s32 $0xFFFFFFF0  }
0x53c: {  	_ =	swait.ge [sflag:s13], $0x10  }
0x53d: {  	[sflag:s13] =	ssyncset.done $0x0  }
0x53e: {  	[sflag:s13] =	ssyncadd.s32 $0xFFFFFFF0  }
0x53f: {  	_ =	swait.ge [sflag:s13], $0x10  }
0x540: {  	[sflag:s13] =	ssyncset.done $0x0  }
0x541: {  	[sflag:s13] =	ssyncadd.s32 $0xFFFFFFF0  }
0x542: {  	_ =	swait.ge [sflag:s13], $0x10  }
0x543: {  	[sflag:s13] =	ssyncset.done $0x0  }
0x544: {  	[sflag:s13] =	ssyncadd.s32 $0xFFFFFFF0  }
0x545: {  	_ =	swait.ge [sflag:s13], $0x10  }
0x546: {  	[sflag:s13] =	ssyncset.done $0x0  }
0x547: {  	[sflag:s13] =	ssyncadd.s32 $0xFFFFFFF0  }
0x548: {  	_ =	swait.ge [sflag:s13], $0x10  }
0x549: {  	[sflag:s13] =	ssyncset.done $0x0  }
0x54a: {  	[sflag:s13] =	ssyncadd.s32 $0xFFFFFFF0  }
0x54b: {  	_ =	swait.ge [sflag:s13], $0x10  }
0x54c: {  	[sflag:s13] =	ssyncset.done $0x0  }
0x54d: {  	[sflag:s13] =	ssyncadd.s32 $0xFFFFFFF0  }
0x54e: {  	_ =	swait.ge [sflag:s13], $0x10  }
0x54f: {  	[sflag:s13] =	ssyncset.done $0x0  }
0x550: {  	[sflag:s13] =	ssyncadd.s32 $0xFFFFFFF0  }
0x551: {  	_ =	swait.ge [sflag:s13], $0x10  }
0x552: {  	[sflag:s13] =	ssyncset.done $0x0  }
0x553: {  	[sflag:s13] =	ssyncadd.s32 $0xFFFFFFF0  }
0x554: {  	_ =	swait.ge [sflag:s13], $0x10  }
0x555: {  	[sflag:s13] =	ssyncset.done $0x0  }
0x556: {  	[sflag:s13] =	ssyncadd.s32 $0xFFFFFFF0  }
0x557: {  	_ =	swait.ge [sflag:s13], $0x10  }
0x558: {  	[sflag:s13] =	ssyncset.done $0x0  }
0x559: {  	[sflag:s13] =	ssyncadd.s32 $0xFFFFFFF0  }
0x55a: {  	_ =	swait.ge [sflag:s13], $0x10  }
0x55b: {  	[sflag:s13] =	ssyncset.done $0x0  }
0x55c: {  	[sflag:s13] =	ssyncadd.s32 $0xFFFFFFF0  }
0x55d: {  	_ =	swait.ge [sflag:s13], $0x10  }
0x55e: {  	[sflag:s13] =	ssyncset.done $0x0  }
0x55f: {  	[sflag:s13] =	ssyncadd.s32 $0xFFFFFFF0  }
0x560: {  	_ =	swait.ge [sflag:s13], $0x10  }
0x561: {  	[sflag:s13] =	ssyncset.done $0x0  }
0x562: {  	[sflag:s13] =	ssyncadd.s32 $0xFFFFFFF0  }
0x563: {  	_ =	swait.ge [sflag:s13], $0x10  }
0x564: {  	[sflag:s13] =	ssyncset.done $0x0  }
0x565: {  	[sflag:s13] =	ssyncadd.s32 $0xFFFFFFF0  }
0x566: {  	_ =	swait.ge [sflag:s13], $0x10  }
0x567: {  	[sflag:s13] =	ssyncset.done $0x0  }
0x568: {  	[sflag:s13] =	ssyncadd.s32 $0xFFFFFFF0  }
0x569: {  	_ =	swait.ge [sflag:s13], $0x10  }
0x56a: {  	[sflag:s13] =	ssyncset.done $0x0  }
0x56b: {  	[sflag:s13] =	ssyncadd.s32 $0xFFFFFFF0  }
0x56c: {  	_ =	swait.ge [sflag:s13], $0x10  }
0x56d: {  	[sflag:s13] =	ssyncset.done $0x0  }
0x56e: {  	[sflag:s13] =	ssyncadd.s32 $0xFFFFFFF0  }
0x56f: {  	_ =	swait.ge [sflag:s13], $0x10  }
0x570: {  	[sflag:s13] =	ssyncset.done $0x0  }
0x571: {  	[sflag:s13] =	ssyncadd.s32 $0xFFFFFFF0  }
0x572: {  	_ =	swait.ge [sflag:s13], $0x10  }
0x573: {  	[sflag:s13] =	ssyncset.done $0x0  }
0x574: {  	[sflag:s13] =	ssyncadd.s32 $0xFFFFFFF0  }
0x575: {  	_ =	swait.ge [sflag:s13], $0x10  }
0x576: {  	[sflag:s13] =	ssyncset.done $0x0  }
0x577: {  	[sflag:s13] =	ssyncadd.s32 $0xFFFFFFF0  }
0x578: {  	_ =	swait.ge [sflag:s13], $0x10  }
0x579: {  	[sflag:s13] =	ssyncset.done $0x0  }
0x57a: {  	[sflag:s13] =	ssyncadd.s32 $0xFFFFFFF0  }
0x57b: {  	_ =	swait.ge [sflag:s13], $0x10  }
0x57c: {  	[sflag:s13] =	ssyncset.done $0x0  }
0x57d: {  	[sflag:s13] =	ssyncadd.s32 $0xFFFFFFF0  }
0x57e: {  	_ =	swait.ge [sflag:s13], $0x10  }
0x57f: {  	[sflag:s13] =	ssyncset.done $0x0  }
0x580: {  	[sflag:s13] =	ssyncadd.s32 $0xFFFFFFF0  }
0x581: {  	_ =	swait.ge [sflag:s13], $0x10  }
0x582: {  	[sflag:s13] =	ssyncset.done $0x0  }
0x583: {  	[sflag:s13] =	ssyncadd.s32 $0xFFFFFFF0  }
0x584: {  	_ =	swait.ge [sflag:s13], $0x10  }
0x585: {  	[sflag:s13] =	ssyncset.done $0x0  }
0x586: {  	[sflag:s13] =	ssyncadd.s32 $0xFFFFFFF0  }
0x587: {  	_ =	swait.ge [sflag:s13], $0x10  }
0x588: {  	[sflag:s13] =	ssyncset.done $0x0  }
0x589: {  	[sflag:s13] =	ssyncadd.s32 $0xFFFFFFF0  }
0x58a: {  	_ =	swait.ge [sflag:s13], $0x10  }
0x58b: {  	[sflag:s13] =	ssyncset.done $0x0  }
0x58c: {  	[sflag:s13] =	ssyncadd.s32 $0xFFFFFFF0  }
0x58d: {  	_ =	swait.ge [sflag:s13], $0x10  }
0x58e: {  	[sflag:s13] =	ssyncset.done $0x0  }
0x58f: {  	[sflag:s13] =	ssyncadd.s32 $0xFFFFFFF0  }
0x590: {  	_ =	swait.ge [sflag:s13], $0x10  }
0x591: {  	[sflag:s13] =	ssyncset.done $0x0  }
0x592: {  	[sflag:s13] =	ssyncadd.s32 $0xFFFFFFF0  }
0x593: {  	_ =	swait.ge [sflag:s13], $0x10  }
0x594: {  	[sflag:s13] =	ssyncset.done $0x0  }
0x595: {  	[sflag:s13] =	ssyncadd.s32 $0xFFFFFFF0  }
0x596: {  	_ =	swait.ge [sflag:s13], $0x10  }
0x597: {  	[sflag:s13] =	ssyncset.done $0x0  }
0x598: {  	[sflag:s13] =	ssyncadd.s32 $0xFFFFFFF0  }
0x599: {  	_ =	swait.ge [sflag:s13], $0x10  }
0x59a: {  	[sflag:s13] =	ssyncset.done $0x0  }
0x59b: {  	[sflag:s13] =	ssyncadd.s32 $0xFFFFFFF0  }
0x59c: {  	_ =	swait.ge [sflag:s13], $0x10  }
0x59d: {  	[sflag:s13] =	ssyncset.done $0x0  }
0x59e: {  	[sflag:s13] =	ssyncadd.s32 $0xFFFFFFF0  }
0x59f: {  	_ =	swait.ge [sflag:s13], $0x10  }
0x5a0: {  	[sflag:s13] =	ssyncset.done $0x0  }
0x5a1: {  	[sflag:s13] =	ssyncadd.s32 $0xFFFFFFF0  }
0x5a2: {  	_ =	swait.ge [sflag:s13], $0x10  }
0x5a3: {  	[sflag:s13] =	ssyncset.done $0x0  }
0x5a4: {  	[sflag:s13] =	ssyncadd.s32 $0xFFFFFFF0  }
0x5a5: {  	_ =	swait.ge [sflag:s13], $0x10  }
0x5a6: {  	[sflag:s13] =	ssyncset.done $0x0  }
0x5a7: {  	[sflag:s13] =	ssyncadd.s32 $0xFFFFFFF0  }
0x5a8: {  	_ =	swait.ge [sflag:s13], $0x10  }
0x5a9: {  	[sflag:s13] =	ssyncset.done $0x0  }
0x5aa: {  	[sflag:s13] =	ssyncadd.s32 $0xFFFFFFF0  }
0x5ab: {  	_ =	swait.ge [sflag:s13], $0x10  }
0x5ac: {  	[sflag:s13] =	ssyncset.done $0x0  }
0x5ad: {  	[sflag:s13] =	ssyncadd.s32 $0xFFFFFFF0  }
0x5ae: {  	_ =	swait.ge [sflag:s13], $0x10  }
0x5af: {  	[sflag:s13] =	ssyncset.done $0x0  }
0x5b0: {  	[sflag:s13] =	ssyncadd.s32 $0xFFFFFFF0  }
0x5b1: {  	_ =	swait.ge [sflag:s13], $0x10  }
0x5b2: {  	[sflag:s13] =	ssyncset.done $0x0  }
0x5b3: {  	[sflag:s13] =	ssyncadd.s32 $0xFFFFFFF0  }
0x5b4: {  	_ =	swait.ge [sflag:s13], $0x10  }
0x5b5: {  	[sflag:s13] =	ssyncset.done $0x0  }
0x5b6: {  	[sflag:s13] =	ssyncadd.s32 $0xFFFFFFF0  }
0x5b7: {  	_ =	swait.ge [sflag:s13], $0x10  }
0x5b8: {  	[sflag:s13] =	ssyncset.done $0x0  }
0x5b9: {  	[sflag:s13] =	ssyncadd.s32 $0xFFFFFFF0  }
0x5ba: {  	_ =	swait.ge [sflag:s13], $0x10  }
0x5bb: {  	[sflag:s13] =	ssyncset.done $0x0  }
0x5bc: {  	[sflag:s13] =	ssyncadd.s32 $0xFFFFFFF0  }
0x5bd: {  	_ =	swait.ge [sflag:s13], $0x10  }
0x5be: {  	[sflag:s13] =	ssyncset.done $0x0  }
0x5bf: {  	[sflag:s13] =	ssyncadd.s32 $0xFFFFFFF0  }
0x5c0: {  	_ =	swait.ge [sflag:s13], $0x10  }
0x5c1: {  	[sflag:s13] =	ssyncset.done $0x0  }
0x5c2: {  	[sflag:s13] =	ssyncadd.s32 $0xFFFFFFF0  }
0x5c3: {  	_ =	swait.ge [sflag:s13], $0x10  }
0x5c4: {  	[sflag:s13] =	ssyncset.done $0x0  }
0x5c5: {  	[sflag:s13] =	ssyncadd.s32 $0xFFFFFFF0  }
0x5c6: {  	_ =	swait.ge [sflag:s13], $0x10  }
0x5c7: {  	[sflag:s13] =	ssyncset.done $0x0  }
0x5c8: {  	[sflag:s13] =	ssyncadd.s32 $0xFFFFFFF0  }
0x5c9: {  	_ =	swait.ge [sflag:s13], $0x10  }
0x5ca: {  	[sflag:s13] =	ssyncset.done $0x0  }
0x5cb: {  	[sflag:s13] =	ssyncadd.s32 $0xFFFFFFF0  }
0x5cc: {  	_ =	swait.ge [sflag:s13], $0x10  }
0x5cd: {  	[sflag:s13] =	ssyncset.done $0x0  }
0x5ce: {  	[sflag:s13] =	ssyncadd.s32 $0xFFFFFFF0  }
0x5cf: {  	_ =	swait.ge [sflag:s13], $0x10  }
0x5d0: {  	[sflag:s13] =	ssyncset.done $0x0  }
0x5d1: {  	[sflag:s13] =	ssyncadd.s32 $0xFFFFFFF0  }
0x5d2: {  	_ =	swait.ge [sflag:s13], $0x10  }
0x5d3: {  	[sflag:s13] =	ssyncset.done $0x0  }
0x5d4: {  	[sflag:s13] =	ssyncadd.s32 $0xFFFFFFF0  }
0x5d5: {  	_ =	swait.ge [sflag:s13], $0x10  }
0x5d6: {  	[sflag:s13] =	ssyncset.done $0x0  }
0x5d7: {  	[sflag:s13] =	ssyncadd.s32 $0xFFFFFFF0  }
0x5d8: {  	_ =	swait.ge [sflag:s13], $0x10  }
0x5d9: {  	[sflag:s13] =	ssyncset.done $0x0  }
0x5da: {  	[sflag:s13] =	ssyncadd.s32 $0xFFFFFFF0  }
0x5db: {  	_ =	swait.ge [sflag:s13], $0x10  }
0x5dc: {  	[sflag:s13] =	ssyncset.done $0x0  }
0x5dd: {  	[sflag:s13] =	ssyncadd.s32 $0xFFFFFFF0  }
0x5de: {  	_ =	swait.ge [sflag:s13], $0x10  }
0x5df: {  	[sflag:s13] =	ssyncset.done $0x0  }
0x5e0: {  	[sflag:s13] =	ssyncadd.s32 $0xFFFFFFF0  }
0x5e1: {  	_ =	swait.ge [sflag:s13], $0x10  }
0x5e2: {  	[sflag:s13] =	ssyncset.done $0x0  }
0x5e3: {  	[sflag:s13] =	ssyncadd.s32 $0xFFFFFFF0  }
0x5e4: {  	_ =	swait.ge [sflag:s13], $0x10  }
0x5e5: {  	[sflag:s13] =	ssyncset.done $0x0  }
0x5e6: {  	[sflag:s13] =	ssyncadd.s32 $0xFFFFFFF0  }
0x5e7: {  	_ =	swait.ge [sflag:s13], $0x10  }
0x5e8: {  	[sflag:s13] =	ssyncset.done $0x0  }
0x5e9: {  	[sflag:s13] =	ssyncadd.s32 $0xFFFFFFF0  }
0x5ea: {  	_ =	swait.ge [sflag:s13], $0x10  }
0x5eb: {  	[sflag:s13] =	ssyncset.done $0x0  }
0x5ec: {  	[sflag:s13] =	ssyncadd.s32 $0xFFFFFFF0  }
0x5ed: {  	_ =	swait.ge [sflag:s13], $0x10  }
0x5ee: {  	[sflag:s13] =	ssyncset.done $0x0  }
0x5ef: {  	[sflag:s13] =	ssyncadd.s32 $0xFFFFFFF0  }
0x5f0: {  	_ =	swait.ge [sflag:s13], $0x10  }
0x5f1: {  	[sflag:s13] =	ssyncset.done $0x0  }
0x5f2: {  	[sflag:s13] =	ssyncadd.s32 $0xFFFFFFF0  }
0x5f3: {  	_ =	swait.ge [sflag:s13], $0x10  }
0x5f4: {  	[sflag:s13] =	ssyncset.done $0x0  }
0x5f5: {  	[sflag:s13] =	ssyncadd.s32 $0xFFFFFFF0  }
0x5f6: {  	_ =	swait.ge [sflag:s13], $0x10  }
0x5f7: {  	[sflag:s13] =	ssyncset.done $0x0  }
0x5f8: {  	[sflag:s13] =	ssyncadd.s32 $0xFFFFFFF0  }
0x5f9: {  	_ =	swait.ge [sflag:s13], $0x10  }
0x5fa: {  	[sflag:s13] =	ssyncset.done $0x0  }
0x5fb: {  	[sflag:s13] =	ssyncadd.s32 $0xFFFFFFF0  }
0x5fc: {  	_ =	swait.ge [sflag:s13], $0x10  }
0x5fd: {  	[sflag:s13] =	ssyncset.done $0x0  }
0x5fe: {  	[sflag:s13] =	ssyncadd.s32 $0xFFFFFFF0  }
0x5ff: {  	_ =	swait.ge [sflag:s13], $0x10  }
0x600: {  	[sflag:s13] =	ssyncset.done $0x0  }
0x601: {  	[sflag:s13] =	ssyncadd.s32 $0xFFFFFFF0  }
0x602: {  	_ =	swait.ge [sflag:s13], $0x10  }
0x603: {  	[sflag:s13] =	ssyncset.done $0x0  }
0x604: {  	[sflag:s13] =	ssyncadd.s32 $0xFFFFFFF0  }
0x605: {  	_ =	swait.ge [sflag:s13], $0x10  }
0x606: {  	[sflag:s13] =	ssyncset.done $0x0  }
0x607: {  	[sflag:s13] =	ssyncadd.s32 $0xFFFFFFF0  }
0x608: {  	_ =	swait.ge [sflag:s13], $0x10  }
0x609: {  	[sflag:s13] =	ssyncset.done $0x0  }
0x60a: {  	[sflag:s13] =	ssyncadd.s32 $0xFFFFFFF0  }
0x60b: {  	_ =	swait.ge [sflag:s13], $0x10  }
0x60c: {  	[sflag:s13] =	ssyncset.done $0x0  }
0x60d: {  	[sflag:s13] =	ssyncadd.s32 $0xFFFFFFF0  }
0x60e: {  	_ =	swait.ge [sflag:s13], $0x10  }
0x60f: {  	[sflag:s13] =	ssyncset.done $0x0  }
0x610: {  	[sflag:s13] =	ssyncadd.s32 $0xFFFFFFF0  }
0x611: {  	_ =	swait.ge [sflag:s13], $0x10  }
0x612: {  	[sflag:s13] =	ssyncset.done $0x0  }
0x613: {  	[sflag:s13] =	ssyncadd.s32 $0xFFFFFFF0  }
0x614: {  	_ =	swait.ge [sflag:s13], $0x10  }
0x615: {  	[sflag:s13] =	ssyncset.done $0x0  }
0x616: {  	[sflag:s13] =	ssyncadd.s32 $0xFFFFFFF0  }
0x617: {  	_ =	swait.ge [sflag:s13], $0x10  }
0x618: {  	[sflag:s13] =	ssyncset.done $0x0  }
0x619: {  	[sflag:s13] =	ssyncadd.s32 $0xFFFFFFF0  }
0x61a: {  	_ =	swait.ge [sflag:s13], $0x10  }
0x61b: {  	[sflag:s13] =	ssyncset.done $0x0  }
0x61c: {  	[sflag:s13] =	ssyncadd.s32 $0xFFFFFFF0  }
0x61d: {  	_ =	swait.ge [sflag:s13], $0x10  }
0x61e: {  	[sflag:s13] =	ssyncset.done $0x0  }
0x61f: {  	[sflag:s13] =	ssyncadd.s32 $0xFFFFFFF0  }
0x620: {  	_ =	swait.ge [sflag:s13], $0x10  }
0x621: {  	[sflag:s13] =	ssyncset.done $0x0  }
0x622: {  	[sflag:s13] =	ssyncadd.s32 $0xFFFFFFF0  }
0x623: {  	_ =	swait.ge [sflag:s13], $0x10  }
0x624: {  	[sflag:s13] =	ssyncset.done $0x0  }
0x625: {  	[sflag:s13] =	ssyncadd.s32 $0xFFFFFFF0  }
0x626: {  	_ =	swait.ge [sflag:s13], $0x10  }
0x627: {  	[sflag:s13] =	ssyncset.done $0x0  }
0x628: {  	[sflag:s13] =	ssyncadd.s32 $0xFFFFFFF0  }
0x629: {  	_ =	swait.ge [sflag:s13], $0x10  }
0x62a: {  	[sflag:s13] =	ssyncset.done $0x0  }
0x62b: {  	[sflag:s13] =	ssyncadd.s32 $0xFFFFFFF0  }
0x62c: {  	_ =	swait.ge [sflag:s13], $0x10  }
0x62d: {  	[sflag:s13] =	ssyncset.done $0x0  }
0x62e: {  	[sflag:s13] =	ssyncadd.s32 $0xFFFFFFF0  }
0x62f: {  	_ =	swait.ge [sflag:s13], $0x10  }
0x630: {  	[sflag:s13] =	ssyncset.done $0x0  }
0x631: {  	[sflag:s13] =	ssyncadd.s32 $0xFFFFFFF0  }
0x632: {  	_ =	swait.ge [sflag:s13], $0x10  }
0x633: {  	[sflag:s13] =	ssyncset.done $0x0  }
0x634: {  	[sflag:s13] =	ssyncadd.s32 $0xFFFFFFF0  }
0x635: {  	_ =	swait.ge [sflag:s13], $0x10  }
0x636: {  	[sflag:s13] =	ssyncset.done $0x0  }
0x637: {  	[sflag:s13] =	ssyncadd.s32 $0xFFFFFFF0  }
0x638: {  	_ =	swait.ge [sflag:s13], $0x10  }
0x639: {  	[sflag:s13] =	ssyncset.done $0x0  }
0x63a: {  	[sflag:s13] =	ssyncadd.s32 $0xFFFFFFF0  }
0x63b: {  	_ =	swait.ge [sflag:s13], $0x10  }
0x63c: {  	[sflag:s13] =	ssyncset.done $0x0  }
0x63d: {  	[sflag:s13] =	ssyncadd.s32 $0xFFFFFFF0  }
0x63e: {  	_ =	swait.ge [sflag:s13], $0x10  }
0x63f: {  	[sflag:s13] =	ssyncset.done $0x0  }
0x640: {  	[sflag:s13] =	ssyncadd.s32 $0xFFFFFFF0  }
0x641: {  	_ =	swait.ge [sflag:s13], $0x10  }
0x642: {  	[sflag:s13] =	ssyncset.done $0x0  }
0x643: {  	[sflag:s13] =	ssyncadd.s32 $0xFFFFFFF0  }
0x644: {  	_ =	swait.ge [sflag:s13], $0x10  }
0x645: {  	[sflag:s13] =	ssyncset.done $0x0  }
0x646: {  	[sflag:s13] =	ssyncadd.s32 $0xFFFFFFF0  }
0x647: {  	_ =	swait.ge [sflag:s13], $0x10  }
0x648: {  	[sflag:s13] =	ssyncset.done $0x0  }
0x649: {  	[sflag:s13] =	ssyncadd.s32 $0xFFFFFFF0  }
0x64a: {  	_ =	swait.ge [sflag:s13], $0x10  }
0x64b: {  	[sflag:s13] =	ssyncset.done $0x0  }
0x64c: {  	[sflag:s13] =	ssyncadd.s32 $0xFFFFFFF0  }
0x64d: {  	_ =	swait.ge [sflag:s13], $0x10  }
0x64e: {  	[sflag:s13] =	ssyncset.done $0x0  }
0x64f: {  	[sflag:s13] =	ssyncadd.s32 $0xFFFFFFF0  }
0x650: {  	_ =	swait.ge [sflag:s13], $0x10  }
0x651: {  	[sflag:s13] =	ssyncset.done $0x0  }
0x652: {  	[sflag:s13] =	ssyncadd.s32 $0xFFFFFFF0  }
0x653: {  	_ =	swait.ge [sflag:s13], $0x10  }
0x654: {  	[sflag:s13] =	ssyncset.done $0x0  }
0x655: {  	[sflag:s13] =	ssyncadd.s32 $0xFFFFFFF0  }
0x656: {  	_ =	swait.ge [sflag:s13], $0x10  }
0x657: {  	[sflag:s13] =	ssyncset.done $0x0  }
0x658: {  	[sflag:s13] =	ssyncadd.s32 $0xFFFFFFF0  }
0x659: {  	_ =	swait.ge [sflag:s13], $0x10  }
0x65a: {  	[sflag:s13] =	ssyncset.done $0x0  }
0x65b: {  	[sflag:s13] =	ssyncadd.s32 $0xFFFFFFF0  }
0x65c: {  	_ =	swait.ge [sflag:s13], $0x10  }
0x65d: {  	[sflag:s13] =	ssyncset.done $0x0  }
0x65e: {  	[sflag:s13] =	ssyncadd.s32 $0xFFFFFFF0  }
0x65f: {  	_ =	swait.ge [sflag:s13], $0x10  }
0x660: {  	[sflag:s13] =	ssyncset.done $0x0  }
0x661: {  	[sflag:s13] =	ssyncadd.s32 $0xFFFFFFF0  }
0x662: {  	_ =	swait.ge [sflag:s13], $0x10  }
0x663: {  	[sflag:s13] =	ssyncset.done $0x0  }
0x664: {  	[sflag:s13] =	ssyncadd.s32 $0xFFFFFFF0  }
0x665: {  	_ =	swait.ge [sflag:s13], $0x10  }
0x666: {  	[sflag:s13] =	ssyncset.done $0x0  }
0x667: {  	[sflag:s13] =	ssyncadd.s32 $0xFFFFFFF0  }
0x668: {  	_ =	swait.ge [sflag:s13], $0x10  }
0x669: {  	[sflag:s13] =	ssyncset.done $0x0  }
0x66a: {  	[sflag:s13] =	ssyncadd.s32 $0xFFFFFFF0  }
0x66b: {  	_ =	swait.ge [sflag:s13], $0x10  }
0x66c: {  	[sflag:s13] =	ssyncset.done $0x0  }
0x66d: {  	[sflag:s13] =	ssyncadd.s32 $0xFFFFFFF0  }
0x66e: {  	_ =	swait.ge [sflag:s13], $0x10  }
0x66f: {  	[sflag:s13] =	ssyncset.done $0x0  }
0x670: {  	[sflag:s13] =	ssyncadd.s32 $0xFFFFFFF0  }
0x671: {  	_ =	swait.ge [sflag:s13], $0x10  }
0x672: {  	[sflag:s13] =	ssyncset.done $0x0  }
0x673: {  	[sflag:s13] =	ssyncadd.s32 $0xFFFFFFF0  }
0x674: {  	_ =	swait.ge [sflag:s13], $0x10  }
0x675: {  	[sflag:s13] =	ssyncset.done $0x0  }
0x676: {  	[sflag:s13] =	ssyncadd.s32 $0xFFFFFFF0  }
0x677: {  	_ =	swait.ge [sflag:s13], $0x10  }
0x678: {  	[sflag:s13] =	ssyncset.done $0x0  }
0x679: {  	[sflag:s13] =	ssyncadd.s32 $0xFFFFFFF0  }
0x67a: {  	_ =	swait.ge [sflag:s13], $0x10  }
0x67b: {  	[sflag:s13] =	ssyncset.done $0x0  }
0x67c: {  	[sflag:s13] =	ssyncadd.s32 $0xFFFFFFF0  }
0x67d: {  	_ =	swait.ge [sflag:s13], $0x10  }
0x67e: {  	[sflag:s13] =	ssyncset.done $0x0  }
0x67f: {  	[sflag:s13] =	ssyncadd.s32 $0xFFFFFFF0  }
0x680: {  	_ =	swait.ge [sflag:s13], $0x10  }
0x681: {  	[sflag:s13] =	ssyncset.done $0x0  }
0x682: {  	[sflag:s13] =	ssyncadd.s32 $0xFFFFFFF0  }
0x683: {  	_ =	swait.ge [sflag:s13], $0x10  }
0x684: {  	[sflag:s13] =	ssyncset.done $0x0  }
0x685: {  	[sflag:s13] =	ssyncadd.s32 $0xFFFFFFF0  }
0x686: {  	_ =	swait.ge [sflag:s13], $0x10  }
0x687: {  	[sflag:s13] =	ssyncset.done $0x0  }
0x688: {  	[sflag:s13] =	ssyncadd.s32 $0xFFFFFFF0  }
0x689: {  	_ =	swait.ge [sflag:s13], $0x10  }
0x68a: {  	[sflag:s13] =	ssyncset.done $0x0  }
0x68b: {  	[sflag:s13] =	ssyncadd.s32 $0xFFFFFFF0  }
0x68c: {  	_ =	swait.ge [sflag:s13], $0x10  }
0x68d: {  	[sflag:s13] =	ssyncset.done $0x0  }
0x68e: {  	[sflag:s13] =	ssyncadd.s32 $0xFFFFFFF0  }
0x68f: {  	_ =	swait.ge [sflag:s13], $0x10  }
0x690: {  	[sflag:s13] =	ssyncset.done $0x0  }
0x691: {  	[sflag:s13] =	ssyncadd.s32 $0xFFFFFFF0  }
0x692: {  	_ =	swait.ge [sflag:s13], $0x10  }
0x693: {  	[sflag:s13] =	ssyncset.done $0x0  }
0x694: {  	[sflag:s13] =	ssyncadd.s32 $0xFFFFFFF0  }
0x695: {  	_ =	swait.ge [sflag:s13], $0x10  }
0x696: {  	[sflag:s13] =	ssyncset.done $0x0  }
0x697: {  	[sflag:s13] =	ssyncadd.s32 $0xFFFFFFF0  }
0x698: {  	_ =	swait.ge [sflag:s13], $0x10  }
0x699: {  	[sflag:s13] =	ssyncset.done $0x0  }
0x69a: {  	[sflag:s13] =	ssyncadd.s32 $0xFFFFFFF0  }
0x69b: {  	_ =	swait.ge [sflag:s13], $0x10  }
0x69c: {  	[sflag:s13] =	ssyncset.done $0x0  }
0x69d: {  	[sflag:s13] =	ssyncadd.s32 $0xFFFFFFF0  }
0x69e: {  	_ =	swait.ge [sflag:s13], $0x10  }
0x69f: {  	[sflag:s13] =	ssyncset.done $0x0  }
0x6a0: {  	[sflag:s13] =	ssyncadd.s32 $0xFFFFFFF0  }
0x6a1: {  	_ =	swait.ge [sflag:s13], $0x10  }
0x6a2: {  	[sflag:s13] =	ssyncset.done $0x0  }
0x6a3: {  	[sflag:s13] =	ssyncadd.s32 $0xFFFFFFF0  }
0x6a4: {  	_ =	swait.ge [sflag:s13], $0x10  }
0x6a5: {  	[sflag:s13] =	ssyncset.done $0x0  }
0x6a6: {  	[sflag:s13] =	ssyncadd.s32 $0xFFFFFFF0  }
0x6a7: {  	_ =	swait.ge [sflag:s13], $0x10  }
0x6a8: {  	[sflag:s13] =	ssyncset.done $0x0  }
0x6a9: {  	[sflag:s13] =	ssyncadd.s32 $0xFFFFFFF0  }
0x6aa: {  	_ =	swait.ge [sflag:s13], $0x10  }
0x6ab: {  	[sflag:s13] =	ssyncset.done $0x0  }
0x6ac: {  	[sflag:s13] =	ssyncadd.s32 $0xFFFFFFF0  }
0x6ad: {  	_ =	swait.ge [sflag:s13], $0x10  }
0x6ae: {  	[sflag:s13] =	ssyncset.done $0x0  }
0x6af: {  	[sflag:s13] =	ssyncadd.s32 $0xFFFFFFF0  }
0x6b0: {  	_ =	swait.ge [sflag:s13], $0x10  }
0x6b1: {  	[sflag:s13] =	ssyncset.done $0x0  }
0x6b2: {  	[sflag:s13] =	ssyncadd.s32 $0xFFFFFFF0  }
0x6b3: {  	_ =	swait.ge [sflag:s13], $0x10  }
0x6b4: {  	[sflag:s13] =	ssyncset.done $0x0  }
0x6b5: {  	[sflag:s13] =	ssyncadd.s32 $0xFFFFFFF0  }
0x6b6: {  	_ =	swait.ge [sflag:s13], $0x10  }
0x6b7: {  	[sflag:s13] =	ssyncset.done $0x0  }
0x6b8: {  	[sflag:s13] =	ssyncadd.s32 $0xFFFFFFF0  }
0x6b9: {  	_ =	swait.ge [sflag:s13], $0x10  }
0x6ba: {  	[sflag:s13] =	ssyncset.done $0x0  }
0x6bb: {  	[sflag:s13] =	ssyncadd.s32 $0xFFFFFFF0  }
0x6bc: {  	_ =	swait.ge [sflag:s13], $0x10  }
0x6bd: {  	[sflag:s13] =	ssyncset.done $0x0  }
0x6be: {  	[sflag:s13] =	ssyncadd.s32 $0xFFFFFFF0  }
0x6bf: {  	_ =	swait.ge [sflag:s13], $0x10  }
0x6c0: {  	[sflag:s13] =	ssyncset.done $0x0  }
0x6c1: {  	[sflag:s13] =	ssyncadd.s32 $0xFFFFFFF0  }
0x6c2: {  	_ =	swait.ge [sflag:s13], $0x10  }
0x6c3: {  	[sflag:s13] =	ssyncset.done $0x0  }
0x6c4: {  	[sflag:s13] =	ssyncadd.s32 $0xFFFFFFF0  }
0x6c5: {  	_ =	swait.ge [sflag:s13], $0x10  }
0x6c6: {  	[sflag:s13] =	ssyncset.done $0x0  }
0x6c7: {  	[sflag:s13] =	ssyncadd.s32 $0xFFFFFFF0  }
0x6c8: {  	_ =	swait.ge [sflag:s13], $0x10  }
0x6c9: {  	[sflag:s13] =	ssyncset.done $0x0  }
0x6ca: {  	[sflag:s13] =	ssyncadd.s32 $0xFFFFFFF0  }
0x6cb: {  	_ =	swait.ge [sflag:s13], $0x10  }
0x6cc: {  	[sflag:s13] =	ssyncset.done $0x0  }
0x6cd: {  	[sflag:s13] =	ssyncadd.s32 $0xFFFFFFF0  }
0x6ce: {  	_ =	swait.ge [sflag:s13], $0x10  }
0x6cf: {  	[sflag:s13] =	ssyncset.done $0x0  }
0x6d0: {  	[sflag:s13] =	ssyncadd.s32 $0xFFFFFFF0  }
0x6d1: {  	_ =	swait.ge [sflag:s13], $0x10  }
0x6d2: {  	[sflag:s13] =	ssyncset.done $0x0  }
0x6d3: {  	[sflag:s13] =	ssyncadd.s32 $0xFFFFFFF0  }
0x6d4: {  	_ =	swait.ge [sflag:s13], $0x10  }
0x6d5: {  	[sflag:s13] =	ssyncset.done $0x0  }
0x6d6: {  	[sflag:s13] =	ssyncadd.s32 $0xFFFFFFF0  }
0x6d7: {  	_ =	swait.ge [sflag:s13], $0x10  }
0x6d8: {  	[sflag:s13] =	ssyncset.done $0x0  }
0x6d9: {  	[sflag:s13] =	ssyncadd.s32 $0xFFFFFFF0  }
0x6da: {  	_ =	swait.ge [sflag:s13], $0x10  }
0x6db: {  	[sflag:s13] =	ssyncset.done $0x0  }
0x6dc: {  	[sflag:s13] =	ssyncadd.s32 $0xFFFFFFF0  }
0x6dd: {  	_ =	swait.ge [sflag:s13], $0x10  }
0x6de: {  	[sflag:s13] =	ssyncset.done $0x0  }
0x6df: {  	[sflag:s13] =	ssyncadd.s32 $0xFFFFFFF0  }
0x6e0: {  	_ =	swait.ge [sflag:s13], $0x10  }
0x6e1: {  	[sflag:s13] =	ssyncset.done $0x0  }
0x6e2: {  	[sflag:s13] =	ssyncadd.s32 $0xFFFFFFF0  }
0x6e3: {  	_ =	swait.ge [sflag:s13], $0x10  }
0x6e4: {  	[sflag:s13] =	ssyncset.done $0x0  }
0x6e5: {  	[sflag:s13] =	ssyncadd.s32 $0xFFFFFFF0  }
0x6e6: {  	_ =	swait.ge [sflag:s13], $0x10  }
0x6e7: {  	[sflag:s13] =	ssyncset.done $0x0  }
0x6e8: {  	[sflag:s13] =	ssyncadd.s32 $0xFFFFFFF0  }
0x6e9: {  	_ =	swait.ge [sflag:s13], $0x10  }
0x6ea: {  	[sflag:s13] =	ssyncset.done $0x0  }
0x6eb: {  	[sflag:s13] =	ssyncadd.s32 $0xFFFFFFF0  }
0x6ec: {  	_ =	swait.ge [sflag:s13], $0x10  }
0x6ed: {  	[sflag:s13] =	ssyncset.done $0x0  }
0x6ee: {  	[sflag:s13] =	ssyncadd.s32 $0xFFFFFFF0  }
0x6ef: {  	_ =	swait.ge [sflag:s13], $0x10  }
0x6f0: {  	[sflag:s13] =	ssyncset.done $0x0  }
0x6f1: {  	[sflag:s13] =	ssyncadd.s32 $0xFFFFFFF0  }
0x6f2: {  	_ =	swait.ge [sflag:s13], $0x10  }
0x6f3: {  	[sflag:s13] =	ssyncset.done $0x0  }
0x6f4: {  	[sflag:s13] =	ssyncadd.s32 $0xFFFFFFF0  }
0x6f5: {  	_ =	swait.ge [sflag:s13], $0x10  }
0x6f6: {  	[sflag:s13] =	ssyncset.done $0x0  }
0x6f7: {  	[sflag:s13] =	ssyncadd.s32 $0xFFFFFFF0  }
0x6f8: {  	_ =	swait.ge [sflag:s13], $0x10  }
0x6f9: {  	[sflag:s13] =	ssyncset.done $0x0  }
0x6fa: {  	[sflag:s13] =	ssyncadd.s32 $0xFFFFFFF0  }
0x6fb: {  	_ =	swait.ge [sflag:s13], $0x10  }
0x6fc: {  	[sflag:s13] =	ssyncset.done $0x0  }
0x6fd: {  	[sflag:s13] =	ssyncadd.s32 $0xFFFFFFF0  }
0x6fe: {  	_ =	swait.ge [sflag:s13], $0x10  }
0x6ff: {  	[sflag:s13] =	ssyncset.done $0x0  }
0x700: {  	[sflag:s13] =	ssyncadd.s32 $0xFFFFFFF0  }
0x701: {  	_ =	swait.ge [sflag:s13], $0x10  }
0x702: {  	[sflag:s13] =	ssyncset.done $0x0  }
0x703: {  	[sflag:s13] =	ssyncadd.s32 $0xFFFFFFF0  }
0x704: {  	_ =	swait.ge [sflag:s13], $0x10  }
0x705: {  	[sflag:s13] =	ssyncset.done $0x0  }
0x706: {  	[sflag:s13] =	ssyncadd.s32 $0xFFFFFFF0  }
0x707: {  	_ =	swait.ge [sflag:s13], $0x10  }
0x708: {  	[sflag:s13] =	ssyncset.done $0x0  }
0x709: {  	[sflag:s13] =	ssyncadd.s32 $0xFFFFFFF0  }
0x70a: {  	_ =	swait.ge [sflag:s13], $0x10  }
0x70b: {  	[sflag:s13] =	ssyncset.done $0x0  }
0x70c: {  	[sflag:s13] =	ssyncadd.s32 $0xFFFFFFF0  }
0x70d: {  	_ =	swait.ge [sflag:s13], $0x10  }
0x70e: {  	[sflag:s13] =	ssyncset.done $0x0  }
0x70f: {  	[sflag:s13] =	ssyncadd.s32 $0xFFFFFFF0  }
0x710: {  	_ =	swait.ge [sflag:s13], $0x10  }
0x711: {  	[sflag:s13] =	ssyncset.done $0x0  }
0x712: {  	[sflag:s13] =	ssyncadd.s32 $0xFFFFFFF0  }
0x713: {  	_ =	swait.ge [sflag:s13], $0x10  }
0x714: {  	[sflag:s13] =	ssyncset.done $0x0  }
0x715: {  	[sflag:s13] =	ssyncadd.s32 $0xFFFFFFF0  }
0x716: {  	_ =	swait.ge [sflag:s13], $0x10  }
0x717: {  	[sflag:s13] =	ssyncset.done $0x0  }
0x718: {  	[sflag:s13] =	ssyncadd.s32 $0xFFFFFFF0  }
0x719: {  	_ =	swait.ge [sflag:s13], $0x10  }
0x71a: {  	[sflag:s13] =	ssyncset.done $0x0  }
0x71b: {  	[sflag:s13] =	ssyncadd.s32 $0xFFFFFFF0  }
0x71c: {  	_ =	swait.ge [sflag:s13], $0x10  }
0x71d: {  	[sflag:s13] =	ssyncset.done $0x0  }
0x71e: {  	[sflag:s13] =	ssyncadd.s32 $0xFFFFFFF0  }
0x71f: {  	_ =	swait.ge [sflag:s13], $0x10  }
0x720: {  	[sflag:s13] =	ssyncset.done $0x0  }
0x721: {  	[sflag:s13] =	ssyncadd.s32 $0xFFFFFFF0  }
0x722: {  	_ =	swait.ge [sflag:s13], $0x10  }
0x723: {  	[sflag:s13] =	ssyncset.done $0x0  }
0x724: {  	[sflag:s13] =	ssyncadd.s32 $0xFFFFFFF0  }
0x725: {  	_ =	swait.ge [sflag:s13], $0x10  }
0x726: {  	[sflag:s13] =	ssyncset.done $0x0  }
0x727: {  	[sflag:s13] =	ssyncadd.s32 $0xFFFFFFF0  }
0x728: {  	_ =	swait.ge [sflag:s13], $0x10  }
0x729: {  	[sflag:s13] =	ssyncset.done $0x0  }
0x72a: {  	[sflag:s13] =	ssyncadd.s32 $0xFFFFFFF0  }
0x72b: {  	_ =	swait.ge [sflag:s13], $0x10  }
0x72c: {  	[sflag:s13] =	ssyncset.done $0x0  }
0x72d: {  	[sflag:s13] =	ssyncadd.s32 $0xFFFFFFF0  }
0x72e: {  	_ =	swait.ge [sflag:s13], $0x10  }
0x72f: {  	[sflag:s13] =	ssyncset.done $0x0  }
0x730: {  	[sflag:s13] =	ssyncadd.s32 $0xFFFFFFF0  }
0x731: {  	_ =	swait.ge [sflag:s13], $0x10  }
0x732: {  	[sflag:s13] =	ssyncset.done $0x0  }
0x733: {  	[sflag:s13] =	ssyncadd.s32 $0xFFFFFFF0  }
0x734: {  	_ =	swait.ge [sflag:s13], $0x10  }
0x735: {  	[sflag:s13] =	ssyncset.done $0x0  }
0x736: {  	[sflag:s13] =	ssyncadd.s32 $0xFFFFFFF0  }
0x737: {  	_ =	swait.ge [sflag:s13], $0x10  }
0x738: {  	[sflag:s13] =	ssyncset.done $0x0  }
0x739: {  	[sflag:s13] =	ssyncadd.s32 $0xFFFFFFF0  }
0x73a: {  	_ =	swait.ge [sflag:s13], $0x10  }
0x73b: {  	[sflag:s13] =	ssyncset.done $0x0  }
0x73c: {  	[sflag:s13] =	ssyncadd.s32 $0xFFFFFFF0  }
0x73d: {  	_ =	swait.ge [sflag:s13], $0x10  }
0x73e: {  	[sflag:s13] =	ssyncset.done $0x0  }
0x73f: {  	[sflag:s13] =	ssyncadd.s32 $0xFFFFFFF0  }
0x740: {  	_ =	swait.ge [sflag:s13], $0x10  }
0x741: {  	[sflag:s13] =	ssyncset.done $0x0  }
0x742: {  	[sflag:s13] =	ssyncadd.s32 $0xFFFFFFF0  }
0x743: {  	_ =	swait.ge [sflag:s13], $0x10  }
0x744: {  	[sflag:s13] =	ssyncset.done $0x0  }
0x745: {  	[sflag:s13] =	ssyncadd.s32 $0xFFFFFFF0  }
0x746: {  	_ =	swait.ge [sflag:s13], $0x10  }
0x747: {  	[sflag:s13] =	ssyncset.done $0x0  }
0x748: {  	[sflag:s13] =	ssyncadd.s32 $0xFFFFFFF0  }
0x749: {  	_ =	swait.ge [sflag:s13], $0x10  }
0x74a: {  	[sflag:s13] =	ssyncset.done $0x0  }
0x74b: {  	[sflag:s13] =	ssyncadd.s32 $0xFFFFFFF0  }
0x74c: {  	_ =	swait.ge [sflag:s13], $0x10  }
0x74d: {  	[sflag:s13] =	ssyncset.done $0x0  }
0x74e: {  	[sflag:s13] =	ssyncadd.s32 $0xFFFFFFF0  }
0x74f: {  	_ =	swait.ge [sflag:s13], $0x10  }
0x750: {  	[sflag:s13] =	ssyncset.done $0x0  }
0x751: {  	[sflag:s13] =	ssyncadd.s32 $0xFFFFFFF0  }
0x752: {  	_ =	swait.ge [sflag:s13], $0x10  }
0x753: {  	[sflag:s13] =	ssyncset.done $0x0  }
0x754: {  	[sflag:s13] =	ssyncadd.s32 $0xFFFFFFF0  }
0x755: {  	_ =	swait.ge [sflag:s13], $0x10  }
0x756: {  	[sflag:s13] =	ssyncset.done $0x0  }
0x757: {  	[sflag:s13] =	ssyncadd.s32 $0xFFFFFFF0  }
0x758: {  	_ =	swait.ge [sflag:s13], $0x10  }
0x759: {  	[sflag:s13] =	ssyncset.done $0x0  }
0x75a: {  	[sflag:s13] =	ssyncadd.s32 $0xFFFFFFF0  }
0x75b: {  	_ =	swait.ge [sflag:s13], $0x10  }
0x75c: {  	[sflag:s13] =	ssyncset.done $0x0  }
0x75d: {  	[sflag:s13] =	ssyncadd.s32 $0xFFFFFFF0  }
0x75e: {  	_ =	swait.ge [sflag:s13], $0x10  }
0x75f: {  	[sflag:s13] =	ssyncset.done $0x0  }
0x760: {  	[sflag:s13] =	ssyncadd.s32 $0xFFFFFFF0  }
0x761: {  	_ =	swait.ge [sflag:s13], $0x10  }
0x762: {  	[sflag:s13] =	ssyncset.done $0x0  }
0x763: {  	[sflag:s13] =	ssyncadd.s32 $0xFFFFFFF0  }
0x764: {  	_ =	swait.ge [sflag:s13], $0x10  }
0x765: {  	[sflag:s13] =	ssyncset.done $0x0  }
0x766: {  	[sflag:s13] =	ssyncadd.s32 $0xFFFFFFF0  }
0x767: {  	s14 =	simm.s32 $0x2000;
	v0 =	vld [tilespmem:$0x4370]  }
0x768: {  	v1 =	vld [tilespmem:s14+$0xFFFFFA00]  }
0x769: {  	v2 =	vld [tilespmem:$0x4100]  }
0x76a: {  	v3 =	vld [tilespmem:s14+$0xFFFFFB00]  }
0x76b: {  	v4 =	vld [tilespmem:$0x4110]  }
0x76c: {  	v5 =	vld [tilespmem:s14+$0xFFFFFC00]  }
0x76d: {  	v6 =	vld [tilespmem:$0x4120]  }
0x76e: {  	v7 =	vld [tilespmem:$0x4130];
	v1 =	vmul.f32 v2, v1  }
0x76f: {  	v2 =	vld [tilespmem:s14+$0xFFFFFD00]  }
0x770: {  	v17 =	vld [tilespmem:$0x4140];
	v0 =	vadd.f32 v1, v0;
	v1 =	vmul.f32 v4, v3  }
0x771: {  	v3 =	vld [tilespmem:s14+$0xFFFFFE00]  }
0x772: {  	v18 =	vld [tilespmem:s14+$0xFFFFFF00];
	v0 =	vadd.f32 v1, v0;
	v1 =	vmul.f32 v6, v5  }
0x773: {  	v19 =	vld [tilespmem:$0x4150]  }
0x774: {  	v20 =	vld [tilespmem:$0x4160];
	v0 =	vadd.f32 v1, v0;
	v1 =	vmul.f32 v7, v2  }
0x775: {  	v2 =	vld [tilespmem:s14+$0x0]  }
0x776: {  	v21 =	vld [tilespmem:$0x4170];
	v0 =	vadd.f32 v1, v0;
	v1 =	vmul.f32 v17, v3  }
0x777: {  	v3 =	vld [tilespmem:s14+$0x100]  }
0x778: {  	v22 =	vld [tilespmem:s14+$0x200];
	v0 =	vadd.f32 v1, v0;
	v1 =	vmul.f32 v19, v18  }
0x779: {  	v23 =	vld [tilespmem:$0x4180]  }
0x77a: {  	v24 =	vld [tilespmem:$0x4190];
	v0 =	vadd.f32 v1, v0;
	v1 =	vmul.f32 v20, v2  }
0x77b: {  	v2 =	vld [tilespmem:s14+$0x300]  }
0x77c: {  	v25 =	vld [tilespmem:$0x41A0];
	v0 =	vadd.f32 v1, v0;
	v1 =	vmul.f32 v21, v3  }
0x77d: {  	v3 =	vld [tilespmem:s14+$0x400]  }
0x77e: {  	v26 =	vld [tilespmem:s14+$0x500];
	v0 =	vadd.f32 v1, v0;
	v1 =	vmul.f32 v23, v22  }
0x77f: {  	v27 =	vld [tilespmem:$0x41B0]  }
0x780: {  	v28 =	vld [tilespmem:$0x41C0];
	v0 =	vadd.f32 v1, v0;
	v1 =	vmul.f32 v24, v2  }
0x781: {  	s15 =	simm.s32 $0x0;
	v2 =	vld [tilespmem:s14+$0x600]  }
0x782: {  	s16 =	sand.u32 $0xF0, s15;
	v29 =	vld [tilespmem:$0x41D0];
	v0 =	vadd.f32 v1, v0;
	v1 =	vmul.f32 v25, v3  }
0x783: {  	v3 =	vld [tilespmem:s16+$0x2700]  }
0x784: {  	v30 =	vld [tilespmem:s16+$0x2800];
	v0 =	vadd.f32 v1, v0;
	v1 =	vmul.f32 v27, v26  }
0x785: {  	v31 =	vld [tilespmem:$0x41E0]  }
0x786: {  	v32 =	vld [tilespmem:$0x41F0];
	v0 =	vadd.f32 v1, v0;
	v1 =	vmul.f32 v28, v2  }
0x787: {  	v2 =	vld [tilespmem:s16+$0x2900]  }
0x788: {  	v33 =	vld [tilespmem:$0x4200];
	v0 =	vadd.f32 v1, v0;
	v1 =	vmul.f32 v29, v3  }
0x789: {  	v3 =	vld [tilespmem:s16+$0x2A00]  }
0x78a: {  	v34 =	vld [tilespmem:s16+$0x2B00];
	v0 =	vadd.f32 v1, v0;
	v1 =	vmul.f32 v31, v30  }
0x78b: {  	v35 =	vld [tilespmem:$0x4210]  }
0x78c: {  	v36 =	vld [tilespmem:$0x4220];
	v0 =	vadd.f32 v1, v0;
	v1 =	vmul.f32 v32, v2  }
0x78d: {  	v2 =	vld [tilespmem:s16+$0x2C00]  }
0x78e: {  	v37 =	vld [tilespmem:$0x4230];
	v0 =	vadd.f32 v1, v0;
	v1 =	vmul.f32 v33, v3  }
0x78f: {  	v3 =	vld [tilespmem:s16+$0x2D00]  }
0x790: {  	v38 =	vld [tilespmem:s16+$0x2E00];
	v0 =	vadd.f32 v1, v0;
	v1 =	vmul.f32 v35, v34  }
0x791: {  	v39 =	vld [tilespmem:$0x4240]  }
0x792: {  	v40 =	vld [tilespmem:$0x4250];
	v0 =	vadd.f32 v1, v0;
	v1 =	vmul.f32 v36, v2  }
0x793: {  	v2 =	vld [tilespmem:s16+$0x2F00]  }
0x794: {  	v41 =	vld [tilespmem:$0x4260];
	v0 =	vadd.f32 v1, v0;
	v1 =	vmul.f32 v37, v3  }
0x795: {  	v3 =	vld [tilespmem:s16+$0x3000]  }
0x796: {  	v42 =	vld [tilespmem:s16+$0x3100];
	v0 =	vadd.f32 v1, v0;
	v1 =	vmul.f32 v39, v38  }
0x797: {  	v43 =	vld [tilespmem:$0x4270]  }
0x798: {  	v44 =	vld [tilespmem:$0x4280];
	v0 =	vadd.f32 v1, v0;
	v1 =	vmul.f32 v40, v2  }
0x799: {  	v2 =	vld [tilespmem:s16+$0x3200]  }
0x79a: {  	v45 =	vld [tilespmem:$0x4290];
	v0 =	vadd.f32 v1, v0;
	v1 =	vmul.f32 v41, v3  }
0x79b: {  	s10 =	simm.s32 $0x3A00;
	v3 =	vld [tilespmem:s16+$0x3300]  }
0x79c: {  	v46 =	vld [tilespmem:s10+$0xFFFFFA00];
	v0 =	vadd.f32 v1, v0;
	v1 =	vmul.f32 v43, v42  }
0x79d: {  	v47 =	vld [tilespmem:$0x42A0]  }
0x79e: {  	v48 =	vld [tilespmem:$0x42B0];
	v0 =	vadd.f32 v1, v0;
	v1 =	vmul.f32 v44, v2  }
0x79f: {  	v2 =	vld [tilespmem:s10+$0xFFFFFB00]  }
0x7a0: {  	v49 =	vld [tilespmem:$0x42C0];
	v0 =	vadd.f32 v1, v0;
	v1 =	vmul.f32 v45, v3  }
0x7a1: {  	v3 =	vld [tilespmem:s10+$0xFFFFFC00]  }
0x7a2: {  	v50 =	vld [tilespmem:s10+$0xFFFFFD00];
	v0 =	vadd.f32 v1, v0;
	v1 =	vmul.f32 v47, v46  }
0x7a3: {  	v51 =	vld [tilespmem:$0x42D0]  }
0x7a4: {  	v52 =	vld [tilespmem:$0x42E0];
	v0 =	vadd.f32 v1, v0;
	v1 =	vmul.f32 v48, v2  }
0x7a5: {  	v2 =	vld [tilespmem:s10+$0xFFFFFE00]  }
0x7a6: {  	v53 =	vld [tilespmem:$0x42F0];
	v0 =	vadd.f32 v1, v0;
	v1 =	vmul.f32 v49, v3  }
0x7a7: {  	v3 =	vld [tilespmem:s10+$0xFFFFFF00]  }
0x7a8: {  	v54 =	vld [tilespmem:s10+$0x0];
	v0 =	vadd.f32 v1, v0;
	v1 =	vmul.f32 v51, v50  }
0x7a9: {  	v55 =	vld [tilespmem:$0x4300]  }
0x7aa: {  	v56 =	vld [tilespmem:$0x4310];
	v0 =	vadd.f32 v1, v0;
	v1 =	vmul.f32 v52, v2  }
0x7ab: {  	v2 =	vld [tilespmem:s10+$0x100]  }
0x7ac: {  	v57 =	vld [tilespmem:$0x4320];
	v0 =	vadd.f32 v1, v0;
	v1 =	vmul.f32 v53, v3  }
0x7ad: {  	v3 =	vld [tilespmem:s10+$0x200]  }
0x7ae: {  	v58 =	vld [tilespmem:s10+$0x300];
	v0 =	vadd.f32 v1, v0;
	v1 =	vmul.f32 v55, v54  }
0x7af: {  	v59 =	vld [tilespmem:$0x4330]  }
0x7b0: {  	v60 =	vld [tilespmem:$0x4340];
	v0 =	vadd.f32 v1, v0;
	v1 =	vmul.f32 v56, v2  }
0x7b1: {  	v2 =	vld [tilespmem:s10+$0x400]  }
0x7b2: {  	v61 =	vld [tilespmem:$0x4350];
	v0 =	vadd.f32 v1, v0;
	v1 =	vmul.f32 v57, v3  }
0x7b3: {  	v3 =	vld [tilespmem:s10+$0x500]  }
0x7b4: {  	v62 =	vld [tilespmem:s10+$0x600];
	v0 =	vadd.f32 v1, v0;
	v1 =	vmul.f32 v59, v58  }
0x7b5: {  	v63 =	vld [tilespmem:$0x4360]  }
0x7b6: {  	v0 =	vadd.f32 v1, v0;
	v1 =	vmul.f32 v60, v2;
	_ =	sdelay $0x1  }
0x7b7: {  	v0 =	vadd.f32 v1, v0;
	v1 =	vmul.f32 v61, v3;
	_ =	sdelay $0x1  }
0x7b8: {  	v0 =	vadd.f32 v1, v0;
	v1 =	vmul.f32 v63, v62;
	_ =	sdelay $0x1  }
0x7b9: {  	v0 =	vadd.f32 v1, v0  }
0x7ba: {  	s6 =	simm.s32 $0x4380  }
0x7bb: {  	[tilespmem:s6+$0x0] =	vst v0  }
0x7bc: {  	s9 =	simm.s32 $0x2010;
	v0 =	vld [tilespmem:$0x4370]  }
0x7bd: {  	v1 =	vld [tilespmem:s9+$0xFFFFFA00]  }
0x7be: {  	s12 =	simm.s32 $0x20;
	s0 =	simm.s32 $0x10;
	v2 =	vld [tilespmem:$0x4100]  }
.LBB2_53:
0x7bf: {  	p1 =	sne.s32 s12, $0xF0;
	v3 =	vld [tilespmem:s9+$0xFFFFFB00]  }
0x7c0: {  	v4 =	vld [tilespmem:$0x4110]  }
0x7c1: {  	v5 =	vld [tilespmem:s9+$0xFFFFFC00]  }
0x7c2: {  	v6 =	vld [tilespmem:$0x4120]  }
0x7c3: {  	v1 =	vmul.f32 v2, v1;
	v2 =	vld [tilespmem:s9+$0xFFFFFD00]  }
0x7c4: {  	v7 =	vld [tilespmem:$0x4130]  }
0x7c5: {  	v0 =	vadd.f32 v1, v0;
	v1 =	vmul.f32 v4, v3;
	v3 =	vld [tilespmem:s9+$0xFFFFFE00]  }
0x7c6: {  	v4 =	vld [tilespmem:$0x4140]  }
0x7c7: {  	v0 =	vadd.f32 v1, v0;
	v1 =	vmul.f32 v6, v5;
	v5 =	vld [tilespmem:s9+$0xFFFFFF00]  }
0x7c8: {  	v6 =	vld [tilespmem:$0x4150]  }
0x7c9: {  	v0 =	vadd.f32 v1, v0;
	v1 =	vmul.f32 v7, v2;
	v2 =	vld [tilespmem:s9+$0x0]  }
0x7ca: {  	v7 =	vld [tilespmem:$0x4160]  }
0x7cb: {  	v0 =	vadd.f32 v1, v0;
	v1 =	vmul.f32 v4, v3;
	v3 =	vld [tilespmem:s9+$0x100]  }
0x7cc: {  	v4 =	vld [tilespmem:$0x4170]  }
0x7cd: {  	v0 =	vadd.f32 v1, v0;
	v1 =	vmul.f32 v6, v5;
	v5 =	vld [tilespmem:s9+$0x200]  }
0x7ce: {  	v6 =	vld [tilespmem:$0x4180]  }
0x7cf: {  	v0 =	vadd.f32 v1, v0;
	v1 =	vmul.f32 v7, v2;
	v2 =	vld [tilespmem:s9+$0x300]  }
0x7d0: {  	v7 =	vld [tilespmem:$0x4190]  }
0x7d1: {  	v0 =	vadd.f32 v1, v0;
	v1 =	vmul.f32 v4, v3;
	v3 =	vld [tilespmem:s9+$0x400]  }
0x7d2: {  	v4 =	vld [tilespmem:$0x41A0]  }
0x7d3: {  	v0 =	vadd.f32 v1, v0;
	v1 =	vmul.f32 v6, v5;
	v5 =	vld [tilespmem:s9+$0x500]  }
0x7d4: {  	v6 =	vld [tilespmem:$0x41B0]  }
0x7d5: {  	v0 =	vadd.f32 v1, v0;
	v1 =	vmul.f32 v7, v2;
	v2 =	vld [tilespmem:s9+$0x600]  }
0x7d6: {  	s14 =	sand.u32 $0xF0, s0;
	s0 =	smov.u32 s12;
	v7 =	vld [tilespmem:$0x41C0]  }
0x7d7: {  	v0 =	vadd.f32 v1, v0;
	v1 =	vmul.f32 v4, v3;
	v3 =	vld [tilespmem:s14+$0x2700]  }
0x7d8: {  	v4 =	vld [tilespmem:$0x41D0]  }
0x7d9: {  	v0 =	vadd.f32 v1, v0;
	v1 =	vmul.f32 v6, v5;
	v5 =	vld [tilespmem:s14+$0x2800]  }
0x7da: {  	v6 =	vld [tilespmem:$0x41E0]  }
0x7db: {  	v0 =	vadd.f32 v1, v0;
	v1 =	vmul.f32 v7, v2;
	v2 =	vld [tilespmem:s14+$0x2900]  }
0x7dc: {  	v7 =	vld [tilespmem:$0x41F0]  }
0x7dd: {  	v0 =	vadd.f32 v1, v0;
	v1 =	vmul.f32 v4, v3;
	v3 =	vld [tilespmem:s14+$0x2A00]  }
0x7de: {  	v4 =	vld [tilespmem:$0x4200]  }
0x7df: {  	v0 =	vadd.f32 v1, v0;
	v1 =	vmul.f32 v6, v5;
	v5 =	vld [tilespmem:s14+$0x2B00]  }
0x7e0: {  	v6 =	vld [tilespmem:$0x4210]  }
0x7e1: {  	v0 =	vadd.f32 v1, v0;
	v1 =	vmul.f32 v7, v2;
	v2 =	vld [tilespmem:s14+$0x2C00]  }
0x7e2: {  	v7 =	vld [tilespmem:$0x4220]  }
0x7e3: {  	v0 =	vadd.f32 v1, v0;
	v1 =	vmul.f32 v4, v3;
	v3 =	vld [tilespmem:s14+$0x2D00]  }
0x7e4: {  	v4 =	vld [tilespmem:$0x4230]  }
0x7e5: {  	v0 =	vadd.f32 v1, v0;
	v1 =	vmul.f32 v6, v5;
	v5 =	vld [tilespmem:s14+$0x2E00]  }
0x7e6: {  	v6 =	vld [tilespmem:$0x4240]  }
0x7e7: {  	v0 =	vadd.f32 v1, v0;
	v1 =	vmul.f32 v7, v2;
	v2 =	vld [tilespmem:s14+$0x2F00]  }
0x7e8: {  	v7 =	vld [tilespmem:$0x4250]  }
0x7e9: {  	v0 =	vadd.f32 v1, v0;
	v1 =	vmul.f32 v4, v3;
	v3 =	vld [tilespmem:s14+$0x3000]  }
0x7ea: {  	v4 =	vld [tilespmem:$0x4260]  }
0x7eb: {  	v0 =	vadd.f32 v1, v0;
	v1 =	vmul.f32 v6, v5;
	v5 =	vld [tilespmem:s14+$0x3100]  }
0x7ec: {  	v6 =	vld [tilespmem:$0x4270]  }
0x7ed: {  	v0 =	vadd.f32 v1, v0;
	v1 =	vmul.f32 v7, v2;
	v2 =	vld [tilespmem:s14+$0x3200]  }
0x7ee: {  	v7 =	vld [tilespmem:$0x4280]  }
0x7ef: {  	v0 =	vadd.f32 v1, v0;
	v1 =	vmul.f32 v4, v3;
	v3 =	vld [tilespmem:s14+$0x3300]  }
0x7f0: {  	s10 =	sadd.s32 $0x10, s10;
	v4 =	vld [tilespmem:$0x4290]  }
0x7f1: {  	v0 =	vadd.f32 v1, v0;
	v1 =	vmul.f32 v6, v5;
	v5 =	vld [tilespmem:s10+$0xFFFFFA00]  }
0x7f2: {  	v6 =	vld [tilespmem:$0x42A0]  }
0x7f3: {  	v0 =	vadd.f32 v1, v0;
	v1 =	vmul.f32 v7, v2;
	v2 =	vld [tilespmem:s10+$0xFFFFFB00]  }
0x7f4: {  	v7 =	vld [tilespmem:$0x42B0]  }
0x7f5: {  	v0 =	vadd.f32 v1, v0;
	v1 =	vmul.f32 v4, v3;
	v3 =	vld [tilespmem:s10+$0xFFFFFC00]  }
0x7f6: {  	v4 =	vld [tilespmem:$0x42C0]  }
0x7f7: {  	v0 =	vadd.f32 v1, v0;
	v1 =	vmul.f32 v6, v5;
	v5 =	vld [tilespmem:s10+$0xFFFFFD00]  }
0x7f8: {  	v6 =	vld [tilespmem:$0x42D0]  }
0x7f9: {  	v0 =	vadd.f32 v1, v0;
	v1 =	vmul.f32 v7, v2;
	v2 =	vld [tilespmem:s10+$0xFFFFFE00]  }
0x7fa: {  	v7 =	vld [tilespmem:$0x42E0]  }
0x7fb: {  	v0 =	vadd.f32 v1, v0;
	v1 =	vmul.f32 v4, v3;
	v3 =	vld [tilespmem:s10+$0xFFFFFF00]  }
0x7fc: {  	v4 =	vld [tilespmem:$0x42F0]  }
0x7fd: {  	v0 =	vadd.f32 v1, v0;
	v1 =	vmul.f32 v6, v5;
	v5 =	vld [tilespmem:s10+$0x0]  }
0x7fe: {  	v6 =	vld [tilespmem:$0x4300]  }
0x7ff: {  	v0 =	vadd.f32 v1, v0;
	v1 =	vmul.f32 v7, v2;
	v2 =	vld [tilespmem:s10+$0x100]  }
0x800: {  	v7 =	vld [tilespmem:$0x4310]  }
0x801: {  	v0 =	vadd.f32 v1, v0;
	v1 =	vmul.f32 v4, v3;
	v3 =	vld [tilespmem:s10+$0x200]  }
0x802: {  	v4 =	vld [tilespmem:$0x4320]  }
0x803: {  	v0 =	vadd.f32 v1, v0;
	v1 =	vmul.f32 v6, v5;
	v5 =	vld [tilespmem:s10+$0x300]  }
0x804: {  	v6 =	vld [tilespmem:$0x4330]  }
0x805: {  	v0 =	vadd.f32 v1, v0;
	v1 =	vmul.f32 v7, v2;
	v2 =	vld [tilespmem:s10+$0x400]  }
0x806: {  	v7 =	vld [tilespmem:$0x4340]  }
0x807: {  	v0 =	vadd.f32 v1, v0;
	v1 =	vmul.f32 v4, v3;
	v3 =	vld [tilespmem:s10+$0x500]  }
0x808: {  	v4 =	vld [tilespmem:$0x4350]  }
0x809: {  	v0 =	vadd.f32 v1, v0;
	v1 =	vmul.f32 v6, v5;
	v5 =	vld [tilespmem:s10+$0x600]  }
0x80a: {  	v6 =	vld [tilespmem:$0x4360]  }
0x80b: {  	v0 =	vadd.f32 v1, v0;
	v1 =	vmul.f32 v7, v2;
	_ =	sdelay $0x1  }
0x80c: {  	v0 =	vadd.f32 v1, v0;
	v1 =	vmul.f32 v4, v3;
	_ =	sdelay $0x1  }
0x80d: {  	v0 =	vadd.f32 v1, v0;
	v1 =	vmul.f32 v6, v5;
	_ =	sdelay $0x1  }
0x80e: {  	v0 =	vadd.f32 v1, v0  }
.Ltmp25:
0x80f: {  	s6 =	sadd.s32 $0x10, s6;
	(pc) =	sbr.rel @p1 .LBB2_53-.Ltmp25, $4  }
0x810: {  	[tilespmem:s6+$0x0] =	vst v0  }
0x811: {  	s9 =	sadd.s32 $0x10, s9;
	v0 =	vld [tilespmem:$0x4370]  }
0x812: {  	v1 =	vld [tilespmem:s9+$0xFFFFFA00]  }
0x813: {  	s12 =	sadd.s32 $0x10, s12;
	v2 =	vld [tilespmem:$0x4100]  }
0x814: {  	v3 =	vld [tilespmem:s9+$0xFFFFFB00]  }
0x815: {  	v4 =	vld [tilespmem:$0x4110]  }
0x816: {  	v5 =	vld [tilespmem:s9+$0xFFFFFC00]  }
0x817: {  	v6 =	vld [tilespmem:$0x4120]  }
0x818: {  	v10 =	vld [tilespmem:s9+$0xFFFFFD00];
	v1 =	vmul.f32 v2, v1  }
0x819: {  	v7 =	vld [tilespmem:$0x4130]  }
0x81a: {  	v12 =	vld [tilespmem:s9+$0xFFFFFE00];
	v11 =	vmul.f32 v4, v3;
	v0 =	vadd.f32 v1, v0  }
0x81b: {  	v13 =	vld [tilespmem:$0x4140]  }
0x81c: {  	v15 =	vld [tilespmem:s9+$0xFFFFFF00];
	v14 =	vmul.f32 v6, v5;
	v0 =	vadd.f32 v11, v0  }
0x81d: {  	v16 =	vld [tilespmem:$0x4150]  }
0x81e: {  	v18 =	vld [tilespmem:s9+$0x0];
	v17 =	vmul.f32 v7, v10;
	v0 =	vadd.f32 v14, v0  }
0x81f: {  	v19 =	vld [tilespmem:$0x4160]  }
0x820: {  	v21 =	vld [tilespmem:s9+$0x100];
	v20 =	vmul.f32 v13, v12;
	v0 =	vadd.f32 v17, v0  }
0x821: {  	v22 =	vld [tilespmem:$0x4170]  }
0x822: {  	v24 =	vld [tilespmem:s9+$0x200];
	v23 =	vmul.f32 v16, v15;
	v0 =	vadd.f32 v20, v0  }
0x823: {  	v25 =	vld [tilespmem:$0x4180]  }
0x824: {  	v27 =	vld [tilespmem:s9+$0x300];
	v26 =	vmul.f32 v19, v18;
	v0 =	vadd.f32 v23, v0  }
0x825: {  	v28 =	vld [tilespmem:$0x4190]  }
0x826: {  	v30 =	vld [tilespmem:s9+$0x400];
	v29 =	vmul.f32 v22, v21;
	v0 =	vadd.f32 v26, v0  }
0x827: {  	v31 =	vld [tilespmem:$0x41A0]  }
0x828: {  	v33 =	vld [tilespmem:s9+$0x500];
	v32 =	vmul.f32 v25, v24;
	v0 =	vadd.f32 v29, v0  }
0x829: {  	v34 =	vld [tilespmem:$0x41B0]  }
0x82a: {  	v36 =	vld [tilespmem:s9+$0x600];
	v35 =	vmul.f32 v28, v27;
	v0 =	vadd.f32 v32, v0  }
0x82b: {  	v37 =	vld [tilespmem:$0x41C0]  }
0x82c: {  	s0 =	sand.u32 $0xF0, s0;
	v40 =	vld [tilespmem:$0x41D0];
	v38 =	vmul.f32 v31, v30;
	v0 =	vadd.f32 v35, v0  }
0x82d: {  	v39 =	vld [tilespmem:s0+$0x2700]  }
0x82e: {  	v43 =	vld [tilespmem:$0x41E0];
	v41 =	vmul.f32 v34, v33;
	v0 =	vadd.f32 v38, v0  }
0x82f: {  	v42 =	vld [tilespmem:s0+$0x2800]  }
0x830: {  	v46 =	vld [tilespmem:$0x41F0];
	v44 =	vmul.f32 v37, v36;
	v0 =	vadd.f32 v41, v0  }
0x831: {  	v45 =	vld [tilespmem:s0+$0x2900]  }
0x832: {  	v49 =	vld [tilespmem:$0x4200];
	v47 =	vmul.f32 v40, v39;
	v0 =	vadd.f32 v44, v0  }
0x833: {  	v48 =	vld [tilespmem:s0+$0x2A00]  }
0x834: {  	v52 =	vld [tilespmem:$0x4210];
	v50 =	vmul.f32 v43, v42;
	v0 =	vadd.f32 v47, v0  }
0x835: {  	v51 =	vld [tilespmem:s0+$0x2B00]  }
0x836: {  	v55 =	vld [tilespmem:$0x4220];
	v53 =	vmul.f32 v46, v45;
	v0 =	vadd.f32 v50, v0  }
0x837: {  	v54 =	vld [tilespmem:s0+$0x2C00]  }
0x838: {  	v58 =	vld [tilespmem:$0x4230];
	v56 =	vmul.f32 v49, v48;
	v0 =	vadd.f32 v53, v0  }
0x839: {  	v57 =	vld [tilespmem:s0+$0x2D00]  }
0x83a: {  	v61 =	vld [tilespmem:$0x4240];
	v59 =	vmul.f32 v52, v51;
	v0 =	vadd.f32 v56, v0  }
0x83b: {  	v60 =	vld [tilespmem:s0+$0x2E00]  }
0x83c: {  	v9 =	vld [tilespmem:$0x4250];
	v62 =	vmul.f32 v55, v54;
	v0 =	vadd.f32 v59, v0  }
0x83d: {  	v63 =	vld [tilespmem:s0+$0x2F00]  }
0x83e: {  	v12 =	vld [tilespmem:$0x4260];
	v10 =	vmul.f32 v58, v57;
	v0 =	vadd.f32 v62, v0  }
0x83f: {  	v11 =	vld [tilespmem:s0+$0x3000]  }
0x840: {  	v15 =	vld [tilespmem:$0x4270];
	v13 =	vmul.f32 v61, v60;
	v0 =	vadd.f32 v10, v0  }
0x841: {  	v14 =	vld [tilespmem:s0+$0x3100]  }
0x842: {  	v18 =	vld [tilespmem:$0x4280];
	v16 =	vmul.f32 v9, v63;
	v0 =	vadd.f32 v13, v0  }
0x843: {  	v17 =	vld [tilespmem:s0+$0x3200]  }
0x844: {  	v21 =	vld [tilespmem:$0x4290];
	v19 =	vmul.f32 v12, v11;
	v0 =	vadd.f32 v16, v0  }
0x845: {  	v20 =	vld [tilespmem:s0+$0x3300]  }
0x846: {  	s14 =	sadd.s32 $0x10, s10;
	v24 =	vld [tilespmem:$0x42A0];
	v22 =	vmul.f32 v15, v14;
	v0 =	vadd.f32 v19, v0  }
0x847: {  	v23 =	vld [tilespmem:s14+$0xFFFFFA00]  }
0x848: {  	v27 =	vld [tilespmem:$0x42B0];
	v25 =	vmul.f32 v18, v17;
	v0 =	vadd.f32 v22, v0  }
0x849: {  	v26 =	vld [tilespmem:s14+$0xFFFFFB00]  }
0x84a: {  	v30 =	vld [tilespmem:$0x42C0];
	v28 =	vmul.f32 v21, v20;
	v0 =	vadd.f32 v25, v0  }
0x84b: {  	v29 =	vld [tilespmem:s14+$0xFFFFFC00]  }
0x84c: {  	v33 =	vld [tilespmem:$0x42D0];
	v31 =	vmul.f32 v24, v23;
	v0 =	vadd.f32 v28, v0  }
0x84d: {  	v32 =	vld [tilespmem:s14+$0xFFFFFD00]  }
0x84e: {  	v36 =	vld [tilespmem:$0x42E0];
	v34 =	vmul.f32 v27, v26;
	v0 =	vadd.f32 v31, v0  }
0x84f: {  	v35 =	vld [tilespmem:s14+$0xFFFFFE00]  }
0x850: {  	v39 =	vld [tilespmem:$0x42F0];
	v37 =	vmul.f32 v30, v29;
	v0 =	vadd.f32 v34, v0  }
0x851: {  	v38 =	vld [tilespmem:s14+$0xFFFFFF00]  }
0x852: {  	v42 =	vld [tilespmem:$0x4300];
	v40 =	vmul.f32 v33, v32;
	v0 =	vadd.f32 v37, v0  }
0x853: {  	v41 =	vld [tilespmem:s14+$0x0]  }
0x854: {  	v45 =	vld [tilespmem:$0x4310];
	v43 =	vmul.f32 v36, v35;
	v0 =	vadd.f32 v40, v0  }
0x855: {  	v44 =	vld [tilespmem:s14+$0x100]  }
0x856: {  	v48 =	vld [tilespmem:$0x4320];
	v46 =	vmul.f32 v39, v38;
	v0 =	vadd.f32 v43, v0  }
0x857: {  	v47 =	vld [tilespmem:s14+$0x200]  }
0x858: {  	v51 =	vld [tilespmem:$0x4330];
	v49 =	vmul.f32 v42, v41;
	v0 =	vadd.f32 v46, v0  }
0x859: {  	v50 =	vld [tilespmem:s14+$0x300]  }
0x85a: {  	v54 =	vld [tilespmem:$0x4340];
	v52 =	vmul.f32 v45, v44;
	v0 =	vadd.f32 v49, v0  }
0x85b: {  	v53 =	vld [tilespmem:s14+$0x400]  }
0x85c: {  	v57 =	vld [tilespmem:$0x4350];
	v55 =	vmul.f32 v48, v47;
	v0 =	vadd.f32 v52, v0  }
0x85d: {  	v56 =	vld [tilespmem:s14+$0x500]  }
0x85e: {  	v60 =	vld [tilespmem:$0x4360];
	v58 =	vmul.f32 v51, v50;
	v0 =	vadd.f32 v55, v0  }
0x85f: {  	v59 =	vld [tilespmem:s14+$0x600]  }
0x860: {  	v61 =	vmul.f32 v54, v53;
	v0 =	vadd.f32 v58, v0;
	_ =	sdelay $0x1  }
0x861: {  	v62 =	vmul.f32 v57, v56;
	v0 =	vadd.f32 v61, v0;
	_ =	sdelay $0x1  }
0x862: {  	v63 =	vmul.f32 v60, v59;
	v0 =	vadd.f32 v62, v0;
	_ =	sdelay $0x1  }
0x863: {  	v0 =	vadd.f32 v63, v0  }
0x864: {  	s15 =	sadd.s32 $0x10, s6;
	s2 =	sshll.u32 s2, $0x5  }
.Ltmp26:
0x865: {  	s16 =	sadd.s32 s2, s8;
	[tilespmem:s15+$0x0] =	vst v0;
	(pc) =	sbr.rel @p0 .LBB2_2-.Ltmp26, $4  }
0x866: {  	[hbm4b:s16+s1] =	stream.linear.scatter [tilespmem:s31], [sflag:$0x2], $0x100, $0x38;
	[tilespmem:$0x4480] =	vst v63  }
0x867: {  	_ =	swait.ge [sflag:s11], $0x100  }
0x868: {  	[sflag:s11] =	ssyncset.done $0x0  }
0x869: {  	p1 =	por $0x0, $0x0;
	s2 =	simm.s32 $0x1;
	[sflag:s11] =	ssyncadd.s32 $0xFFFFFF00  }
0x86a: {  	s2 =	rddreg [dreg:$0x5]  }
0x86b: {  	s0 =	rddreg [dreg:$0x4];
	s2 =	sadd.s32 $0x1, s2  }
0x86c: {  	p0 =	sne.s32 s2, s0  }
.Ltmp27:
0x86d: {  	_ = 	snop;
	(pc) =	sbr.rel @p0 .LBB2_1-.Ltmp27, $1  }
0x86e: {  	_ =	sdelay $0x3  }
0x86f: {  	_ =	sfence.sel $0x180000  }
0x870: {  	[bflag:$0x0] =	sbarrier.arrive $0xFFFF  }
0x871: {  	_ =	strace $0x90000047  }
0x872: {  	s0 =	stileid.u32;
	[bflag:$0x2] =	sbarrier.arrive $0xFFFF  }
0x873: {  	p0 =	sne.s32 s0, $0x0;
	s0 =	rddreg [dreg:$0x2]  }
0x874: {  	s0 =	sadd.s32 @!p0 $0x100000, s0  }
0x875: {  	[sflag:s0] =	ssyncadd.tile.s32 @!p0 $0x1;
	_ =	shalt  }
.Lfunc_end2:
_tile_overlayer_lowered:
.L_overlay_start_2:
0x876: {  	(tag) =	ssettag $0x2  }
0x877: {  	s0 =	rddreg [dreg:$0x0];
	s2 =	stileid.u32  }
0x878: {  	s1 =	rddreg [dreg:$0x1];
	p0 =	sne.s32 s2, $0x0  }
0x879: {  	s3 =	rddreg [dreg:$0x2];
	[bflag:$0x3] =	sbarrier.arrive $0xFFFF;
	s2 =	simm.s32 @!p0 $0x1C02  }
0x87a: {  	[timem:s3], [sflag:s2] =	dma.local @!p0 [hbm:s0], s1  }
0x87b: {  	s0 =	simm.s32 @!p0 $0x2  }
0x87c: {  	_ =	swait.ge @!p0 [sflag:s0], s1  }
0x87d: {  	s1 =	ssub.s32 @!p0 $0x0, s1;
	[sflag:s0] =	ssyncset.done @!p0 $0x0  }
0x87e: {  	[sflag:s0] =	ssyncadd.s32 @!p0 s1  }
0x87f: {  	[bflag:$0x3] =	sbarrier.arrive $0xFFFF  }
0x880: {  	_ =	shalt  }

</sc_bundles>
